<compile_context>
chip_gen: v7x
topology: tpu7x:2x2x1
jax: 0.10.2.dev20260603
libtpu: 0.0.44.dev20260713+nightly
codegen_flags: <defaults>
</compile_context>

<pallas_src>
import jax
import jax.numpy as jnp
from jax import lax
from jax.experimental import pallas as pl
from jax.experimental.pallas import tpu as pltpu
from jax.experimental.pallas import tpu_sc as plsc

N = 10000
D = 128
H = D // 2
G = 64
A = 8

NC = 2
NS = 16
C = 128
NCH = 160
EPS = C * NCH
EP = NS * EPS
N_ACC = 10240
ZROWS = N_ACC // NS

RB = 1000
NB = N // RB


def _make_agg(with_cnt):
  mesh = plsc.VectorSubcoreMesh(core_axis_name="c", subcore_axis_name="s")
  out_type = [jax.ShapeDtypeStruct((NC, N_ACC, H), jnp.float32)]
  R = 4
  DR = R // 2
  scratch = [
      pltpu.VMEM((NCH, C), jnp.int32),
      pltpu.VMEM((NCH, C), jnp.int32),
      pltpu.VMEM((R, C, H), jnp.float32),
      pltpu.VMEM_SHARED((N_ACC, H), jnp.float32),
      [pltpu.SemaphoreType.DMA] * R,
      [pltpu.SemaphoreType.DMA] * R,
  ]
  if with_cnt:
    out_type.append(jax.ShapeDtypeStruct((NS, N_ACC), jnp.float32))
    scratch += [
        pltpu.VMEM((N_ACC,), jnp.float32),
    ]

  def body(h2_hbm, src_hbm, dst_hbm, zf_hbm, *rest):
    if with_cnt:
      (zc_hbm, out_hbm, cnt_hbm,
       src_v, dst_v, ring, acc, gsem, ssem, cnt_t) = rest
    else:
      (out_hbm, src_v, dst_v, ring, acc, gsem, ssem) = rest
    c = lax.axis_index("c")
    s = lax.axis_index("s")

    pltpu.sync_copy(src_hbm.at[c, s], src_v)
    pltpu.sync_copy(dst_hbm.at[s], dst_v)
    pltpu.sync_copy(zf_hbm, acc.at[pl.ds(s * ZROWS, ZROWS)])
    if with_cnt:
      pltpu.sync_copy(zc_hbm, cnt_t)
    plsc.subcore_barrier()

    def gather_start(slot, j):
      pltpu.async_copy(h2_hbm.at[src_v.at[j]], ring.at[slot], gsem[slot])

    def gather_wait(slot, j):
      pltpu.make_async_copy(h2_hbm.at[src_v.at[j]], ring.at[slot],
                            gsem[slot]).wait()

    def scatter_start(slot, j):
      pltpu.async_copy(ring.at[slot], acc.at[dst_v.at[j]], ssem[slot],
                       add=True)

    def scatter_wait(slot, j):
      pltpu.make_async_copy(ring.at[slot], acc.at[dst_v.at[j]],
                            ssem[slot]).wait()

    ones16 = jnp.ones((16,), jnp.float32)

    for b in range(R):
      gather_start(b, b)

    @pl.loop(0, NCH, step=R)
    def _(j):
      for b in range(R):
        jj = j + b
        gather_wait(b, jj)
        scatter_start(b, jj)
        if with_cnt:
          for k in range(C // 16):
            plsc.addupdate_scatter(
                cnt_t, [dst_v[jj, pl.ds(k * 16, 16)]], ones16)
        pj = jj - DR
        q = (b + DR) % R

        @pl.when(pj >= 0)
        def _():
          scatter_wait(q, pj)

          @pl.when(pj + R < NCH)
          def _():
            gather_start(q, pj + R)

    for t in range(NCH - DR, NCH):
      scatter_wait(t % R, t)
    plsc.subcore_barrier()
    pltpu.sync_copy(acc.at[pl.ds(s * ZROWS, ZROWS)],
                    out_hbm.at[c, pl.ds(s * ZROWS, ZROWS)])
    if with_cnt:

      @pl.when(c == 0)
      def _():
        pltpu.sync_copy(cnt_t, cnt_hbm.at[s])

  return pl.kernel(body, out_type=out_type, mesh=mesh, scratch_types=scratch,
                   compiler_params=pltpu.CompilerParams(
                       use_tc_tiling_on_sc=False,
                       needs_layout_passes=False))


_agg_cnt = _make_agg(True)
_agg = _make_agg(False)


def _mm(a, b):
  return jnp.dot(a, b, preferred_element_type=jnp.float32)


def _dense_body(ap, cnt, hp, wlr, bl, o):
  cv = jnp.maximum(jnp.sum(cnt[...][0], axis=0), 1.0)[:, None]
  a = ap[...] / cv[None]
  z = jnp.concatenate([a[0], a[1], hp[...][0], hp[...][1]], axis=1)
  y = jnp.maximum(_mm(z, wlr[...]) + bl[...], 0.0)
  o[0] = y[:, :H]
  o[1] = y[:, H:]


_dense = pl.pallas_call(
    _dense_body,
    grid=(NB,),
    in_specs=[
        pl.BlockSpec((NC, RB, H), lambda i: (0, i, 0)),
        pl.BlockSpec((1, NS, RB), lambda i: (i, 0, 0)),
        pl.BlockSpec((NC, RB, H), lambda i: (0, i, 0)),
        pl.BlockSpec((2 * D, D), lambda i: (0, 0)),
        pl.BlockSpec((1, D), lambda i: (0, 0)),
    ],
    out_specs=pl.BlockSpec((NC, RB, H), lambda i: (0, i, 0)),
    out_shape=jax.ShapeDtypeStruct((NC, N, H), jnp.float32),
)


def _final_body(ap, cnt, hp, bt, wlr, bl, wlin, blin, o, s_acc):
  i = pl.program_id(0)

  @pl.when(i == 0)
  def _():
    s_acc[...] = jnp.zeros_like(s_acc)

  cv = jnp.maximum(jnp.sum(cnt[...][0], axis=0), 1.0)[:, None]
  a = ap[...] / cv[None]
  z = jnp.concatenate([a[0], a[1], hp[...][0], hp[...][1]], axis=1)
  h3 = jnp.maximum(_mm(z, wlr[...]) + bl[...], 0.0)
  p = jnp.tanh(_mm(h3, wlin[...]) + blin[...])
  onehot = (bt[...] == lax.broadcasted_iota(jnp.int32, (RB, G), 1)
            ).astype(jnp.float32)
  dn = (((0,), (0,)), ((), ()))
  pc = jnp.concatenate([p, jnp.ones((RB, 1), jnp.float32)], axis=1)
  s_acc[...] += lax.dot_general(onehot, pc, dn,
                                preferred_element_type=jnp.float32)

  @pl.when(i == NB - 1)
  def _():
    o[...] = s_acc[:, :A] / jnp.maximum(s_acc[:, A:], 1.0)


_final = pl.pallas_call(
    _final_body,
    grid=(NB,),
    in_specs=[
        pl.BlockSpec((NC, RB, H), lambda i: (0, i, 0)),
        pl.BlockSpec((1, NS, RB), lambda i: (i, 0, 0)),
        pl.BlockSpec((NC, RB, H), lambda i: (0, i, 0)),
        pl.BlockSpec((RB, 1), lambda i: (i, 0)),
        pl.BlockSpec((2 * D, D), lambda i: (0, 0)),
        pl.BlockSpec((1, D), lambda i: (0, 0)),
        pl.BlockSpec((D, A), lambda i: (0, 0)),
        pl.BlockSpec((1, A), lambda i: (0, 0)),
    ],
    out_specs=pl.BlockSpec((G, A), lambda i: (0, 0)),
    out_shape=jax.ShapeDtypeStruct((G, A), jnp.float32),
    scratch_shapes=[
        pltpu.VMEM((G, A + 1), jnp.float32),
    ],
)


def kernel(x, edge_index, batch, W1l, b1l, W1r, W2l, b2l, W2r,
           W3l, b3l, W3r, Wlin, blin):
  src = edge_index[0]
  dst = edge_index[1]
  pad = EP - src.shape[0]
  src_p = jnp.concatenate([src, jnp.zeros((pad,), jnp.int32)])
  srcr = jnp.stack([src_p, src_p + N]).reshape(NC, NS, NCH, C)
  dstr = jnp.concatenate([dst, jnp.full((pad,), N, jnp.int32)]).reshape(
      NS, NCH, C)
  zf = jnp.zeros((ZROWS, H), jnp.float32)
  zc = jnp.zeros((N_ACC,), jnp.float32)
  bt = batch.reshape(N, 1)

  xs = jnp.stack([x[:, :H], x[:, H:]])

  w1 = jnp.concatenate([W1l.T, W1r.T], axis=0)
  w2 = jnp.concatenate([W2l.T, W2r.T], axis=0)
  w3 = jnp.concatenate([W3l.T, W3r.T], axis=0)

  a1p, cp = _agg_cnt(xs.reshape(NC * N, H), srcr, dstr, zf, zc)
  cnt = cp[:, :N].reshape(NS, NB, RB).transpose(1, 0, 2)
  h1 = _dense(a1p, cnt, xs, w1, b1l.reshape(1, D))
  a2p, = _agg(h1.reshape(NC * N, H), srcr, dstr, zf)
  h2 = _dense(a2p, cnt, h1, w2, b2l.reshape(1, D))
  a3p, = _agg(h2.reshape(NC * N, H), srcr, dstr, zf)
  return _final(a3p, cnt, h2, bt, w3, b3l.reshape(1, D),
                Wlin.T, blin.reshape(1, A))

# --- scband reference (transcript-rebuilt; emitter-appended) ---
"""Pipeline reference for scband-graph-sagepolicy-18081812316678 (READ-ONLY COPY).

The authoritative reference and input builder live on the scoring server;
editing this copy changes nothing except your own understanding.
"""

import jax, jax.numpy as jnp
import numpy as np

N = 10000
E = 320000
D = 128
A = 8
G = 64


def setup_inputs(seed: int = 0) -> dict:
    key = jax.random.key(seed)
    ks = jax.random.split(key, 16)
    x = jax.random.normal(ks[0], (N, D), dtype=jnp.float32)
    edge_index = jax.random.randint(ks[1], (2, E), 0, N, dtype=jnp.int32)
    batch = jnp.sort(jax.random.randint(ks[2], (N,), 0, G, dtype=jnp.int32))
    s = 0.05
    W1l = jax.random.normal(ks[3], (128, D), dtype=jnp.float32) * s
    b1l = jnp.zeros((128,), dtype=jnp.float32)
    W1r = jax.random.normal(ks[4], (128, D), dtype=jnp.float32) * s
    W2l = jax.random.normal(ks[5], (128, 128), dtype=jnp.float32) * s
    b2l = jnp.zeros((128,), dtype=jnp.float32)
    W2r = jax.random.normal(ks[6], (128, 128), dtype=jnp.float32) * s
    W3l = jax.random.normal(ks[7], (128, 128), dtype=jnp.float32) * s
    b3l = jnp.zeros((128,), dtype=jnp.float32)
    W3r = jax.random.normal(ks[8], (128, 128), dtype=jnp.float32) * s
    Wlin = jax.random.normal(ks[9], (A, 128), dtype=jnp.float32) * s
    blin = jnp.zeros((A,), dtype=jnp.float32)
    return {"x": x, "edge_index": edge_index, "batch": batch,
            "W1l": W1l, "b1l": b1l, "W1r": W1r,
            "W2l": W2l, "b2l": b2l, "W2r": W2r,
            "W3l": W3l, "b3l": b3l, "W3r": W3r,
            "Wlin": Wlin, "blin": blin}


def _sage_conv(x, edge_index, Wl, bl, Wr):
    # PyG SAGEConv: out = lin_l(mean_{j in N(i)} x_j) + lin_r(x_i)
    src = edge_index[0]
    dst = edge_index[1]
    msg = jnp.take(x, src, axis=0)
    agg_sum = jax.ops.segment_sum(msg, dst, num_segments=N)
    cnt = jax.ops.segment_sum(jnp.ones((msg.shape[0], 1), dtype=x.dtype), dst, num_segments=N)
    agg_mean = agg_sum / jnp.maximum(cnt, 1.0)
    return agg_mean @ Wl.T + bl + x @ Wr.T


def reference(x, edge_index, batch, W1l, b1l, W1r, W2l, b2l, W2r, W3l, b3l, W3r, Wlin, blin):
    h = jax.nn.relu(_sage_conv(x, edge_index, W1l, b1l, W1r))
    h = jax.nn.relu(_sage_conv(h, edge_index, W2l, b2l, W2r))
    h = jax.nn.relu(_sage_conv(h, edge_index, W3l, b3l, W3r))
    h = h @ Wlin.T + blin
    h = jnp.tanh(h)
    # global_mean_pool over batch ids
    pooled_sum = jax.ops.segment_sum(h, batch, num_segments=G)
    pooled_cnt = jax.ops.segment_sum(jnp.ones((N, 1), dtype=h.dtype), batch, num_segments=G)
    return pooled_sum / jnp.maximum(pooled_cnt, 1.0)

if __name__ == "__main__":
    import jax
    _d = setup_inputs()
    print(jax.jit(kernel)(*tuple(_d.values())))

</pallas_src>

<mosaic_0001>
#map = affine_map<(d0, d1) -> (0, 0)>
#map1 = affine_map<(d0, d1) -> (0, 0, 0, 0)>
#map2 = affine_map<(d0, d1) -> (0, 0, 0)>
module attributes {stable_mosaic.version = 14 : i64} {
  func.func @body(%arg0: i32, %arg1: i32, %arg2: memref<20000x64xf32, #tpu.memory_space<hbm>>, %arg3: memref<2x16x160x128xi32, #tpu.memory_space<hbm>>, %arg4: memref<16x160x128xi32, #tpu.memory_space<hbm>>, %arg5: memref<640x64xf32, #tpu.memory_space<hbm>>, %arg6: memref<2x10240x64xf32, #tpu.memory_space<hbm>>, %arg7: memref<160x128xi32, #tpu.memory_space<vmem>>, %arg8: memref<160x128xi32, #tpu.memory_space<vmem>>, %arg9: memref<4x128x64xf32, #tpu.memory_space<vmem>>, %arg10: memref<10240x64xf32, #tpu.memory_space<vmem_shared>>, %arg11: memref<!tpu.dma_semaphore, #tpu.memory_space<semaphore_mem>>, %arg12: memref<!tpu.dma_semaphore, #tpu.memory_space<semaphore_mem>>, %arg13: memref<!tpu.dma_semaphore, #tpu.memory_space<semaphore_mem>>, %arg14: memref<!tpu.dma_semaphore, #tpu.memory_space<semaphore_mem>>, %arg15: memref<!tpu.dma_semaphore, #tpu.memory_space<semaphore_mem>>, %arg16: memref<!tpu.dma_semaphore, #tpu.memory_space<semaphore_mem>>, %arg17: memref<!tpu.dma_semaphore, #tpu.memory_space<semaphore_mem>>, %arg18: memref<!tpu.dma_semaphore, #tpu.memory_space<semaphore_mem>>) attributes {dimension_semantics = [#tpu.dimension_semantics<core_parallel>, #tpu.dimension_semantics<subcore_parallel>], iteration_bounds = array<i64: 2, 16>, scalar_prefetch = 0 : i64, scratch_operands = 12 : i64, tpu.core_type = #tpu.core_type<sc_vector_subcore>, window_params = [{transform_indices = #map}, {transform_indices = #map1}, {transform_indices = #map2}, {transform_indices = #map}, {transform_indices = #map2}]} {
    "tpu.region"() ({
      %run_scoped3A = tpu.sem_alloc : memref<!tpu.dma_semaphore, #tpu.memory_space<semaphore_mem>>
      %dma_start3A_81 = arith.constant 0 : i32
      %dma_start3A_82 = arith.constant 0 : i32
      %dma_start3A_83 = tpu.memref_slice %arg3[%arg0, %arg1, %dma_start3A_81, %dma_start3A_82] : memref<2x16x160x128xi32, #tpu.memory_space<hbm>> -> memref<1x1x160x128xi32, #tpu.memory_space<hbm>>
      %dma_start3A_84 = tpu.memref_squeeze %dma_start3A_83 : memref<1x1x160x128xi32, #tpu.memory_space<hbm>> -> memref<160x128xi32, #tpu.memory_space<hbm>>
      %dma_start3A_85 = arith.constant 0 : i32
      %dma_start3A_86 = arith.constant 0 : i32
      %dma_start3A_87 = tpu.memref_slice %arg3[%arg0, %arg1, %dma_start3A_85, %dma_start3A_86] : memref<2x16x160x128xi32, #tpu.memory_space<hbm>> -> memref<1x1x160x128xi32, #tpu.memory_space<hbm>>
      %dma_start3A_88 = tpu.memref_squeeze %dma_start3A_87 : memref<1x1x160x128xi32, #tpu.memory_space<hbm>> -> memref<160x128xi32, #tpu.memory_space<hbm>>
      tpu.enqueue_dma source(%dma_start3A_88 : memref<160x128xi32, #tpu.memory_space<hbm>>) target(%arg7 : memref<160x128xi32, #tpu.memory_space<vmem>>) target_semaphore(%run_scoped3A : memref<!tpu.dma_semaphore, #tpu.memory_space<semaphore_mem>>)
      %dma_wait3A_89 = arith.constant 0 : i32
      %dma_wait3A_90 = arith.constant 0 : i32
      %dma_wait3A_91 = tpu.memref_slice %arg3[%arg0, %arg1, %dma_wait3A_89, %dma_wait3A_90] : memref<2x16x160x128xi32, #tpu.memory_space<hbm>> -> memref<1x1x160x128xi32, #tpu.memory_space<hbm>>
      %dma_wait3A_92 = tpu.memref_squeeze %dma_wait3A_91 : memref<1x1x160x128xi32, #tpu.memory_space<hbm>> -> memref<160x128xi32, #tpu.memory_space<hbm>>
      %dma_wait3A_93 = arith.constant 0 : i32
      %dma_wait3A_94 = arith.constant 0 : i32
      %dma_wait3A_95 = tpu.memref_slice %arg3[%arg0, %arg1, %dma_wait3A_93, %dma_wait3A_94] : memref<2x16x160x128xi32, #tpu.memory_space<hbm>> -> memref<1x1x160x128xi32, #tpu.memory_space<hbm>>
      %dma_wait3A_96 = tpu.memref_squeeze %dma_wait3A_95 : memref<1x1x160x128xi32, #tpu.memory_space<hbm>> -> memref<160x128xi32, #tpu.memory_space<hbm>>
      tpu.wait_dma2 semaphore(%run_scoped3A : memref<!tpu.dma_semaphore, #tpu.memory_space<semaphore_mem>>) src(%dma_wait3A_96 : memref<160x128xi32, #tpu.memory_space<hbm>>) dst(%arg7 : memref<160x128xi32, #tpu.memory_space<vmem>>)
      tpu.yield
    }) : () -> ()
    "tpu.region"() ({
      %run_scoped3A = tpu.sem_alloc : memref<!tpu.dma_semaphore, #tpu.memory_space<semaphore_mem>>
      %dma_start3A_81 = arith.constant 0 : i32
      %dma_start3A_82 = arith.constant 0 : i32
      %dma_start3A_83 = tpu.memref_slice %arg4[%arg1, %dma_start3A_81, %dma_start3A_82] : memref<16x160x128xi32, #tpu.memory_space<hbm>> -> memref<1x160x128xi32, #tpu.memory_space<hbm>>
      %dma_start3A_84 = tpu.memref_squeeze %dma_start3A_83 : memref<1x160x128xi32, #tpu.memory_space<hbm>> -> memref<160x128xi32, #tpu.memory_space<hbm>>
      %dma_start3A_85 = arith.constant 0 : i32
      %dma_start3A_86 = arith.constant 0 : i32
      %dma_start3A_87 = tpu.memref_slice %arg4[%arg1, %dma_start3A_85, %dma_start3A_86] : memref<16x160x128xi32, #tpu.memory_space<hbm>> -> memref<1x160x128xi32, #tpu.memory_space<hbm>>
      %dma_start3A_88 = tpu.memref_squeeze %dma_start3A_87 : memref<1x160x128xi32, #tpu.memory_space<hbm>> -> memref<160x128xi32, #tpu.memory_space<hbm>>
      tpu.enqueue_dma source(%dma_start3A_88 : memref<160x128xi32, #tpu.memory_space<hbm>>) target(%arg8 : memref<160x128xi32, #tpu.memory_space<vmem>>) target_semaphore(%run_scoped3A : memref<!tpu.dma_semaphore, #tpu.memory_space<semaphore_mem>>)
      %dma_wait3A_89 = arith.constant 0 : i32
      %dma_wait3A_90 = arith.constant 0 : i32
      %dma_wait3A_91 = tpu.memref_slice %arg4[%arg1, %dma_wait3A_89, %dma_wait3A_90] : memref<16x160x128xi32, #tpu.memory_space<hbm>> -> memref<1x160x128xi32, #tpu.memory_space<hbm>>
      %dma_wait3A_92 = tpu.memref_squeeze %dma_wait3A_91 : memref<1x160x128xi32, #tpu.memory_space<hbm>> -> memref<160x128xi32, #tpu.memory_space<hbm>>
      %dma_wait3A_93 = arith.constant 0 : i32
      %dma_wait3A_94 = arith.constant 0 : i32
      %dma_wait3A_95 = tpu.memref_slice %arg4[%arg1, %dma_wait3A_93, %dma_wait3A_94] : memref<16x160x128xi32, #tpu.memory_space<hbm>> -> memref<1x160x128xi32, #tpu.memory_space<hbm>>
      %dma_wait3A_96 = tpu.memref_squeeze %dma_wait3A_95 : memref<1x160x128xi32, #tpu.memory_space<hbm>> -> memref<160x128xi32, #tpu.memory_space<hbm>>
      tpu.wait_dma2 semaphore(%run_scoped3A : memref<!tpu.dma_semaphore, #tpu.memory_space<semaphore_mem>>) src(%dma_wait3A_96 : memref<160x128xi32, #tpu.memory_space<hbm>>) dst(%arg8 : memref<160x128xi32, #tpu.memory_space<vmem>>)
      tpu.yield
    }) : () -> ()
    %mul3A = arith.constant 640 : i32
    %mul3A_0 = arith.muli %arg1, %mul3A : i32
    "tpu.region"() ({
      %run_scoped3A = tpu.sem_alloc : memref<!tpu.dma_semaphore, #tpu.memory_space<semaphore_mem>>
      %dma_start3A_81 = arith.constant 0 : i32
      %dma_start3A_82 = tpu.memref_slice %arg10[%mul3A_0, %dma_start3A_81] : memref<10240x64xf32, #tpu.memory_space<vmem_shared>> -> memref<640x64xf32, #tpu.memory_space<vmem_shared>>
      tpu.enqueue_dma source(%arg5 : memref<640x64xf32, #tpu.memory_space<hbm>>) target(%dma_start3A_82 : memref<640x64xf32, #tpu.memory_space<vmem_shared>>) target_semaphore(%run_scoped3A : memref<!tpu.dma_semaphore, #tpu.memory_space<semaphore_mem>>)
      %dma_wait3A_83 = arith.constant 0 : i32
      %dma_wait3A_84 = tpu.memref_slice %arg10[%mul3A_0, %dma_wait3A_83] : memref<10240x64xf32, #tpu.memory_space<vmem_shared>> -> memref<640x64xf32, #tpu.memory_space<vmem_shared>>
      tpu.wait_dma2 semaphore(%run_scoped3A : memref<!tpu.dma_semaphore, #tpu.memory_space<semaphore_mem>>) src(%arg5 : memref<640x64xf32, #tpu.memory_space<hbm>>) dst(%dma_wait3A_84 : memref<640x64xf32, #tpu.memory_space<vmem_shared>>)
      tpu.yield
    }) : () -> ()
    %barrier3A = arith.constant 0 : index
    tpu.barrier barrier_id(%barrier3A)
    %broadcast_in_dim3A = arith.constant 1.000000e+00 : f32
    %broadcast_in_dim3A_1 = vector.broadcast %broadcast_in_dim3A : f32 to vector<16xf32>
    %dma_start3A = arith.constant 0 : i32
    %dma_start3A_2 = arith.constant 0 : i32
    %dma_start3A_3 = arith.constant 0 : i32
    %dma_start3A_4 = arith.constant 0 : i32
    %dma_start3A_5 = tpu.memref_slice %arg9[%dma_start3A_2, %dma_start3A_3, %dma_start3A_4] : memref<4x128x64xf32, #tpu.memory_space<vmem>> -> memref<1x128x64xf32, #tpu.memory_space<vmem>>
    %dma_start3A_6 = tpu.memref_squeeze %dma_start3A_5 : memref<1x128x64xf32, #tpu.memory_space<vmem>> -> memref<128x64xf32, #tpu.memory_space<vmem>>
    %dma_start3A_7 = arith.constant 0 : i32
    %dma_start3A_8 = tpu.memref_slice %arg7[%dma_start3A, %dma_start3A_7] : memref<160x128xi32, #tpu.memory_space<vmem>> -> memref<1x128xi32, #tpu.memory_space<vmem>>
    %dma_start3A_9 = tpu.memref_squeeze %dma_start3A_8 : memref<1x128xi32, #tpu.memory_space<vmem>> -> memref<128xi32, #tpu.memory_space<vmem>>
    %dma_start3A_10 = arith.constant 0 : i32
    %dma_start3A_11 = arith.constant 0 : i32
    %dma_start3A_12 = tpu.memref_slice %arg2[%dma_start3A_10, %dma_start3A_11] : memref<20000x64xf32, #tpu.memory_space<hbm>> -> memref<20000x64xf32, #tpu.memory_space<hbm>>
    tpu.enqueue_indirect_dma source(%dma_start3A_12 : memref<20000x64xf32, #tpu.memory_space<hbm>>) target(%dma_start3A_6 : memref<128x64xf32, #tpu.memory_space<vmem>>) offsets(%dma_start3A_9 : memref<128xi32, #tpu.memory_space<vmem>>) semaphore(%arg11 : memref<!tpu.dma_semaphore, #tpu.memory_space<semaphore_mem>>)
    %dma_start3A_13 = arith.constant 1 : i32
    %dma_start3A_14 = arith.constant 1 : i32
    %dma_start3A_15 = arith.constant 0 : i32
    %dma_start3A_16 = arith.constant 0 : i32
    %dma_start3A_17 = tpu.memref_slice %arg9[%dma_start3A_14, %dma_start3A_15, %dma_start3A_16] : memref<4x128x64xf32, #tpu.memory_space<vmem>> -> memref<1x128x64xf32, #tpu.memory_space<vmem>>
    %dma_start3A_18 = tpu.memref_squeeze %dma_start3A_17 : memref<1x128x64xf32, #tpu.memory_space<vmem>> -> memref<128x64xf32, #tpu.memory_space<vmem>>
    %dma_start3A_19 = arith.constant 0 : i32
    %dma_start3A_20 = tpu.memref_slice %arg7[%dma_start3A_13, %dma_start3A_19] : memref<160x128xi32, #tpu.memory_space<vmem>> -> memref<1x128xi32, #tpu.memory_space<vmem>>
    %dma_start3A_21 = tpu.memref_squeeze %dma_start3A_20 : memref<1x128xi32, #tpu.memory_space<vmem>> -> memref<128xi32, #tpu.memory_space<vmem>>
    %dma_start3A_22 = arith.constant 0 : i32
    %dma_start3A_23 = arith.constant 0 : i32
    %dma_start3A_24 = tpu.memref_slice %arg2[%dma_start3A_22, %dma_start3A_23] : memref<20000x64xf32, #tpu.memory_space<hbm>> -> memref<20000x64xf32, #tpu.memory_space<hbm>>
    tpu.enqueue_indirect_dma source(%dma_start3A_24 : memref<20000x64xf32, #tpu.memory_space<hbm>>) target(%dma_start3A_18 : memref<128x64xf32, #tpu.memory_space<vmem>>) offsets(%dma_start3A_21 : memref<128xi32, #tpu.memory_space<vmem>>) semaphore(%arg12 : memref<!tpu.dma_semaphore, #tpu.memory_space<semaphore_mem>>)
    %dma_start3A_25 = arith.constant 2 : i32
    %dma_start3A_26 = arith.constant 2 : i32
    %dma_start3A_27 = arith.constant 0 : i32
    %dma_start3A_28 = arith.constant 0 : i32
    %dma_start3A_29 = tpu.memref_slice %arg9[%dma_start3A_26, %dma_start3A_27, %dma_start3A_28] : memref<4x128x64xf32, #tpu.memory_space<vmem>> -> memref<1x128x64xf32, #tpu.memory_space<vmem>>
    %dma_start3A_30 = tpu.memref_squeeze %dma_start3A_29 : memref<1x128x64xf32, #tpu.memory_space<vmem>> -> memref<128x64xf32, #tpu.memory_space<vmem>>
    %dma_start3A_31 = arith.constant 0 : i32
    %dma_start3A_32 = tpu.memref_slice %arg7[%dma_start3A_25, %dma_start3A_31] : memref<160x128xi32, #tpu.memory_space<vmem>> -> memref<1x128xi32, #tpu.memory_space<vmem>>
    %dma_start3A_33 = tpu.memref_squeeze %dma_start3A_32 : memref<1x128xi32, #tpu.memory_space<vmem>> -> memref<128xi32, #tpu.memory_space<vmem>>
    %dma_start3A_34 = arith.constant 0 : i32
    %dma_start3A_35 = arith.constant 0 : i32
    %dma_start3A_36 = tpu.memref_slice %arg2[%dma_start3A_34, %dma_start3A_35] : memref<20000x64xf32, #tpu.memory_space<hbm>> -> memref<20000x64xf32, #tpu.memory_space<hbm>>
    tpu.enqueue_indirect_dma source(%dma_start3A_36 : memref<20000x64xf32, #tpu.memory_space<hbm>>) target(%dma_start3A_30 : memref<128x64xf32, #tpu.memory_space<vmem>>) offsets(%dma_start3A_33 : memref<128xi32, #tpu.memory_space<vmem>>) semaphore(%arg13 : memref<!tpu.dma_semaphore, #tpu.memory_space<semaphore_mem>>)
    %dma_start3A_37 = arith.constant 3 : i32
    %dma_start3A_38 = arith.constant 3 : i32
    %dma_start3A_39 = arith.constant 0 : i32
    %dma_start3A_40 = arith.constant 0 : i32
    %dma_start3A_41 = tpu.memref_slice %arg9[%dma_start3A_38, %dma_start3A_39, %dma_start3A_40] : memref<4x128x64xf32, #tpu.memory_space<vmem>> -> memref<1x128x64xf32, #tpu.memory_space<vmem>>
    %dma_start3A_42 = tpu.memref_squeeze %dma_start3A_41 : memref<1x128x64xf32, #tpu.memory_space<vmem>> -> memref<128x64xf32, #tpu.memory_space<vmem>>
    %dma_start3A_43 = arith.constant 0 : i32
    %dma_start3A_44 = tpu.memref_slice %arg7[%dma_start3A_37, %dma_start3A_43] : memref<160x128xi32, #tpu.memory_space<vmem>> -> memref<1x128xi32, #tpu.memory_space<vmem>>
    %dma_start3A_45 = tpu.memref_squeeze %dma_start3A_44 : memref<1x128xi32, #tpu.memory_space<vmem>> -> memref<128xi32, #tpu.memory_space<vmem>>
    %dma_start3A_46 = arith.constant 0 : i32
    %dma_start3A_47 = arith.constant 0 : i32
    %dma_start3A_48 = tpu.memref_slice %arg2[%dma_start3A_46, %dma_start3A_47] : memref<20000x64xf32, #tpu.memory_space<hbm>> -> memref<20000x64xf32, #tpu.memory_space<hbm>>
    tpu.enqueue_indirect_dma source(%dma_start3A_48 : memref<20000x64xf32, #tpu.memory_space<hbm>>) target(%dma_start3A_42 : memref<128x64xf32, #tpu.memory_space<vmem>>) offsets(%dma_start3A_45 : memref<128xi32, #tpu.memory_space<vmem>>) semaphore(%arg14 : memref<!tpu.dma_semaphore, #tpu.memory_space<semaphore_mem>>)
    %scan3A = arith.constant 0 : i32
    %scan3A_49 = arith.constant 40 : i32
    %scan3A_50 = arith.addi %scan3A, %scan3A_49 : i32
    %scan3A_51 = arith.constant 1 : i32
    scf.for %scan3A_81 = %scan3A to %scan3A_50 step %scan3A_51  : i32 {
      %mul3A_82 = arith.constant 4 : i32
      %mul3A_83 = arith.muli %scan3A_81, %mul3A_82 : i32
      %add3A = arith.constant 0 : i32
      %add3A_84 = arith.addi %add3A, %mul3A_83 : i32
      %add3A_85 = arith.constant 0 : i32
      %add3A_86 = arith.addi %add3A_84, %add3A_85 : i32
      %dma_wait3A_87 = arith.constant 0 : i32
      %dma_wait3A_88 = arith.constant 0 : i32
      %dma_wait3A_89 = arith.constant 0 : i32
      %dma_wait3A_90 = tpu.memref_slice %arg9[%dma_wait3A_87, %dma_wait3A_88, %dma_wait3A_89] : memref<4x128x64xf32, #tpu.memory_space<vmem>> -> memref<1x128x64xf32, #tpu.memory_space<vmem>>
      %dma_wait3A_91 = tpu.memref_squeeze %dma_wait3A_90 : memref<1x128x64xf32, #tpu.memory_space<vmem>> -> memref<128x64xf32, #tpu.memory_space<vmem>>
      %dma_wait3A_92 = arith.constant 0 : i32
      %dma_wait3A_93 = tpu.memref_slice %arg7[%add3A_86, %dma_wait3A_92] : memref<160x128xi32, #tpu.memory_space<vmem>> -> memref<1x128xi32, #tpu.memory_space<vmem>>
      %dma_wait3A_94 = tpu.memref_squeeze %dma_wait3A_93 : memref<1x128xi32, #tpu.memory_space<vmem>> -> memref<128xi32, #tpu.memory_space<vmem>>
      %dma_wait3A_95 = arith.constant 0 : i32
      %dma_wait3A_96 = arith.constant 0 : i32
      %dma_wait3A_97 = tpu.memref_slice %arg2[%dma_wait3A_95, %dma_wait3A_96] : memref<20000x64xf32, #tpu.memory_space<hbm>> -> memref<20000x64xf32, #tpu.memory_space<hbm>>
      tpu.wait_indirect_dma semaphore(%arg11 : memref<!tpu.dma_semaphore, #tpu.memory_space<semaphore_mem>>) src(%dma_wait3A_97 : memref<20000x64xf32, #tpu.memory_space<hbm>>) dst(%dma_wait3A_91 : memref<128x64xf32, #tpu.memory_space<vmem>>)
      %dma_start3A_98 = arith.constant 0 : i32
      %dma_start3A_99 = arith.constant 0 : i32
      %dma_start3A_100 = arith.constant 0 : i32
      %dma_start3A_101 = tpu.memref_slice %arg9[%dma_start3A_98, %dma_start3A_99, %dma_start3A_100] : memref<4x128x64xf32, #tpu.memory_space<vmem>> -> memref<1x128x64xf32, #tpu.memory_space<vmem>>
      %dma_start3A_102 = tpu.memref_squeeze %dma_start3A_101 : memref<1x128x64xf32, #tpu.memory_space<vmem>> -> memref<128x64xf32, #tpu.memory_space<vmem>>
      %dma_start3A_103 = arith.constant 0 : i32
      %dma_start3A_104 = tpu.memref_slice %arg8[%add3A_86, %dma_start3A_103] : memref<160x128xi32, #tpu.memory_space<vmem>> -> memref<1x128xi32, #tpu.memory_space<vmem>>
      %dma_start3A_105 = tpu.memref_squeeze %dma_start3A_104 : memref<1x128xi32, #tpu.memory_space<vmem>> -> memref<128xi32, #tpu.memory_space<vmem>>
      %dma_start3A_106 = arith.constant 0 : i32
      %dma_start3A_107 = arith.constant 0 : i32
      %dma_start3A_108 = tpu.memref_slice %arg10[%dma_start3A_106, %dma_start3A_107] : memref<10240x64xf32, #tpu.memory_space<vmem_shared>> -> memref<10240x64xf32, #tpu.memory_space<vmem_shared>>
      tpu.enqueue_indirect_dma source(%dma_start3A_102 : memref<128x64xf32, #tpu.memory_space<vmem>>) target(%dma_start3A_108 : memref<10240x64xf32, #tpu.memory_space<vmem_shared>>) offsets(%dma_start3A_105 : memref<128xi32, #tpu.memory_space<vmem>>) semaphore(%arg15 : memref<!tpu.dma_semaphore, #tpu.memory_space<semaphore_mem>>) {add = true}
      %sub3A = arith.constant 2 : i32
      %sub3A_109 = arith.subi %add3A_86, %sub3A : i32
      %ge3A = arith.constant 0 : i32
      %ge3A_110 = arith.cmpi sge, %sub3A_109, %ge3A : i32
      %convert_element_type3A = arith.extui %ge3A_110 : i1 to i32
      %cond3A = arith.constant 0 : i32
      %cond3A_111 = arith.cmpi ne, %convert_element_type3A, %cond3A : i32
      scf.if %cond3A_111 {
        %dma_wait3A_205 = arith.constant 2 : i32
        %dma_wait3A_206 = arith.constant 0 : i32
        %dma_wait3A_207 = arith.constant 0 : i32
        %dma_wait3A_208 = tpu.memref_slice %arg9[%dma_wait3A_205, %dma_wait3A_206, %dma_wait3A_207] : memref<4x128x64xf32, #tpu.memory_space<vmem>> -> memref<1x128x64xf32, #tpu.memory_space<vmem>>
        %dma_wait3A_209 = tpu.memref_squeeze %dma_wait3A_208 : memref<1x128x64xf32, #tpu.memory_space<vmem>> -> memref<128x64xf32, #tpu.memory_space<vmem>>
        %dma_wait3A_210 = arith.constant 0 : i32
        %dma_wait3A_211 = tpu.memref_slice %arg8[%sub3A_109, %dma_wait3A_210] : memref<160x128xi32, #tpu.memory_space<vmem>> -> memref<1x128xi32, #tpu.memory_space<vmem>>
        %dma_wait3A_212 = tpu.memref_squeeze %dma_wait3A_211 : memref<1x128xi32, #tpu.memory_space<vmem>> -> memref<128xi32, #tpu.memory_space<vmem>>
        %dma_wait3A_213 = arith.constant 0 : i32
        %dma_wait3A_214 = arith.constant 0 : i32
        %dma_wait3A_215 = tpu.memref_slice %arg10[%dma_wait3A_213, %dma_wait3A_214] : memref<10240x64xf32, #tpu.memory_space<vmem_shared>> -> memref<10240x64xf32, #tpu.memory_space<vmem_shared>>
        tpu.wait_indirect_dma semaphore(%arg17 : memref<!tpu.dma_semaphore, #tpu.memory_space<semaphore_mem>>) src(%dma_wait3A_209 : memref<128x64xf32, #tpu.memory_space<vmem>>) dst(%dma_wait3A_215 : memref<10240x64xf32, #tpu.memory_space<vmem_shared>>)
        %add3A_216 = arith.constant 4 : i32
        %add3A_217 = arith.addi %sub3A_109, %add3A_216 : i32
        %lt3A = arith.constant 160 : i32
        %lt3A_218 = arith.cmpi slt, %add3A_217, %lt3A : i32
        %convert_element_type3A_219 = arith.extui %lt3A_218 : i1 to i32
        %cond3A_220 = arith.constant 0 : i32
        %cond3A_221 = arith.cmpi ne, %convert_element_type3A_219, %cond3A_220 : i32
        scf.if %cond3A_221 {
          %add3A_222 = arith.constant 4 : i32
          %add3A_223 = arith.addi %sub3A_109, %add3A_222 : i32
          %dma_start3A_224 = arith.constant 2 : i32
          %dma_start3A_225 = arith.constant 0 : i32
          %dma_start3A_226 = arith.constant 0 : i32
          %dma_start3A_227 = tpu.memref_slice %arg9[%dma_start3A_224, %dma_start3A_225, %dma_start3A_226] : memref<4x128x64xf32, #tpu.memory_space<vmem>> -> memref<1x128x64xf32, #tpu.memory_space<vmem>>
          %dma_start3A_228 = tpu.memref_squeeze %dma_start3A_227 : memref<1x128x64xf32, #tpu.memory_space<vmem>> -> memref<128x64xf32, #tpu.memory_space<vmem>>
          %dma_start3A_229 = arith.constant 0 : i32
          %dma_start3A_230 = tpu.memref_slice %arg7[%add3A_223, %dma_start3A_229] : memref<160x128xi32, #tpu.memory_space<vmem>> -> memref<1x128xi32, #tpu.memory_space<vmem>>
          %dma_start3A_231 = tpu.memref_squeeze %dma_start3A_230 : memref<1x128xi32, #tpu.memory_space<vmem>> -> memref<128xi32, #tpu.memory_space<vmem>>
          %dma_start3A_232 = arith.constant 0 : i32
          %dma_start3A_233 = arith.constant 0 : i32
          %dma_start3A_234 = tpu.memref_slice %arg2[%dma_start3A_232, %dma_start3A_233] : memref<20000x64xf32, #tpu.memory_space<hbm>> -> memref<20000x64xf32, #tpu.memory_space<hbm>>
          tpu.enqueue_indirect_dma source(%dma_start3A_234 : memref<20000x64xf32, #tpu.memory_space<hbm>>) target(%dma_start3A_228 : memref<128x64xf32, #tpu.memory_space<vmem>>) offsets(%dma_start3A_231 : memref<128xi32, #tpu.memory_space<vmem>>) semaphore(%arg13 : memref<!tpu.dma_semaphore, #tpu.memory_space<semaphore_mem>>)
        } else {
        }
      } else {
      }
      %add3A_112 = arith.constant 1 : i32
      %add3A_113 = arith.addi %add3A_84, %add3A_112 : i32
      %dma_wait3A_114 = arith.constant 1 : i32
      %dma_wait3A_115 = arith.constant 0 : i32
      %dma_wait3A_116 = arith.constant 0 : i32
      %dma_wait3A_117 = tpu.memref_slice %arg9[%dma_wait3A_114, %dma_wait3A_115, %dma_wait3A_116] : memref<4x128x64xf32, #tpu.memory_space<vmem>> -> memref<1x128x64xf32, #tpu.memory_space<vmem>>
      %dma_wait3A_118 = tpu.memref_squeeze %dma_wait3A_117 : memref<1x128x64xf32, #tpu.memory_space<vmem>> -> memref<128x64xf32, #tpu.memory_space<vmem>>
      %dma_wait3A_119 = arith.constant 0 : i32
      %dma_wait3A_120 = tpu.memref_slice %arg7[%add3A_113, %dma_wait3A_119] : memref<160x128xi32, #tpu.memory_space<vmem>> -> memref<1x128xi32, #tpu.memory_space<vmem>>
      %dma_wait3A_121 = tpu.memref_squeeze %dma_wait3A_120 : memref<1x128xi32, #tpu.memory_space<vmem>> -> memref<128xi32, #tpu.memory_space<vmem>>
      %dma_wait3A_122 = arith.constant 0 : i32
      %dma_wait3A_123 = arith.constant 0 : i32
      %dma_wait3A_124 = tpu.memref_slice %arg2[%dma_wait3A_122, %dma_wait3A_123] : memref<20000x64xf32, #tpu.memory_space<hbm>> -> memref<20000x64xf32, #tpu.memory_space<hbm>>
      tpu.wait_indirect_dma semaphore(%arg12 : memref<!tpu.dma_semaphore, #tpu.memory_space<semaphore_mem>>) src(%dma_wait3A_124 : memref<20000x64xf32, #tpu.memory_space<hbm>>) dst(%dma_wait3A_118 : memref<128x64xf32, #tpu.memory_space<vmem>>)
      %dma_start3A_125 = arith.constant 1 : i32
      %dma_start3A_126 = arith.constant 0 : i32
      %dma_start3A_127 = arith.constant 0 : i32
      %dma_start3A_128 = tpu.memref_slice %arg9[%dma_start3A_125, %dma_start3A_126, %dma_start3A_127] : memref<4x128x64xf32, #tpu.memory_space<vmem>> -> memref<1x128x64xf32, #tpu.memory_space<vmem>>
      %dma_start3A_129 = tpu.memref_squeeze %dma_start3A_128 : memref<1x128x64xf32, #tpu.memory_space<vmem>> -> memref<128x64xf32, #tpu.memory_space<vmem>>
      %dma_start3A_130 = arith.constant 0 : i32
      %dma_start3A_131 = tpu.memref_slice %arg8[%add3A_113, %dma_start3A_130] : memref<160x128xi32, #tpu.memory_space<vmem>> -> memref<1x128xi32, #tpu.memory_space<vmem>>
      %dma_start3A_132 = tpu.memref_squeeze %dma_start3A_131 : memref<1x128xi32, #tpu.memory_space<vmem>> -> memref<128xi32, #tpu.memory_space<vmem>>
      %dma_start3A_133 = arith.constant 0 : i32
      %dma_start3A_134 = arith.constant 0 : i32
      %dma_start3A_135 = tpu.memref_slice %arg10[%dma_start3A_133, %dma_start3A_134] : memref<10240x64xf32, #tpu.memory_space<vmem_shared>> -> memref<10240x64xf32, #tpu.memory_space<vmem_shared>>
      tpu.enqueue_indirect_dma source(%dma_start3A_129 : memref<128x64xf32, #tpu.memory_space<vmem>>) target(%dma_start3A_135 : memref<10240x64xf32, #tpu.memory_space<vmem_shared>>) offsets(%dma_start3A_132 : memref<128xi32, #tpu.memory_space<vmem>>) semaphore(%arg16 : memref<!tpu.dma_semaphore, #tpu.memory_space<semaphore_mem>>) {add = true}
      %sub3A_136 = arith.constant 2 : i32
      %sub3A_137 = arith.subi %add3A_113, %sub3A_136 : i32
      %ge3A_138 = arith.constant 0 : i32
      %ge3A_139 = arith.cmpi sge, %sub3A_137, %ge3A_138 : i32
      %convert_element_type3A_140 = arith.extui %ge3A_139 : i1 to i32
      %cond3A_141 = arith.constant 0 : i32
      %cond3A_142 = arith.cmpi ne, %convert_element_type3A_140, %cond3A_141 : i32
      scf.if %cond3A_142 {
        %dma_wait3A_205 = arith.constant 3 : i32
        %dma_wait3A_206 = arith.constant 0 : i32
        %dma_wait3A_207 = arith.constant 0 : i32
        %dma_wait3A_208 = tpu.memref_slice %arg9[%dma_wait3A_205, %dma_wait3A_206, %dma_wait3A_207] : memref<4x128x64xf32, #tpu.memory_space<vmem>> -> memref<1x128x64xf32, #tpu.memory_space<vmem>>
        %dma_wait3A_209 = tpu.memref_squeeze %dma_wait3A_208 : memref<1x128x64xf32, #tpu.memory_space<vmem>> -> memref<128x64xf32, #tpu.memory_space<vmem>>
        %dma_wait3A_210 = arith.constant 0 : i32
        %dma_wait3A_211 = tpu.memref_slice %arg8[%sub3A_137, %dma_wait3A_210] : memref<160x128xi32, #tpu.memory_space<vmem>> -> memref<1x128xi32, #tpu.memory_space<vmem>>
        %dma_wait3A_212 = tpu.memref_squeeze %dma_wait3A_211 : memref<1x128xi32, #tpu.memory_space<vmem>> -> memref<128xi32, #tpu.memory_space<vmem>>
        %dma_wait3A_213 = arith.constant 0 : i32
        %dma_wait3A_214 = arith.constant 0 : i32
        %dma_wait3A_215 = tpu.memref_slice %arg10[%dma_wait3A_213, %dma_wait3A_214] : memref<10240x64xf32, #tpu.memory_space<vmem_shared>> -> memref<10240x64xf32, #tpu.memory_space<vmem_shared>>
        tpu.wait_indirect_dma semaphore(%arg18 : memref<!tpu.dma_semaphore, #tpu.memory_space<semaphore_mem>>) src(%dma_wait3A_209 : memref<128x64xf32, #tpu.memory_space<vmem>>) dst(%dma_wait3A_215 : memref<10240x64xf32, #tpu.memory_space<vmem_shared>>)
        %add3A_216 = arith.constant 4 : i32
        %add3A_217 = arith.addi %sub3A_137, %add3A_216 : i32
        %lt3A = arith.constant 160 : i32
        %lt3A_218 = arith.cmpi slt, %add3A_217, %lt3A : i32
        %convert_element_type3A_219 = arith.extui %lt3A_218 : i1 to i32
        %cond3A_220 = arith.constant 0 : i32
        %cond3A_221 = arith.cmpi ne, %convert_element_type3A_219, %cond3A_220 : i32
        scf.if %cond3A_221 {
          %add3A_222 = arith.constant 4 : i32
          %add3A_223 = arith.addi %sub3A_137, %add3A_222 : i32
          %dma_start3A_224 = arith.constant 3 : i32
          %dma_start3A_225 = arith.constant 0 : i32
          %dma_start3A_226 = arith.constant 0 : i32
          %dma_start3A_227 = tpu.memref_slice %arg9[%dma_start3A_224, %dma_start3A_225, %dma_start3A_226] : memref<4x128x64xf32, #tpu.memory_space<vmem>> -> memref<1x128x64xf32, #tpu.memory_space<vmem>>
          %dma_start3A_228 = tpu.memref_squeeze %dma_start3A_227 : memref<1x128x64xf32, #tpu.memory_space<vmem>> -> memref<128x64xf32, #tpu.memory_space<vmem>>
          %dma_start3A_229 = arith.constant 0 : i32
          %dma_start3A_230 = tpu.memref_slice %arg7[%add3A_223, %dma_start3A_229] : memref<160x128xi32, #tpu.memory_space<vmem>> -> memref<1x128xi32, #tpu.memory_space<vmem>>
          %dma_start3A_231 = tpu.memref_squeeze %dma_start3A_230 : memref<1x128xi32, #tpu.memory_space<vmem>> -> memref<128xi32, #tpu.memory_space<vmem>>
          %dma_start3A_232 = arith.constant 0 : i32
          %dma_start3A_233 = arith.constant 0 : i32
          %dma_start3A_234 = tpu.memref_slice %arg2[%dma_start3A_232, %dma_start3A_233] : memref<20000x64xf32, #tpu.memory_space<hbm>> -> memref<20000x64xf32, #tpu.memory_space<hbm>>
          tpu.enqueue_indirect_dma source(%dma_start3A_234 : memref<20000x64xf32, #tpu.memory_space<hbm>>) target(%dma_start3A_228 : memref<128x64xf32, #tpu.memory_space<vmem>>) offsets(%dma_start3A_231 : memref<128xi32, #tpu.memory_space<vmem>>) semaphore(%arg14 : memref<!tpu.dma_semaphore, #tpu.memory_space<semaphore_mem>>)
        } else {
        }
      } else {
      }
      %add3A_143 = arith.constant 2 : i32
      %add3A_144 = arith.addi %add3A_84, %add3A_143 : i32
      %dma_wait3A_145 = arith.constant 2 : i32
      %dma_wait3A_146 = arith.constant 0 : i32
      %dma_wait3A_147 = arith.constant 0 : i32
      %dma_wait3A_148 = tpu.memref_slice %arg9[%dma_wait3A_145, %dma_wait3A_146, %dma_wait3A_147] : memref<4x128x64xf32, #tpu.memory_space<vmem>> -> memref<1x128x64xf32, #tpu.memory_space<vmem>>
      %dma_wait3A_149 = tpu.memref_squeeze %dma_wait3A_148 : memref<1x128x64xf32, #tpu.memory_space<vmem>> -> memref<128x64xf32, #tpu.memory_space<vmem>>
      %dma_wait3A_150 = arith.constant 0 : i32
      %dma_wait3A_151 = tpu.memref_slice %arg7[%add3A_144, %dma_wait3A_150] : memref<160x128xi32, #tpu.memory_space<vmem>> -> memref<1x128xi32, #tpu.memory_space<vmem>>
      %dma_wait3A_152 = tpu.memref_squeeze %dma_wait3A_151 : memref<1x128xi32, #tpu.memory_space<vmem>> -> memref<128xi32, #tpu.memory_space<vmem>>
      %dma_wait3A_153 = arith.constant 0 : i32
      %dma_wait3A_154 = arith.constant 0 : i32
      %dma_wait3A_155 = tpu.memref_slice %arg2[%dma_wait3A_153, %dma_wait3A_154] : memref<20000x64xf32, #tpu.memory_space<hbm>> -> memref<20000x64xf32, #tpu.memory_space<hbm>>
      tpu.wait_indirect_dma semaphore(%arg13 : memref<!tpu.dma_semaphore, #tpu.memory_space<semaphore_mem>>) src(%dma_wait3A_155 : memref<20000x64xf32, #tpu.memory_space<hbm>>) dst(%dma_wait3A_149 : memref<128x64xf32, #tpu.memory_space<vmem>>)
      %dma_start3A_156 = arith.constant 2 : i32
      %dma_start3A_157 = arith.constant 0 : i32
      %dma_start3A_158 = arith.constant 0 : i32
      %dma_start3A_159 = tpu.memref_slice %arg9[%dma_start3A_156, %dma_start3A_157, %dma_start3A_158] : memref<4x128x64xf32, #tpu.memory_space<vmem>> -> memref<1x128x64xf32, #tpu.memory_space<vmem>>
      %dma_start3A_160 = tpu.memref_squeeze %dma_start3A_159 : memref<1x128x64xf32, #tpu.memory_space<vmem>> -> memref<128x64xf32, #tpu.memory_space<vmem>>
      %dma_start3A_161 = arith.constant 0 : i32
      %dma_start3A_162 = tpu.memref_slice %arg8[%add3A_144, %dma_start3A_161] : memref<160x128xi32, #tpu.memory_space<vmem>> -> memref<1x128xi32, #tpu.memory_space<vmem>>
      %dma_start3A_163 = tpu.memref_squeeze %dma_start3A_162 : memref<1x128xi32, #tpu.memory_space<vmem>> -> memref<128xi32, #tpu.memory_space<vmem>>
      %dma_start3A_164 = arith.constant 0 : i32
      %dma_start3A_165 = arith.constant 0 : i32
      %dma_start3A_166 = tpu.memref_slice %arg10[%dma_start3A_164, %dma_start3A_165] : memref<10240x64xf32, #tpu.memory_space<vmem_shared>> -> memref<10240x64xf32, #tpu.memory_space<vmem_shared>>
      tpu.enqueue_indirect_dma source(%dma_start3A_160 : memref<128x64xf32, #tpu.memory_space<vmem>>) target(%dma_start3A_166 : memref<10240x64xf32, #tpu.memory_space<vmem_shared>>) offsets(%dma_start3A_163 : memref<128xi32, #tpu.memory_space<vmem>>) semaphore(%arg17 : memref<!tpu.dma_semaphore, #tpu.memory_space<semaphore_mem>>) {add = true}
      %sub3A_167 = arith.constant 2 : i32
      %sub3A_168 = arith.subi %add3A_144, %sub3A_167 : i32
      %ge3A_169 = arith.constant 0 : i32
      %ge3A_170 = arith.cmpi sge, %sub3A_168, %ge3A_169 : i32
      %convert_element_type3A_171 = arith.extui %ge3A_170 : i1 to i32
      %cond3A_172 = arith.constant 0 : i32
      %cond3A_173 = arith.cmpi ne, %convert_element_type3A_171, %cond3A_172 : i32
      scf.if %cond3A_173 {
        %dma_wait3A_205 = arith.constant 0 : i32
        %dma_wait3A_206 = arith.constant 0 : i32
        %dma_wait3A_207 = arith.constant 0 : i32
        %dma_wait3A_208 = tpu.memref_slice %arg9[%dma_wait3A_205, %dma_wait3A_206, %dma_wait3A_207] : memref<4x128x64xf32, #tpu.memory_space<vmem>> -> memref<1x128x64xf32, #tpu.memory_space<vmem>>
        %dma_wait3A_209 = tpu.memref_squeeze %dma_wait3A_208 : memref<1x128x64xf32, #tpu.memory_space<vmem>> -> memref<128x64xf32, #tpu.memory_space<vmem>>
        %dma_wait3A_210 = arith.constant 0 : i32
        %dma_wait3A_211 = tpu.memref_slice %arg8[%sub3A_168, %dma_wait3A_210] : memref<160x128xi32, #tpu.memory_space<vmem>> -> memref<1x128xi32, #tpu.memory_space<vmem>>
        %dma_wait3A_212 = tpu.memref_squeeze %dma_wait3A_211 : memref<1x128xi32, #tpu.memory_space<vmem>> -> memref<128xi32, #tpu.memory_space<vmem>>
        %dma_wait3A_213 = arith.constant 0 : i32
        %dma_wait3A_214 = arith.constant 0 : i32
        %dma_wait3A_215 = tpu.memref_slice %arg10[%dma_wait3A_213, %dma_wait3A_214] : memref<10240x64xf32, #tpu.memory_space<vmem_shared>> -> memref<10240x64xf32, #tpu.memory_space<vmem_shared>>
        tpu.wait_indirect_dma semaphore(%arg15 : memref<!tpu.dma_semaphore, #tpu.memory_space<semaphore_mem>>) src(%dma_wait3A_209 : memref<128x64xf32, #tpu.memory_space<vmem>>) dst(%dma_wait3A_215 : memref<10240x64xf32, #tpu.memory_space<vmem_shared>>)
        %add3A_216 = arith.constant 4 : i32
        %add3A_217 = arith.addi %sub3A_168, %add3A_216 : i32
        %lt3A = arith.constant 160 : i32
        %lt3A_218 = arith.cmpi slt, %add3A_217, %lt3A : i32
        %convert_element_type3A_219 = arith.extui %lt3A_218 : i1 to i32
        %cond3A_220 = arith.constant 0 : i32
        %cond3A_221 = arith.cmpi ne, %convert_element_type3A_219, %cond3A_220 : i32
        scf.if %cond3A_221 {
          %add3A_222 = arith.constant 4 : i32
          %add3A_223 = arith.addi %sub3A_168, %add3A_222 : i32
          %dma_start3A_224 = arith.constant 0 : i32
          %dma_start3A_225 = arith.constant 0 : i32
          %dma_start3A_226 = arith.constant 0 : i32
          %dma_start3A_227 = tpu.memref_slice %arg9[%dma_start3A_224, %dma_start3A_225, %dma_start3A_226] : memref<4x128x64xf32, #tpu.memory_space<vmem>> -> memref<1x128x64xf32, #tpu.memory_space<vmem>>
          %dma_start3A_228 = tpu.memref_squeeze %dma_start3A_227 : memref<1x128x64xf32, #tpu.memory_space<vmem>> -> memref<128x64xf32, #tpu.memory_space<vmem>>
          %dma_start3A_229 = arith.constant 0 : i32
          %dma_start3A_230 = tpu.memref_slice %arg7[%add3A_223, %dma_start3A_229] : memref<160x128xi32, #tpu.memory_space<vmem>> -> memref<1x128xi32, #tpu.memory_space<vmem>>
          %dma_start3A_231 = tpu.memref_squeeze %dma_start3A_230 : memref<1x128xi32, #tpu.memory_space<vmem>> -> memref<128xi32, #tpu.memory_space<vmem>>
          %dma_start3A_232 = arith.constant 0 : i32
          %dma_start3A_233 = arith.constant 0 : i32
          %dma_start3A_234 = tpu.memref_slice %arg2[%dma_start3A_232, %dma_start3A_233] : memref<20000x64xf32, #tpu.memory_space<hbm>> -> memref<20000x64xf32, #tpu.memory_space<hbm>>
          tpu.enqueue_indirect_dma source(%dma_start3A_234 : memref<20000x64xf32, #tpu.memory_space<hbm>>) target(%dma_start3A_228 : memref<128x64xf32, #tpu.memory_space<vmem>>) offsets(%dma_start3A_231 : memref<128xi32, #tpu.memory_space<vmem>>) semaphore(%arg11 : memref<!tpu.dma_semaphore, #tpu.memory_space<semaphore_mem>>)
        } else {
        }
      } else {
      }
      %add3A_174 = arith.constant 3 : i32
      %add3A_175 = arith.addi %add3A_84, %add3A_174 : i32
      %dma_wait3A_176 = arith.constant 3 : i32
      %dma_wait3A_177 = arith.constant 0 : i32
      %dma_wait3A_178 = arith.constant 0 : i32
      %dma_wait3A_179 = tpu.memref_slice %arg9[%dma_wait3A_176, %dma_wait3A_177, %dma_wait3A_178] : memref<4x128x64xf32, #tpu.memory_space<vmem>> -> memref<1x128x64xf32, #tpu.memory_space<vmem>>
      %dma_wait3A_180 = tpu.memref_squeeze %dma_wait3A_179 : memref<1x128x64xf32, #tpu.memory_space<vmem>> -> memref<128x64xf32, #tpu.memory_space<vmem>>
      %dma_wait3A_181 = arith.constant 0 : i32
      %dma_wait3A_182 = tpu.memref_slice %arg7[%add3A_175, %dma_wait3A_181] : memref<160x128xi32, #tpu.memory_space<vmem>> -> memref<1x128xi32, #tpu.memory_space<vmem>>
      %dma_wait3A_183 = tpu.memref_squeeze %dma_wait3A_182 : memref<1x128xi32, #tpu.memory_space<vmem>> -> memref<128xi32, #tpu.memory_space<vmem>>
      %dma_wait3A_184 = arith.constant 0 : i32
      %dma_wait3A_185 = arith.constant 0 : i32
      %dma_wait3A_186 = tpu.memref_slice %arg2[%dma_wait3A_184, %dma_wait3A_185] : memref<20000x64xf32, #tpu.memory_space<hbm>> -> memref<20000x64xf32, #tpu.memory_space<hbm>>
      tpu.wait_indirect_dma semaphore(%arg14 : memref<!tpu.dma_semaphore, #tpu.memory_space<semaphore_mem>>) src(%dma_wait3A_186 : memref<20000x64xf32, #tpu.memory_space<hbm>>) dst(%dma_wait3A_180 : memref<128x64xf32, #tpu.memory_space<vmem>>)
      %dma_start3A_187 = arith.constant 3 : i32
      %dma_start3A_188 = arith.constant 0 : i32
      %dma_start3A_189 = arith.constant 0 : i32
      %dma_start3A_190 = tpu.memref_slice %arg9[%dma_start3A_187, %dma_start3A_188, %dma_start3A_189] : memref<4x128x64xf32, #tpu.memory_space<vmem>> -> memref<1x128x64xf32, #tpu.memory_space<vmem>>
      %dma_start3A_191 = tpu.memref_squeeze %dma_start3A_190 : memref<1x128x64xf32, #tpu.memory_space<vmem>> -> memref<128x64xf32, #tpu.memory_space<vmem>>
      %dma_start3A_192 = arith.constant 0 : i32
      %dma_start3A_193 = tpu.memref_slice %arg8[%add3A_175, %dma_start3A_192] : memref<160x128xi32, #tpu.memory_space<vmem>> -> memref<1x128xi32, #tpu.memory_space<vmem>>
      %dma_start3A_194 = tpu.memref_squeeze %dma_start3A_193 : memref<1x128xi32, #tpu.memory_space<vmem>> -> memref<128xi32, #tpu.memory_space<vmem>>
      %dma_start3A_195 = arith.constant 0 : i32
      %dma_start3A_196 = arith.constant 0 : i32
      %dma_start3A_197 = tpu.memref_slice %arg10[%dma_start3A_195, %dma_start3A_196] : memref<10240x64xf32, #tpu.memory_space<vmem_shared>> -> memref<10240x64xf32, #tpu.memory_space<vmem_shared>>
      tpu.enqueue_indirect_dma source(%dma_start3A_191 : memref<128x64xf32, #tpu.memory_space<vmem>>) target(%dma_start3A_197 : memref<10240x64xf32, #tpu.memory_space<vmem_shared>>) offsets(%dma_start3A_194 : memref<128xi32, #tpu.memory_space<vmem>>) semaphore(%arg18 : memref<!tpu.dma_semaphore, #tpu.memory_space<semaphore_mem>>) {add = true}
      %sub3A_198 = arith.constant 2 : i32
      %sub3A_199 = arith.subi %add3A_175, %sub3A_198 : i32
      %ge3A_200 = arith.constant 0 : i32
      %ge3A_201 = arith.cmpi sge, %sub3A_199, %ge3A_200 : i32
      %convert_element_type3A_202 = arith.extui %ge3A_201 : i1 to i32
      %cond3A_203 = arith.constant 0 : i32
      %cond3A_204 = arith.cmpi ne, %convert_element_type3A_202, %cond3A_203 : i32
      scf.if %cond3A_204 {
        %dma_wait3A_205 = arith.constant 1 : i32
        %dma_wait3A_206 = arith.constant 0 : i32
        %dma_wait3A_207 = arith.constant 0 : i32
        %dma_wait3A_208 = tpu.memref_slice %arg9[%dma_wait3A_205, %dma_wait3A_206, %dma_wait3A_207] : memref<4x128x64xf32, #tpu.memory_space<vmem>> -> memref<1x128x64xf32, #tpu.memory_space<vmem>>
        %dma_wait3A_209 = tpu.memref_squeeze %dma_wait3A_208 : memref<1x128x64xf32, #tpu.memory_space<vmem>> -> memref<128x64xf32, #tpu.memory_space<vmem>>
        %dma_wait3A_210 = arith.constant 0 : i32
        %dma_wait3A_211 = tpu.memref_slice %arg8[%sub3A_199, %dma_wait3A_210] : memref<160x128xi32, #tpu.memory_space<vmem>> -> memref<1x128xi32, #tpu.memory_space<vmem>>
        %dma_wait3A_212 = tpu.memref_squeeze %dma_wait3A_211 : memref<1x128xi32, #tpu.memory_space<vmem>> -> memref<128xi32, #tpu.memory_space<vmem>>
        %dma_wait3A_213 = arith.constant 0 : i32
        %dma_wait3A_214 = arith.constant 0 : i32
        %dma_wait3A_215 = tpu.memref_slice %arg10[%dma_wait3A_213, %dma_wait3A_214] : memref<10240x64xf32, #tpu.memory_space<vmem_shared>> -> memref<10240x64xf32, #tpu.memory_space<vmem_shared>>
        tpu.wait_indirect_dma semaphore(%arg16 : memref<!tpu.dma_semaphore, #tpu.memory_space<semaphore_mem>>) src(%dma_wait3A_209 : memref<128x64xf32, #tpu.memory_space<vmem>>) dst(%dma_wait3A_215 : memref<10240x64xf32, #tpu.memory_space<vmem_shared>>)
        %add3A_216 = arith.constant 4 : i32
        %add3A_217 = arith.addi %sub3A_199, %add3A_216 : i32
        %lt3A = arith.constant 160 : i32
        %lt3A_218 = arith.cmpi slt, %add3A_217, %lt3A : i32
        %convert_element_type3A_219 = arith.extui %lt3A_218 : i1 to i32
        %cond3A_220 = arith.constant 0 : i32
        %cond3A_221 = arith.cmpi ne, %convert_element_type3A_219, %cond3A_220 : i32
        scf.if %cond3A_221 {
          %add3A_222 = arith.constant 4 : i32
          %add3A_223 = arith.addi %sub3A_199, %add3A_222 : i32
          %dma_start3A_224 = arith.constant 1 : i32
          %dma_start3A_225 = arith.constant 0 : i32
          %dma_start3A_226 = arith.constant 0 : i32
          %dma_start3A_227 = tpu.memref_slice %arg9[%dma_start3A_224, %dma_start3A_225, %dma_start3A_226] : memref<4x128x64xf32, #tpu.memory_space<vmem>> -> memref<1x128x64xf32, #tpu.memory_space<vmem>>
          %dma_start3A_228 = tpu.memref_squeeze %dma_start3A_227 : memref<1x128x64xf32, #tpu.memory_space<vmem>> -> memref<128x64xf32, #tpu.memory_space<vmem>>
          %dma_start3A_229 = arith.constant 0 : i32
          %dma_start3A_230 = tpu.memref_slice %arg7[%add3A_223, %dma_start3A_229] : memref<160x128xi32, #tpu.memory_space<vmem>> -> memref<1x128xi32, #tpu.memory_space<vmem>>
          %dma_start3A_231 = tpu.memref_squeeze %dma_start3A_230 : memref<1x128xi32, #tpu.memory_space<vmem>> -> memref<128xi32, #tpu.memory_space<vmem>>
          %dma_start3A_232 = arith.constant 0 : i32
          %dma_start3A_233 = arith.constant 0 : i32
          %dma_start3A_234 = tpu.memref_slice %arg2[%dma_start3A_232, %dma_start3A_233] : memref<20000x64xf32, #tpu.memory_space<hbm>> -> memref<20000x64xf32, #tpu.memory_space<hbm>>
          tpu.enqueue_indirect_dma source(%dma_start3A_234 : memref<20000x64xf32, #tpu.memory_space<hbm>>) target(%dma_start3A_228 : memref<128x64xf32, #tpu.memory_space<vmem>>) offsets(%dma_start3A_231 : memref<128xi32, #tpu.memory_space<vmem>>) semaphore(%arg12 : memref<!tpu.dma_semaphore, #tpu.memory_space<semaphore_mem>>)
        } else {
        }
      } else {
      }
    }
    %scan3A_52 = arith.constant 40 : i32
    %dma_wait3A = arith.constant 2 : i32
    %dma_wait3A_53 = arith.constant 158 : i32
    %dma_wait3A_54 = arith.constant 0 : i32
    %dma_wait3A_55 = arith.constant 0 : i32
    %dma_wait3A_56 = tpu.memref_slice %arg9[%dma_wait3A, %dma_wait3A_54, %dma_wait3A_55] : memref<4x128x64xf32, #tpu.memory_space<vmem>> -> memref<1x128x64xf32, #tpu.memory_space<vmem>>
    %dma_wait3A_57 = tpu.memref_squeeze %dma_wait3A_56 : memref<1x128x64xf32, #tpu.memory_space<vmem>> -> memref<128x64xf32, #tpu.memory_space<vmem>>
    %dma_wait3A_58 = arith.constant 0 : i32
    %dma_wait3A_59 = tpu.memref_slice %arg8[%dma_wait3A_53, %dma_wait3A_58] : memref<160x128xi32, #tpu.memory_space<vmem>> -> memref<1x128xi32, #tpu.memory_space<vmem>>
    %dma_wait3A_60 = tpu.memref_squeeze %dma_wait3A_59 : memref<1x128xi32, #tpu.memory_space<vmem>> -> memref<128xi32, #tpu.memory_space<vmem>>
    %dma_wait3A_61 = arith.constant 0 : i32
    %dma_wait3A_62 = arith.constant 0 : i32
    %dma_wait3A_63 = tpu.memref_slice %arg10[%dma_wait3A_61, %dma_wait3A_62] : memref<10240x64xf32, #tpu.memory_space<vmem_shared>> -> memref<10240x64xf32, #tpu.memory_space<vmem_shared>>
    tpu.wait_indirect_dma semaphore(%arg17 : memref<!tpu.dma_semaphore, #tpu.memory_space<semaphore_mem>>) src(%dma_wait3A_57 : memref<128x64xf32, #tpu.memory_space<vmem>>) dst(%dma_wait3A_63 : memref<10240x64xf32, #tpu.memory_space<vmem_shared>>)
    %dma_wait3A_64 = arith.constant 3 : i32
    %dma_wait3A_65 = arith.constant 159 : i32
    %dma_wait3A_66 = arith.constant 0 : i32
    %dma_wait3A_67 = arith.constant 0 : i32
    %dma_wait3A_68 = tpu.memref_slice %arg9[%dma_wait3A_64, %dma_wait3A_66, %dma_wait3A_67] : memref<4x128x64xf32, #tpu.memory_space<vmem>> -> memref<1x128x64xf32, #tpu.memory_space<vmem>>
    %dma_wait3A_69 = tpu.memref_squeeze %dma_wait3A_68 : memref<1x128x64xf32, #tpu.memory_space<vmem>> -> memref<128x64xf32, #tpu.memory_space<vmem>>
    %dma_wait3A_70 = arith.constant 0 : i32
    %dma_wait3A_71 = tpu.memref_slice %arg8[%dma_wait3A_65, %dma_wait3A_70] : memref<160x128xi32, #tpu.memory_space<vmem>> -> memref<1x128xi32, #tpu.memory_space<vmem>>
    %dma_wait3A_72 = tpu.memref_squeeze %dma_wait3A_71 : memref<1x128xi32, #tpu.memory_space<vmem>> -> memref<128xi32, #tpu.memory_space<vmem>>
    %dma_wait3A_73 = arith.constant 0 : i32
    %dma_wait3A_74 = arith.constant 0 : i32
    %dma_wait3A_75 = tpu.memref_slice %arg10[%dma_wait3A_73, %dma_wait3A_74] : memref<10240x64xf32, #tpu.memory_space<vmem_shared>> -> memref<10240x64xf32, #tpu.memory_space<vmem_shared>>
    tpu.wait_indirect_dma semaphore(%arg18 : memref<!tpu.dma_semaphore, #tpu.memory_space<semaphore_mem>>) src(%dma_wait3A_69 : memref<128x64xf32, #tpu.memory_space<vmem>>) dst(%dma_wait3A_75 : memref<10240x64xf32, #tpu.memory_space<vmem_shared>>)
    %barrier3A_76 = arith.constant 0 : index
    tpu.barrier barrier_id(%barrier3A_76)
    %mul3A_77 = arith.constant 640 : i32
    %mul3A_78 = arith.muli %arg1, %mul3A_77 : i32
    %mul3A_79 = arith.constant 640 : i32
    %mul3A_80 = arith.muli %arg1, %mul3A_79 : i32
    "tpu.region"() ({
      %run_scoped3A = tpu.sem_alloc : memref<!tpu.dma_semaphore, #tpu.memory_space<semaphore_mem>>
      %dma_start3A_81 = arith.constant 0 : i32
      %dma_start3A_82 = tpu.memref_slice %arg6[%arg0, %mul3A_80, %dma_start3A_81] : memref<2x10240x64xf32, #tpu.memory_space<hbm>> -> memref<1x640x64xf32, #tpu.memory_space<hbm>>
      %dma_start3A_83 = tpu.memref_squeeze %dma_start3A_82 : memref<1x640x64xf32, #tpu.memory_space<hbm>> -> memref<640x64xf32, #tpu.memory_space<hbm>>
      %dma_start3A_84 = arith.constant 0 : i32
      %dma_start3A_85 = tpu.memref_slice %arg10[%mul3A_78, %dma_start3A_84] : memref<10240x64xf32, #tpu.memory_space<vmem_shared>> -> memref<640x64xf32, #tpu.memory_space<vmem_shared>>
      tpu.enqueue_dma source(%dma_start3A_85 : memref<640x64xf32, #tpu.memory_space<vmem_shared>>) target(%dma_start3A_83 : memref<640x64xf32, #tpu.memory_space<hbm>>) target_semaphore(%run_scoped3A : memref<!tpu.dma_semaphore, #tpu.memory_space<semaphore_mem>>)
      %dma_wait3A_86 = arith.constant 0 : i32
      %dma_wait3A_87 = tpu.memref_slice %arg6[%arg0, %mul3A_80, %dma_wait3A_86] : memref<2x10240x64xf32, #tpu.memory_space<hbm>> -> memref<1x640x64xf32, #tpu.memory_space<hbm>>
      %dma_wait3A_88 = tpu.memref_squeeze %dma_wait3A_87 : memref<1x640x64xf32, #tpu.memory_space<hbm>> -> memref<640x64xf32, #tpu.memory_space<hbm>>
      %dma_wait3A_89 = arith.constant 0 : i32
      %dma_wait3A_90 = tpu.memref_slice %arg10[%mul3A_78, %dma_wait3A_89] : memref<10240x64xf32, #tpu.memory_space<vmem_shared>> -> memref<640x64xf32, #tpu.memory_space<vmem_shared>>
      tpu.wait_dma2 semaphore(%run_scoped3A : memref<!tpu.dma_semaphore, #tpu.memory_space<semaphore_mem>>) src(%dma_wait3A_90 : memref<640x64xf32, #tpu.memory_space<vmem_shared>>) dst(%dma_wait3A_88 : memref<640x64xf32, #tpu.memory_space<hbm>>)
      tpu.yield
    }) : () -> ()
    return
  }
}

#map = affine_map<(d0, d1) -> (0, 0)>
#map1 = affine_map<(d0, d1) -> (0, 0, 0, 0)>
#map2 = affine_map<(d0, d1) -> (0, 0, 0)>
#map3 = affine_map<(d0, d1) -> (0)>
module attributes {stable_mosaic.version = 14 : i64} {
  func.func @body(%arg0: i32, %arg1: i32, %arg2: memref<20000x64xf32, #tpu.memory_space<hbm>>, %arg3: memref<2x16x160x128xi32, #tpu.memory_space<hbm>>, %arg4: memref<16x160x128xi32, #tpu.memory_space<hbm>>, %arg5: memref<640x64xf32, #tpu.memory_space<hbm>>, %arg6: memref<10240xf32, #tpu.memory_space<hbm>>, %arg7: memref<2x10240x64xf32, #tpu.memory_space<hbm>>, %arg8: memref<16x10240xf32, #tpu.memory_space<hbm>>, %arg9: memref<160x128xi32, #tpu.memory_space<vmem>>, %arg10: memref<160x128xi32, #tpu.memory_space<vmem>>, %arg11: memref<4x128x64xf32, #tpu.memory_space<vmem>>, %arg12: memref<10240x64xf32, #tpu.memory_space<vmem_shared>>, %arg13: memref<!tpu.dma_semaphore, #tpu.memory_space<semaphore_mem>>, %arg14: memref<!tpu.dma_semaphore, #tpu.memory_space<semaphore_mem>>, %arg15: memref<!tpu.dma_semaphore, #tpu.memory_space<semaphore_mem>>, %arg16: memref<!tpu.dma_semaphore, #tpu.memory_space<semaphore_mem>>, %arg17: memref<!tpu.dma_semaphore, #tpu.memory_space<semaphore_mem>>, %arg18: memref<!tpu.dma_semaphore, #tpu.memory_space<semaphore_mem>>, %arg19: memref<!tpu.dma_semaphore, #tpu.memory_space<semaphore_mem>>, %arg20: memref<!tpu.dma_semaphore, #tpu.memory_space<semaphore_mem>>, %arg21: memref<10240xf32, #tpu.memory_space<vmem>>) attributes {dimension_semantics = [#tpu.dimension_semantics<core_parallel>, #tpu.dimension_semantics<subcore_parallel>], iteration_bounds = array<i64: 2, 16>, scalar_prefetch = 0 : i64, scratch_operands = 13 : i64, tpu.core_type = #tpu.core_type<sc_vector_subcore>, window_params = [{transform_indices = #map}, {transform_indices = #map1}, {transform_indices = #map2}, {transform_indices = #map}, {transform_indices = #map3}, {transform_indices = #map2}, {transform_indices = #map}]} {
    "tpu.region"() ({
      %run_scoped3A = tpu.sem_alloc : memref<!tpu.dma_semaphore, #tpu.memory_space<semaphore_mem>>
      %dma_start3A_83 = arith.constant 0 : i32
      %dma_start3A_84 = arith.constant 0 : i32
      %dma_start3A_85 = tpu.memref_slice %arg3[%arg0, %arg1, %dma_start3A_83, %dma_start3A_84] : memref<2x16x160x128xi32, #tpu.memory_space<hbm>> -> memref<1x1x160x128xi32, #tpu.memory_space<hbm>>
      %dma_start3A_86 = tpu.memref_squeeze %dma_start3A_85 : memref<1x1x160x128xi32, #tpu.memory_space<hbm>> -> memref<160x128xi32, #tpu.memory_space<hbm>>
      %dma_start3A_87 = arith.constant 0 : i32
      %dma_start3A_88 = arith.constant 0 : i32
      %dma_start3A_89 = tpu.memref_slice %arg3[%arg0, %arg1, %dma_start3A_87, %dma_start3A_88] : memref<2x16x160x128xi32, #tpu.memory_space<hbm>> -> memref<1x1x160x128xi32, #tpu.memory_space<hbm>>
      %dma_start3A_90 = tpu.memref_squeeze %dma_start3A_89 : memref<1x1x160x128xi32, #tpu.memory_space<hbm>> -> memref<160x128xi32, #tpu.memory_space<hbm>>
      tpu.enqueue_dma source(%dma_start3A_90 : memref<160x128xi32, #tpu.memory_space<hbm>>) target(%arg9 : memref<160x128xi32, #tpu.memory_space<vmem>>) target_semaphore(%run_scoped3A : memref<!tpu.dma_semaphore, #tpu.memory_space<semaphore_mem>>)
      %dma_wait3A_91 = arith.constant 0 : i32
      %dma_wait3A_92 = arith.constant 0 : i32
      %dma_wait3A_93 = tpu.memref_slice %arg3[%arg0, %arg1, %dma_wait3A_91, %dma_wait3A_92] : memref<2x16x160x128xi32, #tpu.memory_space<hbm>> -> memref<1x1x160x128xi32, #tpu.memory_space<hbm>>
      %dma_wait3A_94 = tpu.memref_squeeze %dma_wait3A_93 : memref<1x1x160x128xi32, #tpu.memory_space<hbm>> -> memref<160x128xi32, #tpu.memory_space<hbm>>
      %dma_wait3A_95 = arith.constant 0 : i32
      %dma_wait3A_96 = arith.constant 0 : i32
      %dma_wait3A_97 = tpu.memref_slice %arg3[%arg0, %arg1, %dma_wait3A_95, %dma_wait3A_96] : memref<2x16x160x128xi32, #tpu.memory_space<hbm>> -> memref<1x1x160x128xi32, #tpu.memory_space<hbm>>
      %dma_wait3A_98 = tpu.memref_squeeze %dma_wait3A_97 : memref<1x1x160x128xi32, #tpu.memory_space<hbm>> -> memref<160x128xi32, #tpu.memory_space<hbm>>
      tpu.wait_dma2 semaphore(%run_scoped3A : memref<!tpu.dma_semaphore, #tpu.memory_space<semaphore_mem>>) src(%dma_wait3A_98 : memref<160x128xi32, #tpu.memory_space<hbm>>) dst(%arg9 : memref<160x128xi32, #tpu.memory_space<vmem>>)
      tpu.yield
    }) : () -> ()
    "tpu.region"() ({
      %run_scoped3A = tpu.sem_alloc : memref<!tpu.dma_semaphore, #tpu.memory_space<semaphore_mem>>
      %dma_start3A_83 = arith.constant 0 : i32
      %dma_start3A_84 = arith.constant 0 : i32
      %dma_start3A_85 = tpu.memref_slice %arg4[%arg1, %dma_start3A_83, %dma_start3A_84] : memref<16x160x128xi32, #tpu.memory_space<hbm>> -> memref<1x160x128xi32, #tpu.memory_space<hbm>>
      %dma_start3A_86 = tpu.memref_squeeze %dma_start3A_85 : memref<1x160x128xi32, #tpu.memory_space<hbm>> -> memref<160x128xi32, #tpu.memory_space<hbm>>
      %dma_start3A_87 = arith.constant 0 : i32
      %dma_start3A_88 = arith.constant 0 : i32
      %dma_start3A_89 = tpu.memref_slice %arg4[%arg1, %dma_start3A_87, %dma_start3A_88] : memref<16x160x128xi32, #tpu.memory_space<hbm>> -> memref<1x160x128xi32, #tpu.memory_space<hbm>>
      %dma_start3A_90 = tpu.memref_squeeze %dma_start3A_89 : memref<1x160x128xi32, #tpu.memory_space<hbm>> -> memref<160x128xi32, #tpu.memory_space<hbm>>
      tpu.enqueue_dma source(%dma_start3A_90 : memref<160x128xi32, #tpu.memory_space<hbm>>) target(%arg10 : memref<160x128xi32, #tpu.memory_space<vmem>>) target_semaphore(%run_scoped3A : memref<!tpu.dma_semaphore, #tpu.memory_space<semaphore_mem>>)
      %dma_wait3A_91 = arith.constant 0 : i32
      %dma_wait3A_92 = arith.constant 0 : i32
      %dma_wait3A_93 = tpu.memref_slice %arg4[%arg1, %dma_wait3A_91, %dma_wait3A_92] : memref<16x160x128xi32, #tpu.memory_space<hbm>> -> memref<1x160x128xi32, #tpu.memory_space<hbm>>
      %dma_wait3A_94 = tpu.memref_squeeze %dma_wait3A_93 : memref<1x160x128xi32, #tpu.memory_space<hbm>> -> memref<160x128xi32, #tpu.memory_space<hbm>>
      %dma_wait3A_95 = arith.constant 0 : i32
      %dma_wait3A_96 = arith.constant 0 : i32
      %dma_wait3A_97 = tpu.memref_slice %arg4[%arg1, %dma_wait3A_95, %dma_wait3A_96] : memref<16x160x128xi32, #tpu.memory_space<hbm>> -> memref<1x160x128xi32, #tpu.memory_space<hbm>>
      %dma_wait3A_98 = tpu.memref_squeeze %dma_wait3A_97 : memref<1x160x128xi32, #tpu.memory_space<hbm>> -> memref<160x128xi32, #tpu.memory_space<hbm>>
      tpu.wait_dma2 semaphore(%run_scoped3A : memref<!tpu.dma_semaphore, #tpu.memory_space<semaphore_mem>>) src(%dma_wait3A_98 : memref<160x128xi32, #tpu.memory_space<hbm>>) dst(%arg10 : memref<160x128xi32, #tpu.memory_space<vmem>>)
      tpu.yield
    }) : () -> ()
    %mul3A = arith.constant 640 : i32
    %mul3A_0 = arith.muli %arg1, %mul3A : i32
    "tpu.region"() ({
      %run_scoped3A = tpu.sem_alloc : memref<!tpu.dma_semaphore, #tpu.memory_space<semaphore_mem>>
      %dma_start3A_83 = arith.constant 0 : i32
      %dma_start3A_84 = tpu.memref_slice %arg12[%mul3A_0, %dma_start3A_83] : memref<10240x64xf32, #tpu.memory_space<vmem_shared>> -> memref<640x64xf32, #tpu.memory_space<vmem_shared>>
      tpu.enqueue_dma source(%arg5 : memref<640x64xf32, #tpu.memory_space<hbm>>) target(%dma_start3A_84 : memref<640x64xf32, #tpu.memory_space<vmem_shared>>) target_semaphore(%run_scoped3A : memref<!tpu.dma_semaphore, #tpu.memory_space<semaphore_mem>>)
      %dma_wait3A_85 = arith.constant 0 : i32
      %dma_wait3A_86 = tpu.memref_slice %arg12[%mul3A_0, %dma_wait3A_85] : memref<10240x64xf32, #tpu.memory_space<vmem_shared>> -> memref<640x64xf32, #tpu.memory_space<vmem_shared>>
      tpu.wait_dma2 semaphore(%run_scoped3A : memref<!tpu.dma_semaphore, #tpu.memory_space<semaphore_mem>>) src(%arg5 : memref<640x64xf32, #tpu.memory_space<hbm>>) dst(%dma_wait3A_86 : memref<640x64xf32, #tpu.memory_space<vmem_shared>>)
      tpu.yield
    }) : () -> ()
    "tpu.region"() ({
      %run_scoped3A = tpu.sem_alloc : memref<!tpu.dma_semaphore, #tpu.memory_space<semaphore_mem>>
      tpu.enqueue_dma source(%arg6 : memref<10240xf32, #tpu.memory_space<hbm>>) target(%arg21 : memref<10240xf32, #tpu.memory_space<vmem>>) target_semaphore(%run_scoped3A : memref<!tpu.dma_semaphore, #tpu.memory_space<semaphore_mem>>)
      tpu.wait_dma2 semaphore(%run_scoped3A : memref<!tpu.dma_semaphore, #tpu.memory_space<semaphore_mem>>) src(%arg6 : memref<10240xf32, #tpu.memory_space<hbm>>) dst(%arg21 : memref<10240xf32, #tpu.memory_space<vmem>>)
      tpu.yield
    }) : () -> ()
    %barrier3A = arith.constant 0 : index
    tpu.barrier barrier_id(%barrier3A)
    %broadcast_in_dim3A = arith.constant 1.000000e+00 : f32
    %broadcast_in_dim3A_1 = vector.broadcast %broadcast_in_dim3A : f32 to vector<16xf32>
    %dma_start3A = arith.constant 0 : i32
    %dma_start3A_2 = arith.constant 0 : i32
    %dma_start3A_3 = arith.constant 0 : i32
    %dma_start3A_4 = arith.constant 0 : i32
    %dma_start3A_5 = tpu.memref_slice %arg11[%dma_start3A_2, %dma_start3A_3, %dma_start3A_4] : memref<4x128x64xf32, #tpu.memory_space<vmem>> -> memref<1x128x64xf32, #tpu.memory_space<vmem>>
    %dma_start3A_6 = tpu.memref_squeeze %dma_start3A_5 : memref<1x128x64xf32, #tpu.memory_space<vmem>> -> memref<128x64xf32, #tpu.memory_space<vmem>>
    %dma_start3A_7 = arith.constant 0 : i32
    %dma_start3A_8 = tpu.memref_slice %arg9[%dma_start3A, %dma_start3A_7] : memref<160x128xi32, #tpu.memory_space<vmem>> -> memref<1x128xi32, #tpu.memory_space<vmem>>
    %dma_start3A_9 = tpu.memref_squeeze %dma_start3A_8 : memref<1x128xi32, #tpu.memory_space<vmem>> -> memref<128xi32, #tpu.memory_space<vmem>>
    %dma_start3A_10 = arith.constant 0 : i32
    %dma_start3A_11 = arith.constant 0 : i32
    %dma_start3A_12 = tpu.memref_slice %arg2[%dma_start3A_10, %dma_start3A_11] : memref<20000x64xf32, #tpu.memory_space<hbm>> -> memref<20000x64xf32, #tpu.memory_space<hbm>>
    tpu.enqueue_indirect_dma source(%dma_start3A_12 : memref<20000x64xf32, #tpu.memory_space<hbm>>) target(%dma_start3A_6 : memref<128x64xf32, #tpu.memory_space<vmem>>) offsets(%dma_start3A_9 : memref<128xi32, #tpu.memory_space<vmem>>) semaphore(%arg13 : memref<!tpu.dma_semaphore, #tpu.memory_space<semaphore_mem>>)
    %dma_start3A_13 = arith.constant 1 : i32
    %dma_start3A_14 = arith.constant 1 : i32
    %dma_start3A_15 = arith.constant 0 : i32
    %dma_start3A_16 = arith.constant 0 : i32
    %dma_start3A_17 = tpu.memref_slice %arg11[%dma_start3A_14, %dma_start3A_15, %dma_start3A_16] : memref<4x128x64xf32, #tpu.memory_space<vmem>> -> memref<1x128x64xf32, #tpu.memory_space<vmem>>
    %dma_start3A_18 = tpu.memref_squeeze %dma_start3A_17 : memref<1x128x64xf32, #tpu.memory_space<vmem>> -> memref<128x64xf32, #tpu.memory_space<vmem>>
    %dma_start3A_19 = arith.constant 0 : i32
    %dma_start3A_20 = tpu.memref_slice %arg9[%dma_start3A_13, %dma_start3A_19] : memref<160x128xi32, #tpu.memory_space<vmem>> -> memref<1x128xi32, #tpu.memory_space<vmem>>
    %dma_start3A_21 = tpu.memref_squeeze %dma_start3A_20 : memref<1x128xi32, #tpu.memory_space<vmem>> -> memref<128xi32, #tpu.memory_space<vmem>>
    %dma_start3A_22 = arith.constant 0 : i32
    %dma_start3A_23 = arith.constant 0 : i32
    %dma_start3A_24 = tpu.memref_slice %arg2[%dma_start3A_22, %dma_start3A_23] : memref<20000x64xf32, #tpu.memory_space<hbm>> -> memref<20000x64xf32, #tpu.memory_space<hbm>>
    tpu.enqueue_indirect_dma source(%dma_start3A_24 : memref<20000x64xf32, #tpu.memory_space<hbm>>) target(%dma_start3A_18 : memref<128x64xf32, #tpu.memory_space<vmem>>) offsets(%dma_start3A_21 : memref<128xi32, #tpu.memory_space<vmem>>) semaphore(%arg14 : memref<!tpu.dma_semaphore, #tpu.memory_space<semaphore_mem>>)
    %dma_start3A_25 = arith.constant 2 : i32
    %dma_start3A_26 = arith.constant 2 : i32
    %dma_start3A_27 = arith.constant 0 : i32
    %dma_start3A_28 = arith.constant 0 : i32
    %dma_start3A_29 = tpu.memref_slice %arg11[%dma_start3A_26, %dma_start3A_27, %dma_start3A_28] : memref<4x128x64xf32, #tpu.memory_space<vmem>> -> memref<1x128x64xf32, #tpu.memory_space<vmem>>
    %dma_start3A_30 = tpu.memref_squeeze %dma_start3A_29 : memref<1x128x64xf32, #tpu.memory_space<vmem>> -> memref<128x64xf32, #tpu.memory_space<vmem>>
    %dma_start3A_31 = arith.constant 0 : i32
    %dma_start3A_32 = tpu.memref_slice %arg9[%dma_start3A_25, %dma_start3A_31] : memref<160x128xi32, #tpu.memory_space<vmem>> -> memref<1x128xi32, #tpu.memory_space<vmem>>
    %dma_start3A_33 = tpu.memref_squeeze %dma_start3A_32 : memref<1x128xi32, #tpu.memory_space<vmem>> -> memref<128xi32, #tpu.memory_space<vmem>>
    %dma_start3A_34 = arith.constant 0 : i32
    %dma_start3A_35 = arith.constant 0 : i32
    %dma_start3A_36 = tpu.memref_slice %arg2[%dma_start3A_34, %dma_start3A_35] : memref<20000x64xf32, #tpu.memory_space<hbm>> -> memref<20000x64xf32, #tpu.memory_space<hbm>>
    tpu.enqueue_indirect_dma source(%dma_start3A_36 : memref<20000x64xf32, #tpu.memory_space<hbm>>) target(%dma_start3A_30 : memref<128x64xf32, #tpu.memory_space<vmem>>) offsets(%dma_start3A_33 : memref<128xi32, #tpu.memory_space<vmem>>) semaphore(%arg15 : memref<!tpu.dma_semaphore, #tpu.memory_space<semaphore_mem>>)
    %dma_start3A_37 = arith.constant 3 : i32
    %dma_start3A_38 = arith.constant 3 : i32
    %dma_start3A_39 = arith.constant 0 : i32
    %dma_start3A_40 = arith.constant 0 : i32
    %dma_start3A_41 = tpu.memref_slice %arg11[%dma_start3A_38, %dma_start3A_39, %dma_start3A_40] : memref<4x128x64xf32, #tpu.memory_space<vmem>> -> memref<1x128x64xf32, #tpu.memory_space<vmem>>
    %dma_start3A_42 = tpu.memref_squeeze %dma_start3A_41 : memref<1x128x64xf32, #tpu.memory_space<vmem>> -> memref<128x64xf32, #tpu.memory_space<vmem>>
    %dma_start3A_43 = arith.constant 0 : i32
    %dma_start3A_44 = tpu.memref_slice %arg9[%dma_start3A_37, %dma_start3A_43] : memref<160x128xi32, #tpu.memory_space<vmem>> -> memref<1x128xi32, #tpu.memory_space<vmem>>
    %dma_start3A_45 = tpu.memref_squeeze %dma_start3A_44 : memref<1x128xi32, #tpu.memory_space<vmem>> -> memref<128xi32, #tpu.memory_space<vmem>>
    %dma_start3A_46 = arith.constant 0 : i32
    %dma_start3A_47 = arith.constant 0 : i32
    %dma_start3A_48 = tpu.memref_slice %arg2[%dma_start3A_46, %dma_start3A_47] : memref<20000x64xf32, #tpu.memory_space<hbm>> -> memref<20000x64xf32, #tpu.memory_space<hbm>>
    tpu.enqueue_indirect_dma source(%dma_start3A_48 : memref<20000x64xf32, #tpu.memory_space<hbm>>) target(%dma_start3A_42 : memref<128x64xf32, #tpu.memory_space<vmem>>) offsets(%dma_start3A_45 : memref<128xi32, #tpu.memory_space<vmem>>) semaphore(%arg16 : memref<!tpu.dma_semaphore, #tpu.memory_space<semaphore_mem>>)
    %scan3A = arith.constant 0 : i32
    %scan3A_49 = arith.constant 40 : i32
    %scan3A_50 = arith.addi %scan3A, %scan3A_49 : i32
    %scan3A_51 = arith.constant 1 : i32
    scf.for %scan3A_83 = %scan3A to %scan3A_50 step %scan3A_51  : i32 {
      %mul3A_84 = arith.constant 4 : i32
      %mul3A_85 = arith.muli %scan3A_83, %mul3A_84 : i32
      %add3A = arith.constant 0 : i32
      %add3A_86 = arith.addi %add3A, %mul3A_85 : i32
      %add3A_87 = arith.constant 0 : i32
      %add3A_88 = arith.addi %add3A_86, %add3A_87 : i32
      %dma_wait3A_89 = arith.constant 0 : i32
      %dma_wait3A_90 = arith.constant 0 : i32
      %dma_wait3A_91 = arith.constant 0 : i32
      %dma_wait3A_92 = tpu.memref_slice %arg11[%dma_wait3A_89, %dma_wait3A_90, %dma_wait3A_91] : memref<4x128x64xf32, #tpu.memory_space<vmem>> -> memref<1x128x64xf32, #tpu.memory_space<vmem>>
      %dma_wait3A_93 = tpu.memref_squeeze %dma_wait3A_92 : memref<1x128x64xf32, #tpu.memory_space<vmem>> -> memref<128x64xf32, #tpu.memory_space<vmem>>
      %dma_wait3A_94 = arith.constant 0 : i32
      %dma_wait3A_95 = tpu.memref_slice %arg9[%add3A_88, %dma_wait3A_94] : memref<160x128xi32, #tpu.memory_space<vmem>> -> memref<1x128xi32, #tpu.memory_space<vmem>>
      %dma_wait3A_96 = tpu.memref_squeeze %dma_wait3A_95 : memref<1x128xi32, #tpu.memory_space<vmem>> -> memref<128xi32, #tpu.memory_space<vmem>>
      %dma_wait3A_97 = arith.constant 0 : i32
      %dma_wait3A_98 = arith.constant 0 : i32
      %dma_wait3A_99 = tpu.memref_slice %arg2[%dma_wait3A_97, %dma_wait3A_98] : memref<20000x64xf32, #tpu.memory_space<hbm>> -> memref<20000x64xf32, #tpu.memory_space<hbm>>
      tpu.wait_indirect_dma semaphore(%arg13 : memref<!tpu.dma_semaphore, #tpu.memory_space<semaphore_mem>>) src(%dma_wait3A_99 : memref<20000x64xf32, #tpu.memory_space<hbm>>) dst(%dma_wait3A_93 : memref<128x64xf32, #tpu.memory_space<vmem>>)
      %dma_start3A_100 = arith.constant 0 : i32
      %dma_start3A_101 = arith.constant 0 : i32
      %dma_start3A_102 = arith.constant 0 : i32
      %dma_start3A_103 = tpu.memref_slice %arg11[%dma_start3A_100, %dma_start3A_101, %dma_start3A_102] : memref<4x128x64xf32, #tpu.memory_space<vmem>> -> memref<1x128x64xf32, #tpu.memory_space<vmem>>
      %dma_start3A_104 = tpu.memref_squeeze %dma_start3A_103 : memref<1x128x64xf32, #tpu.memory_space<vmem>> -> memref<128x64xf32, #tpu.memory_space<vmem>>
      %dma_start3A_105 = arith.constant 0 : i32
      %dma_start3A_106 = tpu.memref_slice %arg10[%add3A_88, %dma_start3A_105] : memref<160x128xi32, #tpu.memory_space<vmem>> -> memref<1x128xi32, #tpu.memory_space<vmem>>
      %dma_start3A_107 = tpu.memref_squeeze %dma_start3A_106 : memref<1x128xi32, #tpu.memory_space<vmem>> -> memref<128xi32, #tpu.memory_space<vmem>>
      %dma_start3A_108 = arith.constant 0 : i32
      %dma_start3A_109 = arith.constant 0 : i32
      %dma_start3A_110 = tpu.memref_slice %arg12[%dma_start3A_108, %dma_start3A_109] : memref<10240x64xf32, #tpu.memory_space<vmem_shared>> -> memref<10240x64xf32, #tpu.memory_space<vmem_shared>>
      tpu.enqueue_indirect_dma source(%dma_start3A_104 : memref<128x64xf32, #tpu.memory_space<vmem>>) target(%dma_start3A_110 : memref<10240x64xf32, #tpu.memory_space<vmem_shared>>) offsets(%dma_start3A_107 : memref<128xi32, #tpu.memory_space<vmem>>) semaphore(%arg17 : memref<!tpu.dma_semaphore, #tpu.memory_space<semaphore_mem>>) {add = true}
      %get3A = arith.index_cast %add3A_88 : i32 to index
      %get3A_111 = arith.constant 0 : index
      %get3A_112 = tpu.vector_load %arg10[%get3A, %get3A_111] {strides = array<i32>} : memref<160x128xi32, #tpu.memory_space<vmem>>, vector<16xi32>,
      tpu.vector_store_idx %arg21[%get3A_112], %broadcast_in_dim3A_1 {add = true} : memref<10240xf32, #tpu.memory_space<vmem>>[vector<16xi32>], vector<16xf32>,
      %get3A_113 = arith.index_cast %add3A_88 : i32 to index
      %get3A_114 = arith.constant 16 : index
      %get3A_115 = tpu.vector_load %arg10[%get3A_113, %get3A_114] {strides = array<i32>} : memref<160x128xi32, #tpu.memory_space<vmem>>, vector<16xi32>,
      tpu.vector_store_idx %arg21[%get3A_115], %broadcast_in_dim3A_1 {add = true} : memref<10240xf32, #tpu.memory_space<vmem>>[vector<16xi32>], vector<16xf32>,
      %get3A_116 = arith.index_cast %add3A_88 : i32 to index
      %get3A_117 = arith.constant 32 : index
      %get3A_118 = tpu.vector_load %arg10[%get3A_116, %get3A_117] {strides = array<i32>} : memref<160x128xi32, #tpu.memory_space<vmem>>, vector<16xi32>,
      tpu.vector_store_idx %arg21[%get3A_118], %broadcast_in_dim3A_1 {add = true} : memref<10240xf32, #tpu.memory_space<vmem>>[vector<16xi32>], vector<16xf32>,
      %get3A_119 = arith.index_cast %add3A_88 : i32 to index
      %get3A_120 = arith.constant 48 : index
      %get3A_121 = tpu.vector_load %arg10[%get3A_119, %get3A_120] {strides = array<i32>} : memref<160x128xi32, #tpu.memory_space<vmem>>, vector<16xi32>,
      tpu.vector_store_idx %arg21[%get3A_121], %broadcast_in_dim3A_1 {add = true} : memref<10240xf32, #tpu.memory_space<vmem>>[vector<16xi32>], vector<16xf32>,
      %get3A_122 = arith.index_cast %add3A_88 : i32 to index
      %get3A_123 = arith.constant 64 : index
      %get3A_124 = tpu.vector_load %arg10[%get3A_122, %get3A_123] {strides = array<i32>} : memref<160x128xi32, #tpu.memory_space<vmem>>, vector<16xi32>,
      tpu.vector_store_idx %arg21[%get3A_124], %broadcast_in_dim3A_1 {add = true} : memref<10240xf32, #tpu.memory_space<vmem>>[vector<16xi32>], vector<16xf32>,
      %get3A_125 = arith.index_cast %add3A_88 : i32 to index
      %get3A_126 = arith.constant 80 : index
      %get3A_127 = tpu.vector_load %arg10[%get3A_125, %get3A_126] {strides = array<i32>} : memref<160x128xi32, #tpu.memory_space<vmem>>, vector<16xi32>,
      tpu.vector_store_idx %arg21[%get3A_127], %broadcast_in_dim3A_1 {add = true} : memref<10240xf32, #tpu.memory_space<vmem>>[vector<16xi32>], vector<16xf32>,
      %get3A_128 = arith.index_cast %add3A_88 : i32 to index
      %get3A_129 = arith.constant 96 : index
      %get3A_130 = tpu.vector_load %arg10[%get3A_128, %get3A_129] {strides = array<i32>} : memref<160x128xi32, #tpu.memory_space<vmem>>, vector<16xi32>,
      tpu.vector_store_idx %arg21[%get3A_130], %broadcast_in_dim3A_1 {add = true} : memref<10240xf32, #tpu.memory_space<vmem>>[vector<16xi32>], vector<16xf32>,
      %get3A_131 = arith.index_cast %add3A_88 : i32 to index
      %get3A_132 = arith.constant 112 : index
      %get3A_133 = tpu.vector_load %arg10[%get3A_131, %get3A_132] {strides = array<i32>} : memref<160x128xi32, #tpu.memory_space<vmem>>, vector<16xi32>,
      tpu.vector_store_idx %arg21[%get3A_133], %broadcast_in_dim3A_1 {add = true} : memref<10240xf32, #tpu.memory_space<vmem>>[vector<16xi32>], vector<16xf32>,
      %sub3A = arith.constant 2 : i32
      %sub3A_134 = arith.subi %add3A_88, %sub3A : i32
      %ge3A = arith.constant 0 : i32
      %ge3A_135 = arith.cmpi sge, %sub3A_134, %ge3A : i32
      %convert_element_type3A_136 = arith.extui %ge3A_135 : i1 to i32
      %cond3A_137 = arith.constant 0 : i32
      %cond3A_138 = arith.cmpi ne, %convert_element_type3A_136, %cond3A_137 : i32
      scf.if %cond3A_138 {
        %dma_wait3A_304 = arith.constant 2 : i32
        %dma_wait3A_305 = arith.constant 0 : i32
        %dma_wait3A_306 = arith.constant 0 : i32
        %dma_wait3A_307 = tpu.memref_slice %arg11[%dma_wait3A_304, %dma_wait3A_305, %dma_wait3A_306] : memref<4x128x64xf32, #tpu.memory_space<vmem>> -> memref<1x128x64xf32, #tpu.memory_space<vmem>>
        %dma_wait3A_308 = tpu.memref_squeeze %dma_wait3A_307 : memref<1x128x64xf32, #tpu.memory_space<vmem>> -> memref<128x64xf32, #tpu.memory_space<vmem>>
        %dma_wait3A_309 = arith.constant 0 : i32
        %dma_wait3A_310 = tpu.memref_slice %arg10[%sub3A_134, %dma_wait3A_309] : memref<160x128xi32, #tpu.memory_space<vmem>> -> memref<1x128xi32, #tpu.memory_space<vmem>>
        %dma_wait3A_311 = tpu.memref_squeeze %dma_wait3A_310 : memref<1x128xi32, #tpu.memory_space<vmem>> -> memref<128xi32, #tpu.memory_space<vmem>>
        %dma_wait3A_312 = arith.constant 0 : i32
        %dma_wait3A_313 = arith.constant 0 : i32
        %dma_wait3A_314 = tpu.memref_slice %arg12[%dma_wait3A_312, %dma_wait3A_313] : memref<10240x64xf32, #tpu.memory_space<vmem_shared>> -> memref<10240x64xf32, #tpu.memory_space<vmem_shared>>
        tpu.wait_indirect_dma semaphore(%arg19 : memref<!tpu.dma_semaphore, #tpu.memory_space<semaphore_mem>>) src(%dma_wait3A_308 : memref<128x64xf32, #tpu.memory_space<vmem>>) dst(%dma_wait3A_314 : memref<10240x64xf32, #tpu.memory_space<vmem_shared>>)
        %add3A_315 = arith.constant 4 : i32
        %add3A_316 = arith.addi %sub3A_134, %add3A_315 : i32
        %lt3A = arith.constant 160 : i32
        %lt3A_317 = arith.cmpi slt, %add3A_316, %lt3A : i32
        %convert_element_type3A_318 = arith.extui %lt3A_317 : i1 to i32
        %cond3A_319 = arith.constant 0 : i32
        %cond3A_320 = arith.cmpi ne, %convert_element_type3A_318, %cond3A_319 : i32
        scf.if %cond3A_320 {
          %add3A_321 = arith.constant 4 : i32
          %add3A_322 = arith.addi %sub3A_134, %add3A_321 : i32
          %dma_start3A_323 = arith.constant 2 : i32
          %dma_start3A_324 = arith.constant 0 : i32
          %dma_start3A_325 = arith.constant 0 : i32
          %dma_start3A_326 = tpu.memref_slice %arg11[%dma_start3A_323, %dma_start3A_324, %dma_start3A_325] : memref<4x128x64xf32, #tpu.memory_space<vmem>> -> memref<1x128x64xf32, #tpu.memory_space<vmem>>
          %dma_start3A_327 = tpu.memref_squeeze %dma_start3A_326 : memref<1x128x64xf32, #tpu.memory_space<vmem>> -> memref<128x64xf32, #tpu.memory_space<vmem>>
          %dma_start3A_328 = arith.constant 0 : i32
          %dma_start3A_329 = tpu.memref_slice %arg9[%add3A_322, %dma_start3A_328] : memref<160x128xi32, #tpu.memory_space<vmem>> -> memref<1x128xi32, #tpu.memory_space<vmem>>
          %dma_start3A_330 = tpu.memref_squeeze %dma_start3A_329 : memref<1x128xi32, #tpu.memory_space<vmem>> -> memref<128xi32, #tpu.memory_space<vmem>>
          %dma_start3A_331 = arith.constant 0 : i32
          %dma_start3A_332 = arith.constant 0 : i32
          %dma_start3A_333 = tpu.memref_slice %arg2[%dma_start3A_331, %dma_start3A_332] : memref<20000x64xf32, #tpu.memory_space<hbm>> -> memref<20000x64xf32, #tpu.memory_space<hbm>>
          tpu.enqueue_indirect_dma source(%dma_start3A_333 : memref<20000x64xf32, #tpu.memory_space<hbm>>) target(%dma_start3A_327 : memref<128x64xf32, #tpu.memory_space<vmem>>) offsets(%dma_start3A_330 : memref<128xi32, #tpu.memory_space<vmem>>) semaphore(%arg15 : memref<!tpu.dma_semaphore, #tpu.memory_space<semaphore_mem>>)
        } else {
        }
      } else {
      }
      %add3A_139 = arith.constant 1 : i32
      %add3A_140 = arith.addi %add3A_86, %add3A_139 : i32
      %dma_wait3A_141 = arith.constant 1 : i32
      %dma_wait3A_142 = arith.constant 0 : i32
      %dma_wait3A_143 = arith.constant 0 : i32
      %dma_wait3A_144 = tpu.memref_slice %arg11[%dma_wait3A_141, %dma_wait3A_142, %dma_wait3A_143] : memref<4x128x64xf32, #tpu.memory_space<vmem>> -> memref<1x128x64xf32, #tpu.memory_space<vmem>>
      %dma_wait3A_145 = tpu.memref_squeeze %dma_wait3A_144 : memref<1x128x64xf32, #tpu.memory_space<vmem>> -> memref<128x64xf32, #tpu.memory_space<vmem>>
      %dma_wait3A_146 = arith.constant 0 : i32
      %dma_wait3A_147 = tpu.memref_slice %arg9[%add3A_140, %dma_wait3A_146] : memref<160x128xi32, #tpu.memory_space<vmem>> -> memref<1x128xi32, #tpu.memory_space<vmem>>
      %dma_wait3A_148 = tpu.memref_squeeze %dma_wait3A_147 : memref<1x128xi32, #tpu.memory_space<vmem>> -> memref<128xi32, #tpu.memory_space<vmem>>
      %dma_wait3A_149 = arith.constant 0 : i32
      %dma_wait3A_150 = arith.constant 0 : i32
      %dma_wait3A_151 = tpu.memref_slice %arg2[%dma_wait3A_149, %dma_wait3A_150] : memref<20000x64xf32, #tpu.memory_space<hbm>> -> memref<20000x64xf32, #tpu.memory_space<hbm>>
      tpu.wait_indirect_dma semaphore(%arg14 : memref<!tpu.dma_semaphore, #tpu.memory_space<semaphore_mem>>) src(%dma_wait3A_151 : memref<20000x64xf32, #tpu.memory_space<hbm>>) dst(%dma_wait3A_145 : memref<128x64xf32, #tpu.memory_space<vmem>>)
      %dma_start3A_152 = arith.constant 1 : i32
      %dma_start3A_153 = arith.constant 0 : i32
      %dma_start3A_154 = arith.constant 0 : i32
      %dma_start3A_155 = tpu.memref_slice %arg11[%dma_start3A_152, %dma_start3A_153, %dma_start3A_154] : memref<4x128x64xf32, #tpu.memory_space<vmem>> -> memref<1x128x64xf32, #tpu.memory_space<vmem>>
      %dma_start3A_156 = tpu.memref_squeeze %dma_start3A_155 : memref<1x128x64xf32, #tpu.memory_space<vmem>> -> memref<128x64xf32, #tpu.memory_space<vmem>>
      %dma_start3A_157 = arith.constant 0 : i32
      %dma_start3A_158 = tpu.memref_slice %arg10[%add3A_140, %dma_start3A_157] : memref<160x128xi32, #tpu.memory_space<vmem>> -> memref<1x128xi32, #tpu.memory_space<vmem>>
      %dma_start3A_159 = tpu.memref_squeeze %dma_start3A_158 : memref<1x128xi32, #tpu.memory_space<vmem>> -> memref<128xi32, #tpu.memory_space<vmem>>
      %dma_start3A_160 = arith.constant 0 : i32
      %dma_start3A_161 = arith.constant 0 : i32
      %dma_start3A_162 = tpu.memref_slice %arg12[%dma_start3A_160, %dma_start3A_161] : memref<10240x64xf32, #tpu.memory_space<vmem_shared>> -> memref<10240x64xf32, #tpu.memory_space<vmem_shared>>
      tpu.enqueue_indirect_dma source(%dma_start3A_156 : memref<128x64xf32, #tpu.memory_space<vmem>>) target(%dma_start3A_162 : memref<10240x64xf32, #tpu.memory_space<vmem_shared>>) offsets(%dma_start3A_159 : memref<128xi32, #tpu.memory_space<vmem>>) semaphore(%arg18 : memref<!tpu.dma_semaphore, #tpu.memory_space<semaphore_mem>>) {add = true}
      %get3A_163 = arith.index_cast %add3A_140 : i32 to index
      %get3A_164 = arith.constant 0 : index
      %get3A_165 = tpu.vector_load %arg10[%get3A_163, %get3A_164] {strides = array<i32>} : memref<160x128xi32, #tpu.memory_space<vmem>>, vector<16xi32>,
      tpu.vector_store_idx %arg21[%get3A_165], %broadcast_in_dim3A_1 {add = true} : memref<10240xf32, #tpu.memory_space<vmem>>[vector<16xi32>], vector<16xf32>,
      %get3A_166 = arith.index_cast %add3A_140 : i32 to index
      %get3A_167 = arith.constant 16 : index
      %get3A_168 = tpu.vector_load %arg10[%get3A_166, %get3A_167] {strides = array<i32>} : memref<160x128xi32, #tpu.memory_space<vmem>>, vector<16xi32>,
      tpu.vector_store_idx %arg21[%get3A_168], %broadcast_in_dim3A_1 {add = true} : memref<10240xf32, #tpu.memory_space<vmem>>[vector<16xi32>], vector<16xf32>,
      %get3A_169 = arith.index_cast %add3A_140 : i32 to index
      %get3A_170 = arith.constant 32 : index
      %get3A_171 = tpu.vector_load %arg10[%get3A_169, %get3A_170] {strides = array<i32>} : memref<160x128xi32, #tpu.memory_space<vmem>>, vector<16xi32>,
      tpu.vector_store_idx %arg21[%get3A_171], %broadcast_in_dim3A_1 {add = true} : memref<10240xf32, #tpu.memory_space<vmem>>[vector<16xi32>], vector<16xf32>,
      %get3A_172 = arith.index_cast %add3A_140 : i32 to index
      %get3A_173 = arith.constant 48 : index
      %get3A_174 = tpu.vector_load %arg10[%get3A_172, %get3A_173] {strides = array<i32>} : memref<160x128xi32, #tpu.memory_space<vmem>>, vector<16xi32>,
      tpu.vector_store_idx %arg21[%get3A_174], %broadcast_in_dim3A_1 {add = true} : memref<10240xf32, #tpu.memory_space<vmem>>[vector<16xi32>], vector<16xf32>,
      %get3A_175 = arith.index_cast %add3A_140 : i32 to index
      %get3A_176 = arith.constant 64 : index
      %get3A_177 = tpu.vector_load %arg10[%get3A_175, %get3A_176] {strides = array<i32>} : memref<160x128xi32, #tpu.memory_space<vmem>>, vector<16xi32>,
      tpu.vector_store_idx %arg21[%get3A_177], %broadcast_in_dim3A_1 {add = true} : memref<10240xf32, #tpu.memory_space<vmem>>[vector<16xi32>], vector<16xf32>,
      %get3A_178 = arith.index_cast %add3A_140 : i32 to index
      %get3A_179 = arith.constant 80 : index
      %get3A_180 = tpu.vector_load %arg10[%get3A_178, %get3A_179] {strides = array<i32>} : memref<160x128xi32, #tpu.memory_space<vmem>>, vector<16xi32>,
      tpu.vector_store_idx %arg21[%get3A_180], %broadcast_in_dim3A_1 {add = true} : memref<10240xf32, #tpu.memory_space<vmem>>[vector<16xi32>], vector<16xf32>,
      %get3A_181 = arith.index_cast %add3A_140 : i32 to index
      %get3A_182 = arith.constant 96 : index
      %get3A_183 = tpu.vector_load %arg10[%get3A_181, %get3A_182] {strides = array<i32>} : memref<160x128xi32, #tpu.memory_space<vmem>>, vector<16xi32>,
      tpu.vector_store_idx %arg21[%get3A_183], %broadcast_in_dim3A_1 {add = true} : memref<10240xf32, #tpu.memory_space<vmem>>[vector<16xi32>], vector<16xf32>,
      %get3A_184 = arith.index_cast %add3A_140 : i32 to index
      %get3A_185 = arith.constant 112 : index
      %get3A_186 = tpu.vector_load %arg10[%get3A_184, %get3A_185] {strides = array<i32>} : memref<160x128xi32, #tpu.memory_space<vmem>>, vector<16xi32>,
      tpu.vector_store_idx %arg21[%get3A_186], %broadcast_in_dim3A_1 {add = true} : memref<10240xf32, #tpu.memory_space<vmem>>[vector<16xi32>], vector<16xf32>,
      %sub3A_187 = arith.constant 2 : i32
      %sub3A_188 = arith.subi %add3A_140, %sub3A_187 : i32
      %ge3A_189 = arith.constant 0 : i32
      %ge3A_190 = arith.cmpi sge, %sub3A_188, %ge3A_189 : i32
      %convert_element_type3A_191 = arith.extui %ge3A_190 : i1 to i32
      %cond3A_192 = arith.constant 0 : i32
      %cond3A_193 = arith.cmpi ne, %convert_element_type3A_191, %cond3A_192 : i32
      scf.if %cond3A_193 {
        %dma_wait3A_304 = arith.constant 3 : i32
        %dma_wait3A_305 = arith.constant 0 : i32
        %dma_wait3A_306 = arith.constant 0 : i32
        %dma_wait3A_307 = tpu.memref_slice %arg11[%dma_wait3A_304, %dma_wait3A_305, %dma_wait3A_306] : memref<4x128x64xf32, #tpu.memory_space<vmem>> -> memref<1x128x64xf32, #tpu.memory_space<vmem>>
        %dma_wait3A_308 = tpu.memref_squeeze %dma_wait3A_307 : memref<1x128x64xf32, #tpu.memory_space<vmem>> -> memref<128x64xf32, #tpu.memory_space<vmem>>
        %dma_wait3A_309 = arith.constant 0 : i32
        %dma_wait3A_310 = tpu.memref_slice %arg10[%sub3A_188, %dma_wait3A_309] : memref<160x128xi32, #tpu.memory_space<vmem>> -> memref<1x128xi32, #tpu.memory_space<vmem>>
        %dma_wait3A_311 = tpu.memref_squeeze %dma_wait3A_310 : memref<1x128xi32, #tpu.memory_space<vmem>> -> memref<128xi32, #tpu.memory_space<vmem>>
        %dma_wait3A_312 = arith.constant 0 : i32
        %dma_wait3A_313 = arith.constant 0 : i32
        %dma_wait3A_314 = tpu.memref_slice %arg12[%dma_wait3A_312, %dma_wait3A_313] : memref<10240x64xf32, #tpu.memory_space<vmem_shared>> -> memref<10240x64xf32, #tpu.memory_space<vmem_shared>>
        tpu.wait_indirect_dma semaphore(%arg20 : memref<!tpu.dma_semaphore, #tpu.memory_space<semaphore_mem>>) src(%dma_wait3A_308 : memref<128x64xf32, #tpu.memory_space<vmem>>) dst(%dma_wait3A_314 : memref<10240x64xf32, #tpu.memory_space<vmem_shared>>)
        %add3A_315 = arith.constant 4 : i32
        %add3A_316 = arith.addi %sub3A_188, %add3A_315 : i32
        %lt3A = arith.constant 160 : i32
        %lt3A_317 = arith.cmpi slt, %add3A_316, %lt3A : i32
        %convert_element_type3A_318 = arith.extui %lt3A_317 : i1 to i32
        %cond3A_319 = arith.constant 0 : i32
        %cond3A_320 = arith.cmpi ne, %convert_element_type3A_318, %cond3A_319 : i32
        scf.if %cond3A_320 {
          %add3A_321 = arith.constant 4 : i32
          %add3A_322 = arith.addi %sub3A_188, %add3A_321 : i32
          %dma_start3A_323 = arith.constant 3 : i32
          %dma_start3A_324 = arith.constant 0 : i32
          %dma_start3A_325 = arith.constant 0 : i32
          %dma_start3A_326 = tpu.memref_slice %arg11[%dma_start3A_323, %dma_start3A_324, %dma_start3A_325] : memref<4x128x64xf32, #tpu.memory_space<vmem>> -> memref<1x128x64xf32, #tpu.memory_space<vmem>>
          %dma_start3A_327 = tpu.memref_squeeze %dma_start3A_326 : memref<1x128x64xf32, #tpu.memory_space<vmem>> -> memref<128x64xf32, #tpu.memory_space<vmem>>
          %dma_start3A_328 = arith.constant 0 : i32
          %dma_start3A_329 = tpu.memref_slice %arg9[%add3A_322, %dma_start3A_328] : memref<160x128xi32, #tpu.memory_space<vmem>> -> memref<1x128xi32, #tpu.memory_space<vmem>>
          %dma_start3A_330 = tpu.memref_squeeze %dma_start3A_329 : memref<1x128xi32, #tpu.memory_space<vmem>> -> memref<128xi32, #tpu.memory_space<vmem>>
          %dma_start3A_331 = arith.constant 0 : i32
          %dma_start3A_332 = arith.constant 0 : i32
          %dma_start3A_333 = tpu.memref_slice %arg2[%dma_start3A_331, %dma_start3A_332] : memref<20000x64xf32, #tpu.memory_space<hbm>> -> memref<20000x64xf32, #tpu.memory_space<hbm>>
          tpu.enqueue_indirect_dma source(%dma_start3A_333 : memref<20000x64xf32, #tpu.memory_space<hbm>>) target(%dma_start3A_327 : memref<128x64xf32, #tpu.memory_space<vmem>>) offsets(%dma_start3A_330 : memref<128xi32, #tpu.memory_space<vmem>>) semaphore(%arg16 : memref<!tpu.dma_semaphore, #tpu.memory_space<semaphore_mem>>)
        } else {
        }
      } else {
      }
      %add3A_194 = arith.constant 2 : i32
      %add3A_195 = arith.addi %add3A_86, %add3A_194 : i32
      %dma_wait3A_196 = arith.constant 2 : i32
      %dma_wait3A_197 = arith.constant 0 : i32
      %dma_wait3A_198 = arith.constant 0 : i32
      %dma_wait3A_199 = tpu.memref_slice %arg11[%dma_wait3A_196, %dma_wait3A_197, %dma_wait3A_198] : memref<4x128x64xf32, #tpu.memory_space<vmem>> -> memref<1x128x64xf32, #tpu.memory_space<vmem>>
      %dma_wait3A_200 = tpu.memref_squeeze %dma_wait3A_199 : memref<1x128x64xf32, #tpu.memory_space<vmem>> -> memref<128x64xf32, #tpu.memory_space<vmem>>
      %dma_wait3A_201 = arith.constant 0 : i32
      %dma_wait3A_202 = tpu.memref_slice %arg9[%add3A_195, %dma_wait3A_201] : memref<160x128xi32, #tpu.memory_space<vmem>> -> memref<1x128xi32, #tpu.memory_space<vmem>>
      %dma_wait3A_203 = tpu.memref_squeeze %dma_wait3A_202 : memref<1x128xi32, #tpu.memory_space<vmem>> -> memref<128xi32, #tpu.memory_space<vmem>>
      %dma_wait3A_204 = arith.constant 0 : i32
      %dma_wait3A_205 = arith.constant 0 : i32
      %dma_wait3A_206 = tpu.memref_slice %arg2[%dma_wait3A_204, %dma_wait3A_205] : memref<20000x64xf32, #tpu.memory_space<hbm>> -> memref<20000x64xf32, #tpu.memory_space<hbm>>
      tpu.wait_indirect_dma semaphore(%arg15 : memref<!tpu.dma_semaphore, #tpu.memory_space<semaphore_mem>>) src(%dma_wait3A_206 : memref<20000x64xf32, #tpu.memory_space<hbm>>) dst(%dma_wait3A_200 : memref<128x64xf32, #tpu.memory_space<vmem>>)
      %dma_start3A_207 = arith.constant 2 : i32
      %dma_start3A_208 = arith.constant 0 : i32
      %dma_start3A_209 = arith.constant 0 : i32
      %dma_start3A_210 = tpu.memref_slice %arg11[%dma_start3A_207, %dma_start3A_208, %dma_start3A_209] : memref<4x128x64xf32, #tpu.memory_space<vmem>> -> memref<1x128x64xf32, #tpu.memory_space<vmem>>
      %dma_start3A_211 = tpu.memref_squeeze %dma_start3A_210 : memref<1x128x64xf32, #tpu.memory_space<vmem>> -> memref<128x64xf32, #tpu.memory_space<vmem>>
      %dma_start3A_212 = arith.constant 0 : i32
      %dma_start3A_213 = tpu.memref_slice %arg10[%add3A_195, %dma_start3A_212] : memref<160x128xi32, #tpu.memory_space<vmem>> -> memref<1x128xi32, #tpu.memory_space<vmem>>
      %dma_start3A_214 = tpu.memref_squeeze %dma_start3A_213 : memref<1x128xi32, #tpu.memory_space<vmem>> -> memref<128xi32, #tpu.memory_space<vmem>>
      %dma_start3A_215 = arith.constant 0 : i32
      %dma_start3A_216 = arith.constant 0 : i32
      %dma_start3A_217 = tpu.memref_slice %arg12[%dma_start3A_215, %dma_start3A_216] : memref<10240x64xf32, #tpu.memory_space<vmem_shared>> -> memref<10240x64xf32, #tpu.memory_space<vmem_shared>>
      tpu.enqueue_indirect_dma source(%dma_start3A_211 : memref<128x64xf32, #tpu.memory_space<vmem>>) target(%dma_start3A_217 : memref<10240x64xf32, #tpu.memory_space<vmem_shared>>) offsets(%dma_start3A_214 : memref<128xi32, #tpu.memory_space<vmem>>) semaphore(%arg19 : memref<!tpu.dma_semaphore, #tpu.memory_space<semaphore_mem>>) {add = true}
      %get3A_218 = arith.index_cast %add3A_195 : i32 to index
      %get3A_219 = arith.constant 0 : index
      %get3A_220 = tpu.vector_load %arg10[%get3A_218, %get3A_219] {strides = array<i32>} : memref<160x128xi32, #tpu.memory_space<vmem>>, vector<16xi32>,
      tpu.vector_store_idx %arg21[%get3A_220], %broadcast_in_dim3A_1 {add = true} : memref<10240xf32, #tpu.memory_space<vmem>>[vector<16xi32>], vector<16xf32>,
      %get3A_221 = arith.index_cast %add3A_195 : i32 to index
      %get3A_222 = arith.constant 16 : index
      %get3A_223 = tpu.vector_load %arg10[%get3A_221, %get3A_222] {strides = array<i32>} : memref<160x128xi32, #tpu.memory_space<vmem>>, vector<16xi32>,
      tpu.vector_store_idx %arg21[%get3A_223], %broadcast_in_dim3A_1 {add = true} : memref<10240xf32, #tpu.memory_space<vmem>>[vector<16xi32>], vector<16xf32>,
      %get3A_224 = arith.index_cast %add3A_195 : i32 to index
      %get3A_225 = arith.constant 32 : index
      %get3A_226 = tpu.vector_load %arg10[%get3A_224, %get3A_225] {strides = array<i32>} : memref<160x128xi32, #tpu.memory_space<vmem>>, vector<16xi32>,
      tpu.vector_store_idx %arg21[%get3A_226], %broadcast_in_dim3A_1 {add = true} : memref<10240xf32, #tpu.memory_space<vmem>>[vector<16xi32>], vector<16xf32>,
      %get3A_227 = arith.index_cast %add3A_195 : i32 to index
      %get3A_228 = arith.constant 48 : index
      %get3A_229 = tpu.vector_load %arg10[%get3A_227, %get3A_228] {strides = array<i32>} : memref<160x128xi32, #tpu.memory_space<vmem>>, vector<16xi32>,
      tpu.vector_store_idx %arg21[%get3A_229], %broadcast_in_dim3A_1 {add = true} : memref<10240xf32, #tpu.memory_space<vmem>>[vector<16xi32>], vector<16xf32>,
      %get3A_230 = arith.index_cast %add3A_195 : i32 to index
      %get3A_231 = arith.constant 64 : index
      %get3A_232 = tpu.vector_load %arg10[%get3A_230, %get3A_231] {strides = array<i32>} : memref<160x128xi32, #tpu.memory_space<vmem>>, vector<16xi32>,
      tpu.vector_store_idx %arg21[%get3A_232], %broadcast_in_dim3A_1 {add = true} : memref<10240xf32, #tpu.memory_space<vmem>>[vector<16xi32>], vector<16xf32>,
      %get3A_233 = arith.index_cast %add3A_195 : i32 to index
      %get3A_234 = arith.constant 80 : index
      %get3A_235 = tpu.vector_load %arg10[%get3A_233, %get3A_234] {strides = array<i32>} : memref<160x128xi32, #tpu.memory_space<vmem>>, vector<16xi32>,
      tpu.vector_store_idx %arg21[%get3A_235], %broadcast_in_dim3A_1 {add = true} : memref<10240xf32, #tpu.memory_space<vmem>>[vector<16xi32>], vector<16xf32>,
      %get3A_236 = arith.index_cast %add3A_195 : i32 to index
      %get3A_237 = arith.constant 96 : index
      %get3A_238 = tpu.vector_load %arg10[%get3A_236, %get3A_237] {strides = array<i32>} : memref<160x128xi32, #tpu.memory_space<vmem>>, vector<16xi32>,
      tpu.vector_store_idx %arg21[%get3A_238], %broadcast_in_dim3A_1 {add = true} : memref<10240xf32, #tpu.memory_space<vmem>>[vector<16xi32>], vector<16xf32>,
      %get3A_239 = arith.index_cast %add3A_195 : i32 to index
      %get3A_240 = arith.constant 112 : index
      %get3A_241 = tpu.vector_load %arg10[%get3A_239, %get3A_240] {strides = array<i32>} : memref<160x128xi32, #tpu.memory_space<vmem>>, vector<16xi32>,
      tpu.vector_store_idx %arg21[%get3A_241], %broadcast_in_dim3A_1 {add = true} : memref<10240xf32, #tpu.memory_space<vmem>>[vector<16xi32>], vector<16xf32>,
      %sub3A_242 = arith.constant 2 : i32
      %sub3A_243 = arith.subi %add3A_195, %sub3A_242 : i32
      %ge3A_244 = arith.constant 0 : i32
      %ge3A_245 = arith.cmpi sge, %sub3A_243, %ge3A_244 : i32
      %convert_element_type3A_246 = arith.extui %ge3A_245 : i1 to i32
      %cond3A_247 = arith.constant 0 : i32
      %cond3A_248 = arith.cmpi ne, %convert_element_type3A_246, %cond3A_247 : i32
      scf.if %cond3A_248 {
        %dma_wait3A_304 = arith.constant 0 : i32
        %dma_wait3A_305 = arith.constant 0 : i32
        %dma_wait3A_306 = arith.constant 0 : i32
        %dma_wait3A_307 = tpu.memref_slice %arg11[%dma_wait3A_304, %dma_wait3A_305, %dma_wait3A_306] : memref<4x128x64xf32, #tpu.memory_space<vmem>> -> memref<1x128x64xf32, #tpu.memory_space<vmem>>
        %dma_wait3A_308 = tpu.memref_squeeze %dma_wait3A_307 : memref<1x128x64xf32, #tpu.memory_space<vmem>> -> memref<128x64xf32, #tpu.memory_space<vmem>>
        %dma_wait3A_309 = arith.constant 0 : i32
        %dma_wait3A_310 = tpu.memref_slice %arg10[%sub3A_243, %dma_wait3A_309] : memref<160x128xi32, #tpu.memory_space<vmem>> -> memref<1x128xi32, #tpu.memory_space<vmem>>
        %dma_wait3A_311 = tpu.memref_squeeze %dma_wait3A_310 : memref<1x128xi32, #tpu.memory_space<vmem>> -> memref<128xi32, #tpu.memory_space<vmem>>
        %dma_wait3A_312 = arith.constant 0 : i32
        %dma_wait3A_313 = arith.constant 0 : i32
        %dma_wait3A_314 = tpu.memref_slice %arg12[%dma_wait3A_312, %dma_wait3A_313] : memref<10240x64xf32, #tpu.memory_space<vmem_shared>> -> memref<10240x64xf32, #tpu.memory_space<vmem_shared>>
        tpu.wait_indirect_dma semaphore(%arg17 : memref<!tpu.dma_semaphore, #tpu.memory_space<semaphore_mem>>) src(%dma_wait3A_308 : memref<128x64xf32, #tpu.memory_space<vmem>>) dst(%dma_wait3A_314 : memref<10240x64xf32, #tpu.memory_space<vmem_shared>>)
        %add3A_315 = arith.constant 4 : i32
        %add3A_316 = arith.addi %sub3A_243, %add3A_315 : i32
        %lt3A = arith.constant 160 : i32
        %lt3A_317 = arith.cmpi slt, %add3A_316, %lt3A : i32
        %convert_element_type3A_318 = arith.extui %lt3A_317 : i1 to i32
        %cond3A_319 = arith.constant 0 : i32
        %cond3A_320 = arith.cmpi ne, %convert_element_type3A_318, %cond3A_319 : i32
        scf.if %cond3A_320 {
          %add3A_321 = arith.constant 4 : i32
          %add3A_322 = arith.addi %sub3A_243, %add3A_321 : i32
          %dma_start3A_323 = arith.constant 0 : i32
          %dma_start3A_324 = arith.constant 0 : i32
          %dma_start3A_325 = arith.constant 0 : i32
          %dma_start3A_326 = tpu.memref_slice %arg11[%dma_start3A_323, %dma_start3A_324, %dma_start3A_325] : memref<4x128x64xf32, #tpu.memory_space<vmem>> -> memref<1x128x64xf32, #tpu.memory_space<vmem>>
          %dma_start3A_327 = tpu.memref_squeeze %dma_start3A_326 : memref<1x128x64xf32, #tpu.memory_space<vmem>> -> memref<128x64xf32, #tpu.memory_space<vmem>>
          %dma_start3A_328 = arith.constant 0 : i32
          %dma_start3A_329 = tpu.memref_slice %arg9[%add3A_322, %dma_start3A_328] : memref<160x128xi32, #tpu.memory_space<vmem>> -> memref<1x128xi32, #tpu.memory_space<vmem>>
          %dma_start3A_330 = tpu.memref_squeeze %dma_start3A_329 : memref<1x128xi32, #tpu.memory_space<vmem>> -> memref<128xi32, #tpu.memory_space<vmem>>
          %dma_start3A_331 = arith.constant 0 : i32
          %dma_start3A_332 = arith.constant 0 : i32
          %dma_start3A_333 = tpu.memref_slice %arg2[%dma_start3A_331, %dma_start3A_332] : memref<20000x64xf32, #tpu.memory_space<hbm>> -> memref<20000x64xf32, #tpu.memory_space<hbm>>
          tpu.enqueue_indirect_dma source(%dma_start3A_333 : memref<20000x64xf32, #tpu.memory_space<hbm>>) target(%dma_start3A_327 : memref<128x64xf32, #tpu.memory_space<vmem>>) offsets(%dma_start3A_330 : memref<128xi32, #tpu.memory_space<vmem>>) semaphore(%arg13 : memref<!tpu.dma_semaphore, #tpu.memory_space<semaphore_mem>>)
        } else {
        }
      } else {
      }
      %add3A_249 = arith.constant 3 : i32
      %add3A_250 = arith.addi %add3A_86, %add3A_249 : i32
      %dma_wait3A_251 = arith.constant 3 : i32
      %dma_wait3A_252 = arith.constant 0 : i32
      %dma_wait3A_253 = arith.constant 0 : i32
      %dma_wait3A_254 = tpu.memref_slice %arg11[%dma_wait3A_251, %dma_wait3A_252, %dma_wait3A_253] : memref<4x128x64xf32, #tpu.memory_space<vmem>> -> memref<1x128x64xf32, #tpu.memory_space<vmem>>
      %dma_wait3A_255 = tpu.memref_squeeze %dma_wait3A_254 : memref<1x128x64xf32, #tpu.memory_space<vmem>> -> memref<128x64xf32, #tpu.memory_space<vmem>>
      %dma_wait3A_256 = arith.constant 0 : i32
      %dma_wait3A_257 = tpu.memref_slice %arg9[%add3A_250, %dma_wait3A_256] : memref<160x128xi32, #tpu.memory_space<vmem>> -> memref<1x128xi32, #tpu.memory_space<vmem>>
      %dma_wait3A_258 = tpu.memref_squeeze %dma_wait3A_257 : memref<1x128xi32, #tpu.memory_space<vmem>> -> memref<128xi32, #tpu.memory_space<vmem>>
      %dma_wait3A_259 = arith.constant 0 : i32
      %dma_wait3A_260 = arith.constant 0 : i32
      %dma_wait3A_261 = tpu.memref_slice %arg2[%dma_wait3A_259, %dma_wait3A_260] : memref<20000x64xf32, #tpu.memory_space<hbm>> -> memref<20000x64xf32, #tpu.memory_space<hbm>>
      tpu.wait_indirect_dma semaphore(%arg16 : memref<!tpu.dma_semaphore, #tpu.memory_space<semaphore_mem>>) src(%dma_wait3A_261 : memref<20000x64xf32, #tpu.memory_space<hbm>>) dst(%dma_wait3A_255 : memref<128x64xf32, #tpu.memory_space<vmem>>)
      %dma_start3A_262 = arith.constant 3 : i32
      %dma_start3A_263 = arith.constant 0 : i32
      %dma_start3A_264 = arith.constant 0 : i32
      %dma_start3A_265 = tpu.memref_slice %arg11[%dma_start3A_262, %dma_start3A_263, %dma_start3A_264] : memref<4x128x64xf32, #tpu.memory_space<vmem>> -> memref<1x128x64xf32, #tpu.memory_space<vmem>>
      %dma_start3A_266 = tpu.memref_squeeze %dma_start3A_265 : memref<1x128x64xf32, #tpu.memory_space<vmem>> -> memref<128x64xf32, #tpu.memory_space<vmem>>
      %dma_start3A_267 = arith.constant 0 : i32
      %dma_start3A_268 = tpu.memref_slice %arg10[%add3A_250, %dma_start3A_267] : memref<160x128xi32, #tpu.memory_space<vmem>> -> memref<1x128xi32, #tpu.memory_space<vmem>>
      %dma_start3A_269 = tpu.memref_squeeze %dma_start3A_268 : memref<1x128xi32, #tpu.memory_space<vmem>> -> memref<128xi32, #tpu.memory_space<vmem>>
      %dma_start3A_270 = arith.constant 0 : i32
      %dma_start3A_271 = arith.constant 0 : i32
      %dma_start3A_272 = tpu.memref_slice %arg12[%dma_start3A_270, %dma_start3A_271] : memref<10240x64xf32, #tpu.memory_space<vmem_shared>> -> memref<10240x64xf32, #tpu.memory_space<vmem_shared>>
      tpu.enqueue_indirect_dma source(%dma_start3A_266 : memref<128x64xf32, #tpu.memory_space<vmem>>) target(%dma_start3A_272 : memref<10240x64xf32, #tpu.memory_space<vmem_shared>>) offsets(%dma_start3A_269 : memref<128xi32, #tpu.memory_space<vmem>>) semaphore(%arg20 : memref<!tpu.dma_semaphore, #tpu.memory_space<semaphore_mem>>) {add = true}
      %get3A_273 = arith.index_cast %add3A_250 : i32 to index
      %get3A_274 = arith.constant 0 : index
      %get3A_275 = tpu.vector_load %arg10[%get3A_273, %get3A_274] {strides = array<i32>} : memref<160x128xi32, #tpu.memory_space<vmem>>, vector<16xi32>,
      tpu.vector_store_idx %arg21[%get3A_275], %broadcast_in_dim3A_1 {add = true} : memref<10240xf32, #tpu.memory_space<vmem>>[vector<16xi32>], vector<16xf32>,
      %get3A_276 = arith.index_cast %add3A_250 : i32 to index
      %get3A_277 = arith.constant 16 : index
      %get3A_278 = tpu.vector_load %arg10[%get3A_276, %get3A_277] {strides = array<i32>} : memref<160x128xi32, #tpu.memory_space<vmem>>, vector<16xi32>,
      tpu.vector_store_idx %arg21[%get3A_278], %broadcast_in_dim3A_1 {add = true} : memref<10240xf32, #tpu.memory_space<vmem>>[vector<16xi32>], vector<16xf32>,
      %get3A_279 = arith.index_cast %add3A_250 : i32 to index
      %get3A_280 = arith.constant 32 : index
      %get3A_281 = tpu.vector_load %arg10[%get3A_279, %get3A_280] {strides = array<i32>} : memref<160x128xi32, #tpu.memory_space<vmem>>, vector<16xi32>,
      tpu.vector_store_idx %arg21[%get3A_281], %broadcast_in_dim3A_1 {add = true} : memref<10240xf32, #tpu.memory_space<vmem>>[vector<16xi32>], vector<16xf32>,
      %get3A_282 = arith.index_cast %add3A_250 : i32 to index
      %get3A_283 = arith.constant 48 : index
      %get3A_284 = tpu.vector_load %arg10[%get3A_282, %get3A_283] {strides = array<i32>} : memref<160x128xi32, #tpu.memory_space<vmem>>, vector<16xi32>,
      tpu.vector_store_idx %arg21[%get3A_284], %broadcast_in_dim3A_1 {add = true} : memref<10240xf32, #tpu.memory_space<vmem>>[vector<16xi32>], vector<16xf32>,
      %get3A_285 = arith.index_cast %add3A_250 : i32 to index
      %get3A_286 = arith.constant 64 : index
      %get3A_287 = tpu.vector_load %arg10[%get3A_285, %get3A_286] {strides = array<i32>} : memref<160x128xi32, #tpu.memory_space<vmem>>, vector<16xi32>,
      tpu.vector_store_idx %arg21[%get3A_287], %broadcast_in_dim3A_1 {add = true} : memref<10240xf32, #tpu.memory_space<vmem>>[vector<16xi32>], vector<16xf32>,
      %get3A_288 = arith.index_cast %add3A_250 : i32 to index
      %get3A_289 = arith.constant 80 : index
      %get3A_290 = tpu.vector_load %arg10[%get3A_288, %get3A_289] {strides = array<i32>} : memref<160x128xi32, #tpu.memory_space<vmem>>, vector<16xi32>,
      tpu.vector_store_idx %arg21[%get3A_290], %broadcast_in_dim3A_1 {add = true} : memref<10240xf32, #tpu.memory_space<vmem>>[vector<16xi32>], vector<16xf32>,
      %get3A_291 = arith.index_cast %add3A_250 : i32 to index
      %get3A_292 = arith.constant 96 : index
      %get3A_293 = tpu.vector_load %arg10[%get3A_291, %get3A_292] {strides = array<i32>} : memref<160x128xi32, #tpu.memory_space<vmem>>, vector<16xi32>,
      tpu.vector_store_idx %arg21[%get3A_293], %broadcast_in_dim3A_1 {add = true} : memref<10240xf32, #tpu.memory_space<vmem>>[vector<16xi32>], vector<16xf32>,
      %get3A_294 = arith.index_cast %add3A_250 : i32 to index
      %get3A_295 = arith.constant 112 : index
      %get3A_296 = tpu.vector_load %arg10[%get3A_294, %get3A_295] {strides = array<i32>} : memref<160x128xi32, #tpu.memory_space<vmem>>, vector<16xi32>,
      tpu.vector_store_idx %arg21[%get3A_296], %broadcast_in_dim3A_1 {add = true} : memref<10240xf32, #tpu.memory_space<vmem>>[vector<16xi32>], vector<16xf32>,
      %sub3A_297 = arith.constant 2 : i32
      %sub3A_298 = arith.subi %add3A_250, %sub3A_297 : i32
      %ge3A_299 = arith.constant 0 : i32
      %ge3A_300 = arith.cmpi sge, %sub3A_298, %ge3A_299 : i32
      %convert_element_type3A_301 = arith.extui %ge3A_300 : i1 to i32
      %cond3A_302 = arith.constant 0 : i32
      %cond3A_303 = arith.cmpi ne, %convert_element_type3A_301, %cond3A_302 : i32
      scf.if %cond3A_303 {
        %dma_wait3A_304 = arith.constant 1 : i32
        %dma_wait3A_305 = arith.constant 0 : i32
        %dma_wait3A_306 = arith.constant 0 : i32
        %dma_wait3A_307 = tpu.memref_slice %arg11[%dma_wait3A_304, %dma_wait3A_305, %dma_wait3A_306] : memref<4x128x64xf32, #tpu.memory_space<vmem>> -> memref<1x128x64xf32, #tpu.memory_space<vmem>>
        %dma_wait3A_308 = tpu.memref_squeeze %dma_wait3A_307 : memref<1x128x64xf32, #tpu.memory_space<vmem>> -> memref<128x64xf32, #tpu.memory_space<vmem>>
        %dma_wait3A_309 = arith.constant 0 : i32
        %dma_wait3A_310 = tpu.memref_slice %arg10[%sub3A_298, %dma_wait3A_309] : memref<160x128xi32, #tpu.memory_space<vmem>> -> memref<1x128xi32, #tpu.memory_space<vmem>>
        %dma_wait3A_311 = tpu.memref_squeeze %dma_wait3A_310 : memref<1x128xi32, #tpu.memory_space<vmem>> -> memref<128xi32, #tpu.memory_space<vmem>>
        %dma_wait3A_312 = arith.constant 0 : i32
        %dma_wait3A_313 = arith.constant 0 : i32
        %dma_wait3A_314 = tpu.memref_slice %arg12[%dma_wait3A_312, %dma_wait3A_313] : memref<10240x64xf32, #tpu.memory_space<vmem_shared>> -> memref<10240x64xf32, #tpu.memory_space<vmem_shared>>
        tpu.wait_indirect_dma semaphore(%arg18 : memref<!tpu.dma_semaphore, #tpu.memory_space<semaphore_mem>>) src(%dma_wait3A_308 : memref<128x64xf32, #tpu.memory_space<vmem>>) dst(%dma_wait3A_314 : memref<10240x64xf32, #tpu.memory_space<vmem_shared>>)
        %add3A_315 = arith.constant 4 : i32
        %add3A_316 = arith.addi %sub3A_298, %add3A_315 : i32
        %lt3A = arith.constant 160 : i32
        %lt3A_317 = arith.cmpi slt, %add3A_316, %lt3A : i32
        %convert_element_type3A_318 = arith.extui %lt3A_317 : i1 to i32
        %cond3A_319 = arith.constant 0 : i32
        %cond3A_320 = arith.cmpi ne, %convert_element_type3A_318, %cond3A_319 : i32
        scf.if %cond3A_320 {
          %add3A_321 = arith.constant 4 : i32
          %add3A_322 = arith.addi %sub3A_298, %add3A_321 : i32
          %dma_start3A_323 = arith.constant 1 : i32
          %dma_start3A_324 = arith.constant 0 : i32
          %dma_start3A_325 = arith.constant 0 : i32
          %dma_start3A_326 = tpu.memref_slice %arg11[%dma_start3A_323, %dma_start3A_324, %dma_start3A_325] : memref<4x128x64xf32, #tpu.memory_space<vmem>> -> memref<1x128x64xf32, #tpu.memory_space<vmem>>
          %dma_start3A_327 = tpu.memref_squeeze %dma_start3A_326 : memref<1x128x64xf32, #tpu.memory_space<vmem>> -> memref<128x64xf32, #tpu.memory_space<vmem>>
          %dma_start3A_328 = arith.constant 0 : i32
          %dma_start3A_329 = tpu.memref_slice %arg9[%add3A_322, %dma_start3A_328] : memref<160x128xi32, #tpu.memory_space<vmem>> -> memref<1x128xi32, #tpu.memory_space<vmem>>
          %dma_start3A_330 = tpu.memref_squeeze %dma_start3A_329 : memref<1x128xi32, #tpu.memory_space<vmem>> -> memref<128xi32, #tpu.memory_space<vmem>>
          %dma_start3A_331 = arith.constant 0 : i32
          %dma_start3A_332 = arith.constant 0 : i32
          %dma_start3A_333 = tpu.memref_slice %arg2[%dma_start3A_331, %dma_start3A_332] : memref<20000x64xf32, #tpu.memory_space<hbm>> -> memref<20000x64xf32, #tpu.memory_space<hbm>>
          tpu.enqueue_indirect_dma source(%dma_start3A_333 : memref<20000x64xf32, #tpu.memory_space<hbm>>) target(%dma_start3A_327 : memref<128x64xf32, #tpu.memory_space<vmem>>) offsets(%dma_start3A_330 : memref<128xi32, #tpu.memory_space<vmem>>) semaphore(%arg14 : memref<!tpu.dma_semaphore, #tpu.memory_space<semaphore_mem>>)
        } else {
        }
      } else {
      }
    }
    %scan3A_52 = arith.constant 40 : i32
    %dma_wait3A = arith.constant 2 : i32
    %dma_wait3A_53 = arith.constant 158 : i32
    %dma_wait3A_54 = arith.constant 0 : i32
    %dma_wait3A_55 = arith.constant 0 : i32
    %dma_wait3A_56 = tpu.memref_slice %arg11[%dma_wait3A, %dma_wait3A_54, %dma_wait3A_55] : memref<4x128x64xf32, #tpu.memory_space<vmem>> -> memref<1x128x64xf32, #tpu.memory_space<vmem>>
    %dma_wait3A_57 = tpu.memref_squeeze %dma_wait3A_56 : memref<1x128x64xf32, #tpu.memory_space<vmem>> -> memref<128x64xf32, #tpu.memory_space<vmem>>
    %dma_wait3A_58 = arith.constant 0 : i32
    %dma_wait3A_59 = tpu.memref_slice %arg10[%dma_wait3A_53, %dma_wait3A_58] : memref<160x128xi32, #tpu.memory_space<vmem>> -> memref<1x128xi32, #tpu.memory_space<vmem>>
    %dma_wait3A_60 = tpu.memref_squeeze %dma_wait3A_59 : memref<1x128xi32, #tpu.memory_space<vmem>> -> memref<128xi32, #tpu.memory_space<vmem>>
    %dma_wait3A_61 = arith.constant 0 : i32
    %dma_wait3A_62 = arith.constant 0 : i32
    %dma_wait3A_63 = tpu.memref_slice %arg12[%dma_wait3A_61, %dma_wait3A_62] : memref<10240x64xf32, #tpu.memory_space<vmem_shared>> -> memref<10240x64xf32, #tpu.memory_space<vmem_shared>>
    tpu.wait_indirect_dma semaphore(%arg19 : memref<!tpu.dma_semaphore, #tpu.memory_space<semaphore_mem>>) src(%dma_wait3A_57 : memref<128x64xf32, #tpu.memory_space<vmem>>) dst(%dma_wait3A_63 : memref<10240x64xf32, #tpu.memory_space<vmem_shared>>)
    %dma_wait3A_64 = arith.constant 3 : i32
    %dma_wait3A_65 = arith.constant 159 : i32
    %dma_wait3A_66 = arith.constant 0 : i32
    %dma_wait3A_67 = arith.constant 0 : i32
    %dma_wait3A_68 = tpu.memref_slice %arg11[%dma_wait3A_64, %dma_wait3A_66, %dma_wait3A_67] : memref<4x128x64xf32, #tpu.memory_space<vmem>> -> memref<1x128x64xf32, #tpu.memory_space<vmem>>
    %dma_wait3A_69 = tpu.memref_squeeze %dma_wait3A_68 : memref<1x128x64xf32, #tpu.memory_space<vmem>> -> memref<128x64xf32, #tpu.memory_space<vmem>>
    %dma_wait3A_70 = arith.constant 0 : i32
    %dma_wait3A_71 = tpu.memref_slice %arg10[%dma_wait3A_65, %dma_wait3A_70] : memref<160x128xi32, #tpu.memory_space<vmem>> -> memref<1x128xi32, #tpu.memory_space<vmem>>
    %dma_wait3A_72 = tpu.memref_squeeze %dma_wait3A_71 : memref<1x128xi32, #tpu.memory_space<vmem>> -> memref<128xi32, #tpu.memory_space<vmem>>
    %dma_wait3A_73 = arith.constant 0 : i32
    %dma_wait3A_74 = arith.constant 0 : i32
    %dma_wait3A_75 = tpu.memref_slice %arg12[%dma_wait3A_73, %dma_wait3A_74] : memref<10240x64xf32, #tpu.memory_space<vmem_shared>> -> memref<10240x64xf32, #tpu.memory_space<vmem_shared>>
    tpu.wait_indirect_dma semaphore(%arg20 : memref<!tpu.dma_semaphore, #tpu.memory_space<semaphore_mem>>) src(%dma_wait3A_69 : memref<128x64xf32, #tpu.memory_space<vmem>>) dst(%dma_wait3A_75 : memref<10240x64xf32, #tpu.memory_space<vmem_shared>>)
    %barrier3A_76 = arith.constant 0 : index
    tpu.barrier barrier_id(%barrier3A_76)
    %mul3A_77 = arith.constant 640 : i32
    %mul3A_78 = arith.muli %arg1, %mul3A_77 : i32
    %mul3A_79 = arith.constant 640 : i32
    %mul3A_80 = arith.muli %arg1, %mul3A_79 : i32
    "tpu.region"() ({
      %run_scoped3A = tpu.sem_alloc : memref<!tpu.dma_semaphore, #tpu.memory_space<semaphore_mem>>
      %dma_start3A_83 = arith.constant 0 : i32
      %dma_start3A_84 = tpu.memref_slice %arg7[%arg0, %mul3A_80, %dma_start3A_83] : memref<2x10240x64xf32, #tpu.memory_space<hbm>> -> memref<1x640x64xf32, #tpu.memory_space<hbm>>
      %dma_start3A_85 = tpu.memref_squeeze %dma_start3A_84 : memref<1x640x64xf32, #tpu.memory_space<hbm>> -> memref<640x64xf32, #tpu.memory_space<hbm>>
      %dma_start3A_86 = arith.constant 0 : i32
      %dma_start3A_87 = tpu.memref_slice %arg12[%mul3A_78, %dma_start3A_86] : memref<10240x64xf32, #tpu.memory_space<vmem_shared>> -> memref<640x64xf32, #tpu.memory_space<vmem_shared>>
      tpu.enqueue_dma source(%dma_start3A_87 : memref<640x64xf32, #tpu.memory_space<vmem_shared>>) target(%dma_start3A_85 : memref<640x64xf32, #tpu.memory_space<hbm>>) target_semaphore(%run_scoped3A : memref<!tpu.dma_semaphore, #tpu.memory_space<semaphore_mem>>)
      %dma_wait3A_88 = arith.constant 0 : i32
      %dma_wait3A_89 = tpu.memref_slice %arg7[%arg0, %mul3A_80, %dma_wait3A_88] : memref<2x10240x64xf32, #tpu.memory_space<hbm>> -> memref<1x640x64xf32, #tpu.memory_space<hbm>>
      %dma_wait3A_90 = tpu.memref_squeeze %dma_wait3A_89 : memref<1x640x64xf32, #tpu.memory_space<hbm>> -> memref<640x64xf32, #tpu.memory_space<hbm>>
      %dma_wait3A_91 = arith.constant 0 : i32
      %dma_wait3A_92 = tpu.memref_slice %arg12[%mul3A_78, %dma_wait3A_91] : memref<10240x64xf32, #tpu.memory_space<vmem_shared>> -> memref<640x64xf32, #tpu.memory_space<vmem_shared>>
      tpu.wait_dma2 semaphore(%run_scoped3A : memref<!tpu.dma_semaphore, #tpu.memory_space<semaphore_mem>>) src(%dma_wait3A_92 : memref<640x64xf32, #tpu.memory_space<vmem_shared>>) dst(%dma_wait3A_90 : memref<640x64xf32, #tpu.memory_space<hbm>>)
      tpu.yield
    }) : () -> ()
    %eq3A = arith.constant 0 : i32
    %eq3A_81 = arith.cmpi eq, %arg0, %eq3A : i32
    %convert_element_type3A = arith.extui %eq3A_81 : i1 to i32
    %cond3A = arith.constant 0 : i32
    %cond3A_82 = arith.cmpi ne, %convert_element_type3A, %cond3A : i32
    scf.if %cond3A_82 {
      "tpu.region"() ({
        %run_scoped3A = tpu.sem_alloc : memref<!tpu.dma_semaphore, #tpu.memory_space<semaphore_mem>>
        %dma_start3A_83 = arith.constant 0 : i32
        %dma_start3A_84 = tpu.memref_slice %arg8[%arg1, %dma_start3A_83] : memref<16x10240xf32, #tpu.memory_space<hbm>> -> memref<1x10240xf32, #tpu.memory_space<hbm>>
        %dma_start3A_85 = tpu.memref_squeeze %dma_start3A_84 : memref<1x10240xf32, #tpu.memory_space<hbm>> -> memref<10240xf32, #tpu.memory_space<hbm>>
        %dma_start3A_86 = arith.constant 0 : i32
        %dma_start3A_87 = tpu.memref_slice %arg8[%arg1, %dma_start3A_86] : memref<16x10240xf32, #tpu.memory_space<hbm>> -> memref<1x10240xf32, #tpu.memory_space<hbm>>
        %dma_start3A_88 = tpu.memref_squeeze %dma_start3A_87 : memref<1x10240xf32, #tpu.memory_space<hbm>> -> memref<10240xf32, #tpu.memory_space<hbm>>
        tpu.enqueue_dma source(%arg21 : memref<10240xf32, #tpu.memory_space<vmem>>) target(%dma_start3A_88 : memref<10240xf32, #tpu.memory_space<hbm>>) target_semaphore(%run_scoped3A : memref<!tpu.dma_semaphore, #tpu.memory_space<semaphore_mem>>)
        %dma_wait3A_89 = arith.constant 0 : i32
        %dma_wait3A_90 = tpu.memref_slice %arg8[%arg1, %dma_wait3A_89] : memref<16x10240xf32, #tpu.memory_space<hbm>> -> memref<1x10240xf32, #tpu.memory_space<hbm>>
        %dma_wait3A_91 = tpu.memref_squeeze %dma_wait3A_90 : memref<1x10240xf32, #tpu.memory_space<hbm>> -> memref<10240xf32, #tpu.memory_space<hbm>>
        %dma_wait3A_92 = arith.constant 0 : i32
        %dma_wait3A_93 = tpu.memref_slice %arg8[%arg1, %dma_wait3A_92] : memref<16x10240xf32, #tpu.memory_space<hbm>> -> memref<1x10240xf32, #tpu.memory_space<hbm>>
        %dma_wait3A_94 = tpu.memref_squeeze %dma_wait3A_93 : memref<1x10240xf32, #tpu.memory_space<hbm>> -> memref<10240xf32, #tpu.memory_space<hbm>>
        tpu.wait_dma2 semaphore(%run_scoped3A : memref<!tpu.dma_semaphore, #tpu.memory_space<semaphore_mem>>) src(%arg21 : memref<10240xf32, #tpu.memory_space<vmem>>) dst(%dma_wait3A_94 : memref<10240xf32, #tpu.memory_space<hbm>>)
        tpu.yield
      }) : () -> ()
    } else {
    }
    return
  }
}

#map = affine_map<(d0, d1) -> (0, 0)>
#map1 = affine_map<(d0, d1) -> (0, 0, 0, 0)>
#map2 = affine_map<(d0, d1) -> (0, 0, 0)>
module attributes {stable_mosaic.version = 14 : i64} {
  func.func @body(%arg0: i32, %arg1: i32, %arg2: memref<20000x64xf32, #tpu.memory_space<hbm>>, %arg3: memref<2x16x160x128xi32, #tpu.memory_space<hbm>>, %arg4: memref<16x160x128xi32, #tpu.memory_space<hbm>>, %arg5: memref<640x64xf32, #tpu.memory_space<hbm>>, %arg6: memref<2x10240x64xf32, #tpu.memory_space<hbm>>, %arg7: memref<160x128xi32, #tpu.memory_space<vmem>>, %arg8: memref<160x128xi32, #tpu.memory_space<vmem>>, %arg9: memref<4x128x64xf32, #tpu.memory_space<vmem>>, %arg10: memref<10240x64xf32, #tpu.memory_space<vmem_shared>>, %arg11: memref<!tpu.dma_semaphore, #tpu.memory_space<semaphore_mem>>, %arg12: memref<!tpu.dma_semaphore, #tpu.memory_space<semaphore_mem>>, %arg13: memref<!tpu.dma_semaphore, #tpu.memory_space<semaphore_mem>>, %arg14: memref<!tpu.dma_semaphore, #tpu.memory_space<semaphore_mem>>, %arg15: memref<!tpu.dma_semaphore, #tpu.memory_space<semaphore_mem>>, %arg16: memref<!tpu.dma_semaphore, #tpu.memory_space<semaphore_mem>>, %arg17: memref<!tpu.dma_semaphore, #tpu.memory_space<semaphore_mem>>, %arg18: memref<!tpu.dma_semaphore, #tpu.memory_space<semaphore_mem>>) attributes {dimension_semantics = [#tpu.dimension_semantics<core_parallel>, #tpu.dimension_semantics<subcore_parallel>], iteration_bounds = array<i64: 2, 16>, scalar_prefetch = 0 : i64, scratch_operands = 12 : i64, tpu.core_type = #tpu.core_type<sc_vector_subcore>, window_params = [{transform_indices = #map}, {transform_indices = #map1}, {transform_indices = #map2}, {transform_indices = #map}, {transform_indices = #map2}]} {
    "tpu.region"() ({
      %run_scoped3A = tpu.sem_alloc : memref<!tpu.dma_semaphore, #tpu.memory_space<semaphore_mem>>
      %dma_start3A_81 = arith.constant 0 : i32
      %dma_start3A_82 = arith.constant 0 : i32
      %dma_start3A_83 = tpu.memref_slice %arg3[%arg0, %arg1, %dma_start3A_81, %dma_start3A_82] : memref<2x16x160x128xi32, #tpu.memory_space<hbm>> -> memref<1x1x160x128xi32, #tpu.memory_space<hbm>>
      %dma_start3A_84 = tpu.memref_squeeze %dma_start3A_83 : memref<1x1x160x128xi32, #tpu.memory_space<hbm>> -> memref<160x128xi32, #tpu.memory_space<hbm>>
      %dma_start3A_85 = arith.constant 0 : i32
      %dma_start3A_86 = arith.constant 0 : i32
      %dma_start3A_87 = tpu.memref_slice %arg3[%arg0, %arg1, %dma_start3A_85, %dma_start3A_86] : memref<2x16x160x128xi32, #tpu.memory_space<hbm>> -> memref<1x1x160x128xi32, #tpu.memory_space<hbm>>
      %dma_start3A_88 = tpu.memref_squeeze %dma_start3A_87 : memref<1x1x160x128xi32, #tpu.memory_space<hbm>> -> memref<160x128xi32, #tpu.memory_space<hbm>>
      tpu.enqueue_dma source(%dma_start3A_88 : memref<160x128xi32, #tpu.memory_space<hbm>>) target(%arg7 : memref<160x128xi32, #tpu.memory_space<vmem>>) target_semaphore(%run_scoped3A : memref<!tpu.dma_semaphore, #tpu.memory_space<semaphore_mem>>)
      %dma_wait3A_89 = arith.constant 0 : i32
      %dma_wait3A_90 = arith.constant 0 : i32
      %dma_wait3A_91 = tpu.memref_slice %arg3[%arg0, %arg1, %dma_wait3A_89, %dma_wait3A_90] : memref<2x16x160x128xi32, #tpu.memory_space<hbm>> -> memref<1x1x160x128xi32, #tpu.memory_space<hbm>>
      %dma_wait3A_92 = tpu.memref_squeeze %dma_wait3A_91 : memref<1x1x160x128xi32, #tpu.memory_space<hbm>> -> memref<160x128xi32, #tpu.memory_space<hbm>>
      %dma_wait3A_93 = arith.constant 0 : i32
      %dma_wait3A_94 = arith.constant 0 : i32
      %dma_wait3A_95 = tpu.memref_slice %arg3[%arg0, %arg1, %dma_wait3A_93, %dma_wait3A_94] : memref<2x16x160x128xi32, #tpu.memory_space<hbm>> -> memref<1x1x160x128xi32, #tpu.memory_space<hbm>>
      %dma_wait3A_96 = tpu.memref_squeeze %dma_wait3A_95 : memref<1x1x160x128xi32, #tpu.memory_space<hbm>> -> memref<160x128xi32, #tpu.memory_space<hbm>>
      tpu.wait_dma2 semaphore(%run_scoped3A : memref<!tpu.dma_semaphore, #tpu.memory_space<semaphore_mem>>) src(%dma_wait3A_96 : memref<160x128xi32, #tpu.memory_space<hbm>>) dst(%arg7 : memref<160x128xi32, #tpu.memory_space<vmem>>)
      tpu.yield
    }) : () -> ()
    "tpu.region"() ({
      %run_scoped3A = tpu.sem_alloc : memref<!tpu.dma_semaphore, #tpu.memory_space<semaphore_mem>>
      %dma_start3A_81 = arith.constant 0 : i32
      %dma_start3A_82 = arith.constant 0 : i32
      %dma_start3A_83 = tpu.memref_slice %arg4[%arg1, %dma_start3A_81, %dma_start3A_82] : memref<16x160x128xi32, #tpu.memory_space<hbm>> -> memref<1x160x128xi32, #tpu.memory_space<hbm>>
      %dma_start3A_84 = tpu.memref_squeeze %dma_start3A_83 : memref<1x160x128xi32, #tpu.memory_space<hbm>> -> memref<160x128xi32, #tpu.memory_space<hbm>>
      %dma_start3A_85 = arith.constant 0 : i32
      %dma_start3A_86 = arith.constant 0 : i32
      %dma_start3A_87 = tpu.memref_slice %arg4[%arg1, %dma_start3A_85, %dma_start3A_86] : memref<16x160x128xi32, #tpu.memory_space<hbm>> -> memref<1x160x128xi32, #tpu.memory_space<hbm>>
      %dma_start3A_88 = tpu.memref_squeeze %dma_start3A_87 : memref<1x160x128xi32, #tpu.memory_space<hbm>> -> memref<160x128xi32, #tpu.memory_space<hbm>>
      tpu.enqueue_dma source(%dma_start3A_88 : memref<160x128xi32, #tpu.memory_space<hbm>>) target(%arg8 : memref<160x128xi32, #tpu.memory_space<vmem>>) target_semaphore(%run_scoped3A : memref<!tpu.dma_semaphore, #tpu.memory_space<semaphore_mem>>)
      %dma_wait3A_89 = arith.constant 0 : i32
      %dma_wait3A_90 = arith.constant 0 : i32
      %dma_wait3A_91 = tpu.memref_slice %arg4[%arg1, %dma_wait3A_89, %dma_wait3A_90] : memref<16x160x128xi32, #tpu.memory_space<hbm>> -> memref<1x160x128xi32, #tpu.memory_space<hbm>>
      %dma_wait3A_92 = tpu.memref_squeeze %dma_wait3A_91 : memref<1x160x128xi32, #tpu.memory_space<hbm>> -> memref<160x128xi32, #tpu.memory_space<hbm>>
      %dma_wait3A_93 = arith.constant 0 : i32
      %dma_wait3A_94 = arith.constant 0 : i32
      %dma_wait3A_95 = tpu.memref_slice %arg4[%arg1, %dma_wait3A_93, %dma_wait3A_94] : memref<16x160x128xi32, #tpu.memory_space<hbm>> -> memref<1x160x128xi32, #tpu.memory_space<hbm>>
      %dma_wait3A_96 = tpu.memref_squeeze %dma_wait3A_95 : memref<1x160x128xi32, #tpu.memory_space<hbm>> -> memref<160x128xi32, #tpu.memory_space<hbm>>
      tpu.wait_dma2 semaphore(%run_scoped3A : memref<!tpu.dma_semaphore, #tpu.memory_space<semaphore_mem>>) src(%dma_wait3A_96 : memref<160x128xi32, #tpu.memory_space<hbm>>) dst(%arg8 : memref<160x128xi32, #tpu.memory_space<vmem>>)
      tpu.yield
    }) : () -> ()
    %mul3A = arith.constant 640 : i32
    %mul3A_0 = arith.muli %arg1, %mul3A : i32
    "tpu.region"() ({
      %run_scoped3A = tpu.sem_alloc : memref<!tpu.dma_semaphore, #tpu.memory_space<semaphore_mem>>
      %dma_start3A_81 = arith.constant 0 : i32
      %dma_start3A_82 = tpu.memref_slice %arg10[%mul3A_0, %dma_start3A_81] : memref<10240x64xf32, #tpu.memory_space<vmem_shared>> -> memref<640x64xf32, #tpu.memory_space<vmem_shared>>
      tpu.enqueue_dma source(%arg5 : memref<640x64xf32, #tpu.memory_space<hbm>>) target(%dma_start3A_82 : memref<640x64xf32, #tpu.memory_space<vmem_shared>>) target_semaphore(%run_scoped3A : memref<!tpu.dma_semaphore, #tpu.memory_space<semaphore_mem>>)
      %dma_wait3A_83 = arith.constant 0 : i32
      %dma_wait3A_84 = tpu.memref_slice %arg10[%mul3A_0, %dma_wait3A_83] : memref<10240x64xf32, #tpu.memory_space<vmem_shared>> -> memref<640x64xf32, #tpu.memory_space<vmem_shared>>
      tpu.wait_dma2 semaphore(%run_scoped3A : memref<!tpu.dma_semaphore, #tpu.memory_space<semaphore_mem>>) src(%arg5 : memref<640x64xf32, #tpu.memory_space<hbm>>) dst(%dma_wait3A_84 : memref<640x64xf32, #tpu.memory_space<vmem_shared>>)
      tpu.yield
    }) : () -> ()
    %barrier3A = arith.constant 0 : index
    tpu.barrier barrier_id(%barrier3A)
    %broadcast_in_dim3A = arith.constant 1.000000e+00 : f32
    %broadcast_in_dim3A_1 = vector.broadcast %broadcast_in_dim3A : f32 to vector<16xf32>
    %dma_start3A = arith.constant 0 : i32
    %dma_start3A_2 = arith.constant 0 : i32
    %dma_start3A_3 = arith.constant 0 : i32
    %dma_start3A_4 = arith.constant 0 : i32
    %dma_start3A_5 = tpu.memref_slice %arg9[%dma_start3A_2, %dma_start3A_3, %dma_start3A_4] : memref<4x128x64xf32, #tpu.memory_space<vmem>> -> memref<1x128x64xf32, #tpu.memory_space<vmem>>
    %dma_start3A_6 = tpu.memref_squeeze %dma_start3A_5 : memref<1x128x64xf32, #tpu.memory_space<vmem>> -> memref<128x64xf32, #tpu.memory_space<vmem>>
    %dma_start3A_7 = arith.constant 0 : i32
    %dma_start3A_8 = tpu.memref_slice %arg7[%dma_start3A, %dma_start3A_7] : memref<160x128xi32, #tpu.memory_space<vmem>> -> memref<1x128xi32, #tpu.memory_space<vmem>>
    %dma_start3A_9 = tpu.memref_squeeze %dma_start3A_8 : memref<1x128xi32, #tpu.memory_space<vmem>> -> memref<128xi32, #tpu.memory_space<vmem>>
    %dma_start3A_10 = arith.constant 0 : i32
    %dma_start3A_11 = arith.constant 0 : i32
    %dma_start3A_12 = tpu.memref_slice %arg2[%dma_start3A_10, %dma_start3A_11] : memref<20000x64xf32, #tpu.memory_space<hbm>> -> memref<20000x64xf32, #tpu.memory_space<hbm>>
    tpu.enqueue_indirect_dma source(%dma_start3A_12 : memref<20000x64xf32, #tpu.memory_space<hbm>>) target(%dma_start3A_6 : memref<128x64xf32, #tpu.memory_space<vmem>>) offsets(%dma_start3A_9 : memref<128xi32, #tpu.memory_space<vmem>>) semaphore(%arg11 : memref<!tpu.dma_semaphore, #tpu.memory_space<semaphore_mem>>)
    %dma_start3A_13 = arith.constant 1 : i32
    %dma_start3A_14 = arith.constant 1 : i32
    %dma_start3A_15 = arith.constant 0 : i32
    %dma_start3A_16 = arith.constant 0 : i32
    %dma_start3A_17 = tpu.memref_slice %arg9[%dma_start3A_14, %dma_start3A_15, %dma_start3A_16] : memref<4x128x64xf32, #tpu.memory_space<vmem>> -> memref<1x128x64xf32, #tpu.memory_space<vmem>>
    %dma_start3A_18 = tpu.memref_squeeze %dma_start3A_17 : memref<1x128x64xf32, #tpu.memory_space<vmem>> -> memref<128x64xf32, #tpu.memory_space<vmem>>
    %dma_start3A_19 = arith.constant 0 : i32
    %dma_start3A_20 = tpu.memref_slice %arg7[%dma_start3A_13, %dma_start3A_19] : memref<160x128xi32, #tpu.memory_space<vmem>> -> memref<1x128xi32, #tpu.memory_space<vmem>>
    %dma_start3A_21 = tpu.memref_squeeze %dma_start3A_20 : memref<1x128xi32, #tpu.memory_space<vmem>> -> memref<128xi32, #tpu.memory_space<vmem>>
    %dma_start3A_22 = arith.constant 0 : i32
    %dma_start3A_23 = arith.constant 0 : i32
    %dma_start3A_24 = tpu.memref_slice %arg2[%dma_start3A_22, %dma_start3A_23] : memref<20000x64xf32, #tpu.memory_space<hbm>> -> memref<20000x64xf32, #tpu.memory_space<hbm>>
    tpu.enqueue_indirect_dma source(%dma_start3A_24 : memref<20000x64xf32, #tpu.memory_space<hbm>>) target(%dma_start3A_18 : memref<128x64xf32, #tpu.memory_space<vmem>>) offsets(%dma_start3A_21 : memref<128xi32, #tpu.memory_space<vmem>>) semaphore(%arg12 : memref<!tpu.dma_semaphore, #tpu.memory_space<semaphore_mem>>)
    %dma_start3A_25 = arith.constant 2 : i32
    %dma_start3A_26 = arith.constant 2 : i32
    %dma_start3A_27 = arith.constant 0 : i32
    %dma_start3A_28 = arith.constant 0 : i32
    %dma_start3A_29 = tpu.memref_slice %arg9[%dma_start3A_26, %dma_start3A_27, %dma_start3A_28] : memref<4x128x64xf32, #tpu.memory_space<vmem>> -> memref<1x128x64xf32, #tpu.memory_space<vmem>>
    %dma_start3A_30 = tpu.memref_squeeze %dma_start3A_29 : memref<1x128x64xf32, #tpu.memory_space<vmem>> -> memref<128x64xf32, #tpu.memory_space<vmem>>
    %dma_start3A_31 = arith.constant 0 : i32
    %dma_start3A_32 = tpu.memref_slice %arg7[%dma_start3A_25, %dma_start3A_31] : memref<160x128xi32, #tpu.memory_space<vmem>> -> memref<1x128xi32, #tpu.memory_space<vmem>>
    %dma_start3A_33 = tpu.memref_squeeze %dma_start3A_32 : memref<1x128xi32, #tpu.memory_space<vmem>> -> memref<128xi32, #tpu.memory_space<vmem>>
    %dma_start3A_34 = arith.constant 0 : i32
    %dma_start3A_35 = arith.constant 0 : i32
    %dma_start3A_36 = tpu.memref_slice %arg2[%dma_start3A_34, %dma_start3A_35] : memref<20000x64xf32, #tpu.memory_space<hbm>> -> memref<20000x64xf32, #tpu.memory_space<hbm>>
    tpu.enqueue_indirect_dma source(%dma_start3A_36 : memref<20000x64xf32, #tpu.memory_space<hbm>>) target(%dma_start3A_30 : memref<128x64xf32, #tpu.memory_space<vmem>>) offsets(%dma_start3A_33 : memref<128xi32, #tpu.memory_space<vmem>>) semaphore(%arg13 : memref<!tpu.dma_semaphore, #tpu.memory_space<semaphore_mem>>)
    %dma_start3A_37 = arith.constant 3 : i32
    %dma_start3A_38 = arith.constant 3 : i32
    %dma_start3A_39 = arith.constant 0 : i32
    %dma_start3A_40 = arith.constant 0 : i32
    %dma_start3A_41 = tpu.memref_slice %arg9[%dma_start3A_38, %dma_start3A_39, %dma_start3A_40] : memref<4x128x64xf32, #tpu.memory_space<vmem>> -> memref<1x128x64xf32, #tpu.memory_space<vmem>>
    %dma_start3A_42 = tpu.memref_squeeze %dma_start3A_41 : memref<1x128x64xf32, #tpu.memory_space<vmem>> -> memref<128x64xf32, #tpu.memory_space<vmem>>
    %dma_start3A_43 = arith.constant 0 : i32
    %dma_start3A_44 = tpu.memref_slice %arg7[%dma_start3A_37, %dma_start3A_43] : memref<160x128xi32, #tpu.memory_space<vmem>> -> memref<1x128xi32, #tpu.memory_space<vmem>>
    %dma_start3A_45 = tpu.memref_squeeze %dma_start3A_44 : memref<1x128xi32, #tpu.memory_space<vmem>> -> memref<128xi32, #tpu.memory_space<vmem>>
    %dma_start3A_46 = arith.constant 0 : i32
    %dma_start3A_47 = arith.constant 0 : i32
    %dma_start3A_48 = tpu.memref_slice %arg2[%dma_start3A_46, %dma_start3A_47] : memref<20000x64xf32, #tpu.memory_space<hbm>> -> memref<20000x64xf32, #tpu.memory_space<hbm>>
    tpu.enqueue_indirect_dma source(%dma_start3A_48 : memref<20000x64xf32, #tpu.memory_space<hbm>>) target(%dma_start3A_42 : memref<128x64xf32, #tpu.memory_space<vmem>>) offsets(%dma_start3A_45 : memref<128xi32, #tpu.memory_space<vmem>>) semaphore(%arg14 : memref<!tpu.dma_semaphore, #tpu.memory_space<semaphore_mem>>)
    %scan3A = arith.constant 0 : i32
    %scan3A_49 = arith.constant 40 : i32
    %scan3A_50 = arith.addi %scan3A, %scan3A_49 : i32
    %scan3A_51 = arith.constant 1 : i32
    scf.for %scan3A_81 = %scan3A to %scan3A_50 step %scan3A_51  : i32 {
      %mul3A_82 = arith.constant 4 : i32
      %mul3A_83 = arith.muli %scan3A_81, %mul3A_82 : i32
      %add3A = arith.constant 0 : i32
      %add3A_84 = arith.addi %add3A, %mul3A_83 : i32
      %add3A_85 = arith.constant 0 : i32
      %add3A_86 = arith.addi %add3A_84, %add3A_85 : i32
      %dma_wait3A_87 = arith.constant 0 : i32
      %dma_wait3A_88 = arith.constant 0 : i32
      %dma_wait3A_89 = arith.constant 0 : i32
      %dma_wait3A_90 = tpu.memref_slice %arg9[%dma_wait3A_87, %dma_wait3A_88, %dma_wait3A_89] : memref<4x128x64xf32, #tpu.memory_space<vmem>> -> memref<1x128x64xf32, #tpu.memory_space<vmem>>
      %dma_wait3A_91 = tpu.memref_squeeze %dma_wait3A_90 : memref<1x128x64xf32, #tpu.memory_space<vmem>> -> memref<128x64xf32, #tpu.memory_space<vmem>>
      %dma_wait3A_92 = arith.constant 0 : i32
      %dma_wait3A_93 = tpu.memref_slice %arg7[%add3A_86, %dma_wait3A_92] : memref<160x128xi32, #tpu.memory_space<vmem>> -> memref<1x128xi32, #tpu.memory_space<vmem>>
      %dma_wait3A_94 = tpu.memref_squeeze %dma_wait3A_93 : memref<1x128xi32, #tpu.memory_space<vmem>> -> memref<128xi32, #tpu.memory_space<vmem>>
      %dma_wait3A_95 = arith.constant 0 : i32
      %dma_wait3A_96 = arith.constant 0 : i32
      %dma_wait3A_97 = tpu.memref_slice %arg2[%dma_wait3A_95, %dma_wait3A_96] : memref<20000x64xf32, #tpu.memory_space<hbm>> -> memref<20000x64xf32, #tpu.memory_space<hbm>>
      tpu.wait_indirect_dma semaphore(%arg11 : memref<!tpu.dma_semaphore, #tpu.memory_space<semaphore_mem>>) src(%dma_wait3A_97 : memref<20000x64xf32, #tpu.memory_space<hbm>>) dst(%dma_wait3A_91 : memref<128x64xf32, #tpu.memory_space<vmem>>)
      %dma_start3A_98 = arith.constant 0 : i32
      %dma_start3A_99 = arith.constant 0 : i32
      %dma_start3A_100 = arith.constant 0 : i32
      %dma_start3A_101 = tpu.memref_slice %arg9[%dma_start3A_98, %dma_start3A_99, %dma_start3A_100] : memref<4x128x64xf32, #tpu.memory_space<vmem>> -> memref<1x128x64xf32, #tpu.memory_space<vmem>>
      %dma_start3A_102 = tpu.memref_squeeze %dma_start3A_101 : memref<1x128x64xf32, #tpu.memory_space<vmem>> -> memref<128x64xf32, #tpu.memory_space<vmem>>
      %dma_start3A_103 = arith.constant 0 : i32
      %dma_start3A_104 = tpu.memref_slice %arg8[%add3A_86, %dma_start3A_103] : memref<160x128xi32, #tpu.memory_space<vmem>> -> memref<1x128xi32, #tpu.memory_space<vmem>>
      %dma_start3A_105 = tpu.memref_squeeze %dma_start3A_104 : memref<1x128xi32, #tpu.memory_space<vmem>> -> memref<128xi32, #tpu.memory_space<vmem>>
      %dma_start3A_106 = arith.constant 0 : i32
      %dma_start3A_107 = arith.constant 0 : i32
      %dma_start3A_108 = tpu.memref_slice %arg10[%dma_start3A_106, %dma_start3A_107] : memref<10240x64xf32, #tpu.memory_space<vmem_shared>> -> memref<10240x64xf32, #tpu.memory_space<vmem_shared>>
      tpu.enqueue_indirect_dma source(%dma_start3A_102 : memref<128x64xf32, #tpu.memory_space<vmem>>) target(%dma_start3A_108 : memref<10240x64xf32, #tpu.memory_space<vmem_shared>>) offsets(%dma_start3A_105 : memref<128xi32, #tpu.memory_space<vmem>>) semaphore(%arg15 : memref<!tpu.dma_semaphore, #tpu.memory_space<semaphore_mem>>) {add = true}
      %sub3A = arith.constant 2 : i32
      %sub3A_109 = arith.subi %add3A_86, %sub3A : i32
      %ge3A = arith.constant 0 : i32
      %ge3A_110 = arith.cmpi sge, %sub3A_109, %ge3A : i32
      %convert_element_type3A = arith.extui %ge3A_110 : i1 to i32
      %cond3A = arith.constant 0 : i32
      %cond3A_111 = arith.cmpi ne, %convert_element_type3A, %cond3A : i32
      scf.if %cond3A_111 {
        %dma_wait3A_205 = arith.constant 2 : i32
        %dma_wait3A_206 = arith.constant 0 : i32
        %dma_wait3A_207 = arith.constant 0 : i32
        %dma_wait3A_208 = tpu.memref_slice %arg9[%dma_wait3A_205, %dma_wait3A_206, %dma_wait3A_207] : memref<4x128x64xf32, #tpu.memory_space<vmem>> -> memref<1x128x64xf32, #tpu.memory_space<vmem>>
        %dma_wait3A_209 = tpu.memref_squeeze %dma_wait3A_208 : memref<1x128x64xf32, #tpu.memory_space<vmem>> -> memref<128x64xf32, #tpu.memory_space<vmem>>
        %dma_wait3A_210 = arith.constant 0 : i32
        %dma_wait3A_211 = tpu.memref_slice %arg8[%sub3A_109, %dma_wait3A_210] : memref<160x128xi32, #tpu.memory_space<vmem>> -> memref<1x128xi32, #tpu.memory_space<vmem>>
        %dma_wait3A_212 = tpu.memref_squeeze %dma_wait3A_211 : memref<1x128xi32, #tpu.memory_space<vmem>> -> memref<128xi32, #tpu.memory_space<vmem>>
        %dma_wait3A_213 = arith.constant 0 : i32
        %dma_wait3A_214 = arith.constant 0 : i32
        %dma_wait3A_215 = tpu.memref_slice %arg10[%dma_wait3A_213, %dma_wait3A_214] : memref<10240x64xf32, #tpu.memory_space<vmem_shared>> -> memref<10240x64xf32, #tpu.memory_space<vmem_shared>>
        tpu.wait_indirect_dma semaphore(%arg17 : memref<!tpu.dma_semaphore, #tpu.memory_space<semaphore_mem>>) src(%dma_wait3A_209 : memref<128x64xf32, #tpu.memory_space<vmem>>) dst(%dma_wait3A_215 : memref<10240x64xf32, #tpu.memory_space<vmem_shared>>)
        %add3A_216 = arith.constant 4 : i32
        %add3A_217 = arith.addi %sub3A_109, %add3A_216 : i32
        %lt3A = arith.constant 160 : i32
        %lt3A_218 = arith.cmpi slt, %add3A_217, %lt3A : i32
        %convert_element_type3A_219 = arith.extui %lt3A_218 : i1 to i32
        %cond3A_220 = arith.constant 0 : i32
        %cond3A_221 = arith.cmpi ne, %convert_element_type3A_219, %cond3A_220 : i32
        scf.if %cond3A_221 {
          %add3A_222 = arith.constant 4 : i32
          %add3A_223 = arith.addi %sub3A_109, %add3A_222 : i32
          %dma_start3A_224 = arith.constant 2 : i32
          %dma_start3A_225 = arith.constant 0 : i32
          %dma_start3A_226 = arith.constant 0 : i32
          %dma_start3A_227 = tpu.memref_slice %arg9[%dma_start3A_224, %dma_start3A_225, %dma_start3A_226] : memref<4x128x64xf32, #tpu.memory_space<vmem>> -> memref<1x128x64xf32, #tpu.memory_space<vmem>>
          %dma_start3A_228 = tpu.memref_squeeze %dma_start3A_227 : memref<1x128x64xf32, #tpu.memory_space<vmem>> -> memref<128x64xf32, #tpu.memory_space<vmem>>
          %dma_start3A_229 = arith.constant 0 : i32
          %dma_start3A_230 = tpu.memref_slice %arg7[%add3A_223, %dma_start3A_229] : memref<160x128xi32, #tpu.memory_space<vmem>> -> memref<1x128xi32, #tpu.memory_space<vmem>>
          %dma_start3A_231 = tpu.memref_squeeze %dma_start3A_230 : memref<1x128xi32, #tpu.memory_space<vmem>> -> memref<128xi32, #tpu.memory_space<vmem>>
          %dma_start3A_232 = arith.constant 0 : i32
          %dma_start3A_233 = arith.constant 0 : i32
          %dma_start3A_234 = tpu.memref_slice %arg2[%dma_start3A_232, %dma_start3A_233] : memref<20000x64xf32, #tpu.memory_space<hbm>> -> memref<20000x64xf32, #tpu.memory_space<hbm>>
          tpu.enqueue_indirect_dma source(%dma_start3A_234 : memref<20000x64xf32, #tpu.memory_space<hbm>>) target(%dma_start3A_228 : memref<128x64xf32, #tpu.memory_space<vmem>>) offsets(%dma_start3A_231 : memref<128xi32, #tpu.memory_space<vmem>>) semaphore(%arg13 : memref<!tpu.dma_semaphore, #tpu.memory_space<semaphore_mem>>)
        } else {
        }
      } else {
      }
      %add3A_112 = arith.constant 1 : i32
      %add3A_113 = arith.addi %add3A_84, %add3A_112 : i32
      %dma_wait3A_114 = arith.constant 1 : i32
      %dma_wait3A_115 = arith.constant 0 : i32
      %dma_wait3A_116 = arith.constant 0 : i32
      %dma_wait3A_117 = tpu.memref_slice %arg9[%dma_wait3A_114, %dma_wait3A_115, %dma_wait3A_116] : memref<4x128x64xf32, #tpu.memory_space<vmem>> -> memref<1x128x64xf32, #tpu.memory_space<vmem>>
      %dma_wait3A_118 = tpu.memref_squeeze %dma_wait3A_117 : memref<1x128x64xf32, #tpu.memory_space<vmem>> -> memref<128x64xf32, #tpu.memory_space<vmem>>
      %dma_wait3A_119 = arith.constant 0 : i32
      %dma_wait3A_120 = tpu.memref_slice %arg7[%add3A_113, %dma_wait3A_119] : memref<160x128xi32, #tpu.memory_space<vmem>> -> memref<1x128xi32, #tpu.memory_space<vmem>>
      %dma_wait3A_121 = tpu.memref_squeeze %dma_wait3A_120 : memref<1x128xi32, #tpu.memory_space<vmem>> -> memref<128xi32, #tpu.memory_space<vmem>>
      %dma_wait3A_122 = arith.constant 0 : i32
      %dma_wait3A_123 = arith.constant 0 : i32
      %dma_wait3A_124 = tpu.memref_slice %arg2[%dma_wait3A_122, %dma_wait3A_123] : memref<20000x64xf32, #tpu.memory_space<hbm>> -> memref<20000x64xf32, #tpu.memory_space<hbm>>
      tpu.wait_indirect_dma semaphore(%arg12 : memref<!tpu.dma_semaphore, #tpu.memory_space<semaphore_mem>>) src(%dma_wait3A_124 : memref<20000x64xf32, #tpu.memory_space<hbm>>) dst(%dma_wait3A_118 : memref<128x64xf32, #tpu.memory_space<vmem>>)
      %dma_start3A_125 = arith.constant 1 : i32
      %dma_start3A_126 = arith.constant 0 : i32
      %dma_start3A_127 = arith.constant 0 : i32
      %dma_start3A_128 = tpu.memref_slice %arg9[%dma_start3A_125, %dma_start3A_126, %dma_start3A_127] : memref<4x128x64xf32, #tpu.memory_space<vmem>> -> memref<1x128x64xf32, #tpu.memory_space<vmem>>
      %dma_start3A_129 = tpu.memref_squeeze %dma_start3A_128 : memref<1x128x64xf32, #tpu.memory_space<vmem>> -> memref<128x64xf32, #tpu.memory_space<vmem>>
      %dma_start3A_130 = arith.constant 0 : i32
      %dma_start3A_131 = tpu.memref_slice %arg8[%add3A_113, %dma_start3A_130] : memref<160x128xi32, #tpu.memory_space<vmem>> -> memref<1x128xi32, #tpu.memory_space<vmem>>
      %dma_start3A_132 = tpu.memref_squeeze %dma_start3A_131 : memref<1x128xi32, #tpu.memory_space<vmem>> -> memref<128xi32, #tpu.memory_space<vmem>>
      %dma_start3A_133 = arith.constant 0 : i32
      %dma_start3A_134 = arith.constant 0 : i32
      %dma_start3A_135 = tpu.memref_slice %arg10[%dma_start3A_133, %dma_start3A_134] : memref<10240x64xf32, #tpu.memory_space<vmem_shared>> -> memref<10240x64xf32, #tpu.memory_space<vmem_shared>>
      tpu.enqueue_indirect_dma source(%dma_start3A_129 : memref<128x64xf32, #tpu.memory_space<vmem>>) target(%dma_start3A_135 : memref<10240x64xf32, #tpu.memory_space<vmem_shared>>) offsets(%dma_start3A_132 : memref<128xi32, #tpu.memory_space<vmem>>) semaphore(%arg16 : memref<!tpu.dma_semaphore, #tpu.memory_space<semaphore_mem>>) {add = true}
      %sub3A_136 = arith.constant 2 : i32
      %sub3A_137 = arith.subi %add3A_113, %sub3A_136 : i32
      %ge3A_138 = arith.constant 0 : i32
      %ge3A_139 = arith.cmpi sge, %sub3A_137, %ge3A_138 : i32
      %convert_element_type3A_140 = arith.extui %ge3A_139 : i1 to i32
      %cond3A_141 = arith.constant 0 : i32
      %cond3A_142 = arith.cmpi ne, %convert_element_type3A_140, %cond3A_141 : i32
      scf.if %cond3A_142 {
        %dma_wait3A_205 = arith.constant 3 : i32
        %dma_wait3A_206 = arith.constant 0 : i32
        %dma_wait3A_207 = arith.constant 0 : i32
        %dma_wait3A_208 = tpu.memref_slice %arg9[%dma_wait3A_205, %dma_wait3A_206, %dma_wait3A_207] : memref<4x128x64xf32, #tpu.memory_space<vmem>> -> memref<1x128x64xf32, #tpu.memory_space<vmem>>
        %dma_wait3A_209 = tpu.memref_squeeze %dma_wait3A_208 : memref<1x128x64xf32, #tpu.memory_space<vmem>> -> memref<128x64xf32, #tpu.memory_space<vmem>>
        %dma_wait3A_210 = arith.constant 0 : i32
        %dma_wait3A_211 = tpu.memref_slice %arg8[%sub3A_137, %dma_wait3A_210] : memref<160x128xi32, #tpu.memory_space<vmem>> -> memref<1x128xi32, #tpu.memory_space<vmem>>
        %dma_wait3A_212 = tpu.memref_squeeze %dma_wait3A_211 : memref<1x128xi32, #tpu.memory_space<vmem>> -> memref<128xi32, #tpu.memory_space<vmem>>
        %dma_wait3A_213 = arith.constant 0 : i32
        %dma_wait3A_214 = arith.constant 0 : i32
        %dma_wait3A_215 = tpu.memref_slice %arg10[%dma_wait3A_213, %dma_wait3A_214] : memref<10240x64xf32, #tpu.memory_space<vmem_shared>> -> memref<10240x64xf32, #tpu.memory_space<vmem_shared>>
        tpu.wait_indirect_dma semaphore(%arg18 : memref<!tpu.dma_semaphore, #tpu.memory_space<semaphore_mem>>) src(%dma_wait3A_209 : memref<128x64xf32, #tpu.memory_space<vmem>>) dst(%dma_wait3A_215 : memref<10240x64xf32, #tpu.memory_space<vmem_shared>>)
        %add3A_216 = arith.constant 4 : i32
        %add3A_217 = arith.addi %sub3A_137, %add3A_216 : i32
        %lt3A = arith.constant 160 : i32
        %lt3A_218 = arith.cmpi slt, %add3A_217, %lt3A : i32
        %convert_element_type3A_219 = arith.extui %lt3A_218 : i1 to i32
        %cond3A_220 = arith.constant 0 : i32
        %cond3A_221 = arith.cmpi ne, %convert_element_type3A_219, %cond3A_220 : i32
        scf.if %cond3A_221 {
          %add3A_222 = arith.constant 4 : i32
          %add3A_223 = arith.addi %sub3A_137, %add3A_222 : i32
          %dma_start3A_224 = arith.constant 3 : i32
          %dma_start3A_225 = arith.constant 0 : i32
          %dma_start3A_226 = arith.constant 0 : i32
          %dma_start3A_227 = tpu.memref_slice %arg9[%dma_start3A_224, %dma_start3A_225, %dma_start3A_226] : memref<4x128x64xf32, #tpu.memory_space<vmem>> -> memref<1x128x64xf32, #tpu.memory_space<vmem>>
          %dma_start3A_228 = tpu.memref_squeeze %dma_start3A_227 : memref<1x128x64xf32, #tpu.memory_space<vmem>> -> memref<128x64xf32, #tpu.memory_space<vmem>>
          %dma_start3A_229 = arith.constant 0 : i32
          %dma_start3A_230 = tpu.memref_slice %arg7[%add3A_223, %dma_start3A_229] : memref<160x128xi32, #tpu.memory_space<vmem>> -> memref<1x128xi32, #tpu.memory_space<vmem>>
          %dma_start3A_231 = tpu.memref_squeeze %dma_start3A_230 : memref<1x128xi32, #tpu.memory_space<vmem>> -> memref<128xi32, #tpu.memory_space<vmem>>
          %dma_start3A_232 = arith.constant 0 : i32
          %dma_start3A_233 = arith.constant 0 : i32
          %dma_start3A_234 = tpu.memref_slice %arg2[%dma_start3A_232, %dma_start3A_233] : memref<20000x64xf32, #tpu.memory_space<hbm>> -> memref<20000x64xf32, #tpu.memory_space<hbm>>
          tpu.enqueue_indirect_dma source(%dma_start3A_234 : memref<20000x64xf32, #tpu.memory_space<hbm>>) target(%dma_start3A_228 : memref<128x64xf32, #tpu.memory_space<vmem>>) offsets(%dma_start3A_231 : memref<128xi32, #tpu.memory_space<vmem>>) semaphore(%arg14 : memref<!tpu.dma_semaphore, #tpu.memory_space<semaphore_mem>>)
        } else {
        }
      } else {
      }
      %add3A_143 = arith.constant 2 : i32
      %add3A_144 = arith.addi %add3A_84, %add3A_143 : i32
      %dma_wait3A_145 = arith.constant 2 : i32
      %dma_wait3A_146 = arith.constant 0 : i32
      %dma_wait3A_147 = arith.constant 0 : i32
      %dma_wait3A_148 = tpu.memref_slice %arg9[%dma_wait3A_145, %dma_wait3A_146, %dma_wait3A_147] : memref<4x128x64xf32, #tpu.memory_space<vmem>> -> memref<1x128x64xf32, #tpu.memory_space<vmem>>
      %dma_wait3A_149 = tpu.memref_squeeze %dma_wait3A_148 : memref<1x128x64xf32, #tpu.memory_space<vmem>> -> memref<128x64xf32, #tpu.memory_space<vmem>>
      %dma_wait3A_150 = arith.constant 0 : i32
      %dma_wait3A_151 = tpu.memref_slice %arg7[%add3A_144, %dma_wait3A_150] : memref<160x128xi32, #tpu.memory_space<vmem>> -> memref<1x128xi32, #tpu.memory_space<vmem>>
      %dma_wait3A_152 = tpu.memref_squeeze %dma_wait3A_151 : memref<1x128xi32, #tpu.memory_space<vmem>> -> memref<128xi32, #tpu.memory_space<vmem>>
      %dma_wait3A_153 = arith.constant 0 : i32
      %dma_wait3A_154 = arith.constant 0 : i32
      %dma_wait3A_155 = tpu.memref_slice %arg2[%dma_wait3A_153, %dma_wait3A_154] : memref<20000x64xf32, #tpu.memory_space<hbm>> -> memref<20000x64xf32, #tpu.memory_space<hbm>>
      tpu.wait_indirect_dma semaphore(%arg13 : memref<!tpu.dma_semaphore, #tpu.memory_space<semaphore_mem>>) src(%dma_wait3A_155 : memref<20000x64xf32, #tpu.memory_space<hbm>>) dst(%dma_wait3A_149 : memref<128x64xf32, #tpu.memory_space<vmem>>)
      %dma_start3A_156 = arith.constant 2 : i32
      %dma_start3A_157 = arith.constant 0 : i32
      %dma_start3A_158 = arith.constant 0 : i32
      %dma_start3A_159 = tpu.memref_slice %arg9[%dma_start3A_156, %dma_start3A_157, %dma_start3A_158] : memref<4x128x64xf32, #tpu.memory_space<vmem>> -> memref<1x128x64xf32, #tpu.memory_space<vmem>>
      %dma_start3A_160 = tpu.memref_squeeze %dma_start3A_159 : memref<1x128x64xf32, #tpu.memory_space<vmem>> -> memref<128x64xf32, #tpu.memory_space<vmem>>
      %dma_start3A_161 = arith.constant 0 : i32
      %dma_start3A_162 = tpu.memref_slice %arg8[%add3A_144, %dma_start3A_161] : memref<160x128xi32, #tpu.memory_space<vmem>> -> memref<1x128xi32, #tpu.memory_space<vmem>>
      %dma_start3A_163 = tpu.memref_squeeze %dma_start3A_162 : memref<1x128xi32, #tpu.memory_space<vmem>> -> memref<128xi32, #tpu.memory_space<vmem>>
      %dma_start3A_164 = arith.constant 0 : i32
      %dma_start3A_165 = arith.constant 0 : i32
      %dma_start3A_166 = tpu.memref_slice %arg10[%dma_start3A_164, %dma_start3A_165] : memref<10240x64xf32, #tpu.memory_space<vmem_shared>> -> memref<10240x64xf32, #tpu.memory_space<vmem_shared>>
      tpu.enqueue_indirect_dma source(%dma_start3A_160 : memref<128x64xf32, #tpu.memory_space<vmem>>) target(%dma_start3A_166 : memref<10240x64xf32, #tpu.memory_space<vmem_shared>>) offsets(%dma_start3A_163 : memref<128xi32, #tpu.memory_space<vmem>>) semaphore(%arg17 : memref<!tpu.dma_semaphore, #tpu.memory_space<semaphore_mem>>) {add = true}
      %sub3A_167 = arith.constant 2 : i32
      %sub3A_168 = arith.subi %add3A_144, %sub3A_167 : i32
      %ge3A_169 = arith.constant 0 : i32
      %ge3A_170 = arith.cmpi sge, %sub3A_168, %ge3A_169 : i32
      %convert_element_type3A_171 = arith.extui %ge3A_170 : i1 to i32
      %cond3A_172 = arith.constant 0 : i32
      %cond3A_173 = arith.cmpi ne, %convert_element_type3A_171, %cond3A_172 : i32
      scf.if %cond3A_173 {
        %dma_wait3A_205 = arith.constant 0 : i32
        %dma_wait3A_206 = arith.constant 0 : i32
        %dma_wait3A_207 = arith.constant 0 : i32
        %dma_wait3A_208 = tpu.memref_slice %arg9[%dma_wait3A_205, %dma_wait3A_206, %dma_wait3A_207] : memref<4x128x64xf32, #tpu.memory_space<vmem>> -> memref<1x128x64xf32, #tpu.memory_space<vmem>>
        %dma_wait3A_209 = tpu.memref_squeeze %dma_wait3A_208 : memref<1x128x64xf32, #tpu.memory_space<vmem>> -> memref<128x64xf32, #tpu.memory_space<vmem>>
        %dma_wait3A_210 = arith.constant 0 : i32
        %dma_wait3A_211 = tpu.memref_slice %arg8[%sub3A_168, %dma_wait3A_210] : memref<160x128xi32, #tpu.memory_space<vmem>> -> memref<1x128xi32, #tpu.memory_space<vmem>>
        %dma_wait3A_212 = tpu.memref_squeeze %dma_wait3A_211 : memref<1x128xi32, #tpu.memory_space<vmem>> -> memref<128xi32, #tpu.memory_space<vmem>>
        %dma_wait3A_213 = arith.constant 0 : i32
        %dma_wait3A_214 = arith.constant 0 : i32
        %dma_wait3A_215 = tpu.memref_slice %arg10[%dma_wait3A_213, %dma_wait3A_214] : memref<10240x64xf32, #tpu.memory_space<vmem_shared>> -> memref<10240x64xf32, #tpu.memory_space<vmem_shared>>
        tpu.wait_indirect_dma semaphore(%arg15 : memref<!tpu.dma_semaphore, #tpu.memory_space<semaphore_mem>>) src(%dma_wait3A_209 : memref<128x64xf32, #tpu.memory_space<vmem>>) dst(%dma_wait3A_215 : memref<10240x64xf32, #tpu.memory_space<vmem_shared>>)
        %add3A_216 = arith.constant 4 : i32
        %add3A_217 = arith.addi %sub3A_168, %add3A_216 : i32
        %lt3A = arith.constant 160 : i32
        %lt3A_218 = arith.cmpi slt, %add3A_217, %lt3A : i32
        %convert_element_type3A_219 = arith.extui %lt3A_218 : i1 to i32
        %cond3A_220 = arith.constant 0 : i32
        %cond3A_221 = arith.cmpi ne, %convert_element_type3A_219, %cond3A_220 : i32
        scf.if %cond3A_221 {
          %add3A_222 = arith.constant 4 : i32
          %add3A_223 = arith.addi %sub3A_168, %add3A_222 : i32
          %dma_start3A_224 = arith.constant 0 : i32
          %dma_start3A_225 = arith.constant 0 : i32
          %dma_start3A_226 = arith.constant 0 : i32
          %dma_start3A_227 = tpu.memref_slice %arg9[%dma_start3A_224, %dma_start3A_225, %dma_start3A_226] : memref<4x128x64xf32, #tpu.memory_space<vmem>> -> memref<1x128x64xf32, #tpu.memory_space<vmem>>
          %dma_start3A_228 = tpu.memref_squeeze %dma_start3A_227 : memref<1x128x64xf32, #tpu.memory_space<vmem>> -> memref<128x64xf32, #tpu.memory_space<vmem>>
          %dma_start3A_229 = arith.constant 0 : i32
          %dma_start3A_230 = tpu.memref_slice %arg7[%add3A_223, %dma_start3A_229] : memref<160x128xi32, #tpu.memory_space<vmem>> -> memref<1x128xi32, #tpu.memory_space<vmem>>
          %dma_start3A_231 = tpu.memref_squeeze %dma_start3A_230 : memref<1x128xi32, #tpu.memory_space<vmem>> -> memref<128xi32, #tpu.memory_space<vmem>>
          %dma_start3A_232 = arith.constant 0 : i32
          %dma_start3A_233 = arith.constant 0 : i32
          %dma_start3A_234 = tpu.memref_slice %arg2[%dma_start3A_232, %dma_start3A_233] : memref<20000x64xf32, #tpu.memory_space<hbm>> -> memref<20000x64xf32, #tpu.memory_space<hbm>>
          tpu.enqueue_indirect_dma source(%dma_start3A_234 : memref<20000x64xf32, #tpu.memory_space<hbm>>) target(%dma_start3A_228 : memref<128x64xf32, #tpu.memory_space<vmem>>) offsets(%dma_start3A_231 : memref<128xi32, #tpu.memory_space<vmem>>) semaphore(%arg11 : memref<!tpu.dma_semaphore, #tpu.memory_space<semaphore_mem>>)
        } else {
        }
      } else {
      }
      %add3A_174 = arith.constant 3 : i32
      %add3A_175 = arith.addi %add3A_84, %add3A_174 : i32
      %dma_wait3A_176 = arith.constant 3 : i32
      %dma_wait3A_177 = arith.constant 0 : i32
      %dma_wait3A_178 = arith.constant 0 : i32
      %dma_wait3A_179 = tpu.memref_slice %arg9[%dma_wait3A_176, %dma_wait3A_177, %dma_wait3A_178] : memref<4x128x64xf32, #tpu.memory_space<vmem>> -> memref<1x128x64xf32, #tpu.memory_space<vmem>>
      %dma_wait3A_180 = tpu.memref_squeeze %dma_wait3A_179 : memref<1x128x64xf32, #tpu.memory_space<vmem>> -> memref<128x64xf32, #tpu.memory_space<vmem>>
      %dma_wait3A_181 = arith.constant 0 : i32
      %dma_wait3A_182 = tpu.memref_slice %arg7[%add3A_175, %dma_wait3A_181] : memref<160x128xi32, #tpu.memory_space<vmem>> -> memref<1x128xi32, #tpu.memory_space<vmem>>
      %dma_wait3A_183 = tpu.memref_squeeze %dma_wait3A_182 : memref<1x128xi32, #tpu.memory_space<vmem>> -> memref<128xi32, #tpu.memory_space<vmem>>
      %dma_wait3A_184 = arith.constant 0 : i32
      %dma_wait3A_185 = arith.constant 0 : i32
      %dma_wait3A_186 = tpu.memref_slice %arg2[%dma_wait3A_184, %dma_wait3A_185] : memref<20000x64xf32, #tpu.memory_space<hbm>> -> memref<20000x64xf32, #tpu.memory_space<hbm>>
      tpu.wait_indirect_dma semaphore(%arg14 : memref<!tpu.dma_semaphore, #tpu.memory_space<semaphore_mem>>) src(%dma_wait3A_186 : memref<20000x64xf32, #tpu.memory_space<hbm>>) dst(%dma_wait3A_180 : memref<128x64xf32, #tpu.memory_space<vmem>>)
      %dma_start3A_187 = arith.constant 3 : i32
      %dma_start3A_188 = arith.constant 0 : i32
      %dma_start3A_189 = arith.constant 0 : i32
      %dma_start3A_190 = tpu.memref_slice %arg9[%dma_start3A_187, %dma_start3A_188, %dma_start3A_189] : memref<4x128x64xf32, #tpu.memory_space<vmem>> -> memref<1x128x64xf32, #tpu.memory_space<vmem>>
      %dma_start3A_191 = tpu.memref_squeeze %dma_start3A_190 : memref<1x128x64xf32, #tpu.memory_space<vmem>> -> memref<128x64xf32, #tpu.memory_space<vmem>>
      %dma_start3A_192 = arith.constant 0 : i32
      %dma_start3A_193 = tpu.memref_slice %arg8[%add3A_175, %dma_start3A_192] : memref<160x128xi32, #tpu.memory_space<vmem>> -> memref<1x128xi32, #tpu.memory_space<vmem>>
      %dma_start3A_194 = tpu.memref_squeeze %dma_start3A_193 : memref<1x128xi32, #tpu.memory_space<vmem>> -> memref<128xi32, #tpu.memory_space<vmem>>
      %dma_start3A_195 = arith.constant 0 : i32
      %dma_start3A_196 = arith.constant 0 : i32
      %dma_start3A_197 = tpu.memref_slice %arg10[%dma_start3A_195, %dma_start3A_196] : memref<10240x64xf32, #tpu.memory_space<vmem_shared>> -> memref<10240x64xf32, #tpu.memory_space<vmem_shared>>
      tpu.enqueue_indirect_dma source(%dma_start3A_191 : memref<128x64xf32, #tpu.memory_space<vmem>>) target(%dma_start3A_197 : memref<10240x64xf32, #tpu.memory_space<vmem_shared>>) offsets(%dma_start3A_194 : memref<128xi32, #tpu.memory_space<vmem>>) semaphore(%arg18 : memref<!tpu.dma_semaphore, #tpu.memory_space<semaphore_mem>>) {add = true}
      %sub3A_198 = arith.constant 2 : i32
      %sub3A_199 = arith.subi %add3A_175, %sub3A_198 : i32
      %ge3A_200 = arith.constant 0 : i32
      %ge3A_201 = arith.cmpi sge, %sub3A_199, %ge3A_200 : i32
      %convert_element_type3A_202 = arith.extui %ge3A_201 : i1 to i32
      %cond3A_203 = arith.constant 0 : i32
      %cond3A_204 = arith.cmpi ne, %convert_element_type3A_202, %cond3A_203 : i32
      scf.if %cond3A_204 {
        %dma_wait3A_205 = arith.constant 1 : i32
        %dma_wait3A_206 = arith.constant 0 : i32
        %dma_wait3A_207 = arith.constant 0 : i32
        %dma_wait3A_208 = tpu.memref_slice %arg9[%dma_wait3A_205, %dma_wait3A_206, %dma_wait3A_207] : memref<4x128x64xf32, #tpu.memory_space<vmem>> -> memref<1x128x64xf32, #tpu.memory_space<vmem>>
        %dma_wait3A_209 = tpu.memref_squeeze %dma_wait3A_208 : memref<1x128x64xf32, #tpu.memory_space<vmem>> -> memref<128x64xf32, #tpu.memory_space<vmem>>
        %dma_wait3A_210 = arith.constant 0 : i32
        %dma_wait3A_211 = tpu.memref_slice %arg8[%sub3A_199, %dma_wait3A_210] : memref<160x128xi32, #tpu.memory_space<vmem>> -> memref<1x128xi32, #tpu.memory_space<vmem>>
        %dma_wait3A_212 = tpu.memref_squeeze %dma_wait3A_211 : memref<1x128xi32, #tpu.memory_space<vmem>> -> memref<128xi32, #tpu.memory_space<vmem>>
        %dma_wait3A_213 = arith.constant 0 : i32
        %dma_wait3A_214 = arith.constant 0 : i32
        %dma_wait3A_215 = tpu.memref_slice %arg10[%dma_wait3A_213, %dma_wait3A_214] : memref<10240x64xf32, #tpu.memory_space<vmem_shared>> -> memref<10240x64xf32, #tpu.memory_space<vmem_shared>>
        tpu.wait_indirect_dma semaphore(%arg16 : memref<!tpu.dma_semaphore, #tpu.memory_space<semaphore_mem>>) src(%dma_wait3A_209 : memref<128x64xf32, #tpu.memory_space<vmem>>) dst(%dma_wait3A_215 : memref<10240x64xf32, #tpu.memory_space<vmem_shared>>)
        %add3A_216 = arith.constant 4 : i32
        %add3A_217 = arith.addi %sub3A_199, %add3A_216 : i32
        %lt3A = arith.constant 160 : i32
        %lt3A_218 = arith.cmpi slt, %add3A_217, %lt3A : i32
        %convert_element_type3A_219 = arith.extui %lt3A_218 : i1 to i32
        %cond3A_220 = arith.constant 0 : i32
        %cond3A_221 = arith.cmpi ne, %convert_element_type3A_219, %cond3A_220 : i32
        scf.if %cond3A_221 {
          %add3A_222 = arith.constant 4 : i32
          %add3A_223 = arith.addi %sub3A_199, %add3A_222 : i32
          %dma_start3A_224 = arith.constant 1 : i32
          %dma_start3A_225 = arith.constant 0 : i32
          %dma_start3A_226 = arith.constant 0 : i32
          %dma_start3A_227 = tpu.memref_slice %arg9[%dma_start3A_224, %dma_start3A_225, %dma_start3A_226] : memref<4x128x64xf32, #tpu.memory_space<vmem>> -> memref<1x128x64xf32, #tpu.memory_space<vmem>>
          %dma_start3A_228 = tpu.memref_squeeze %dma_start3A_227 : memref<1x128x64xf32, #tpu.memory_space<vmem>> -> memref<128x64xf32, #tpu.memory_space<vmem>>
          %dma_start3A_229 = arith.constant 0 : i32
          %dma_start3A_230 = tpu.memref_slice %arg7[%add3A_223, %dma_start3A_229] : memref<160x128xi32, #tpu.memory_space<vmem>> -> memref<1x128xi32, #tpu.memory_space<vmem>>
          %dma_start3A_231 = tpu.memref_squeeze %dma_start3A_230 : memref<1x128xi32, #tpu.memory_space<vmem>> -> memref<128xi32, #tpu.memory_space<vmem>>
          %dma_start3A_232 = arith.constant 0 : i32
          %dma_start3A_233 = arith.constant 0 : i32
          %dma_start3A_234 = tpu.memref_slice %arg2[%dma_start3A_232, %dma_start3A_233] : memref<20000x64xf32, #tpu.memory_space<hbm>> -> memref<20000x64xf32, #tpu.memory_space<hbm>>
          tpu.enqueue_indirect_dma source(%dma_start3A_234 : memref<20000x64xf32, #tpu.memory_space<hbm>>) target(%dma_start3A_228 : memref<128x64xf32, #tpu.memory_space<vmem>>) offsets(%dma_start3A_231 : memref<128xi32, #tpu.memory_space<vmem>>) semaphore(%arg12 : memref<!tpu.dma_semaphore, #tpu.memory_space<semaphore_mem>>)
        } else {
        }
      } else {
      }
    }
    %scan3A_52 = arith.constant 40 : i32
    %dma_wait3A = arith.constant 2 : i32
    %dma_wait3A_53 = arith.constant 158 : i32
    %dma_wait3A_54 = arith.constant 0 : i32
    %dma_wait3A_55 = arith.constant 0 : i32
    %dma_wait3A_56 = tpu.memref_slice %arg9[%dma_wait3A, %dma_wait3A_54, %dma_wait3A_55] : memref<4x128x64xf32, #tpu.memory_space<vmem>> -> memref<1x128x64xf32, #tpu.memory_space<vmem>>
    %dma_wait3A_57 = tpu.memref_squeeze %dma_wait3A_56 : memref<1x128x64xf32, #tpu.memory_space<vmem>> -> memref<128x64xf32, #tpu.memory_space<vmem>>
    %dma_wait3A_58 = arith.constant 0 : i32
    %dma_wait3A_59 = tpu.memref_slice %arg8[%dma_wait3A_53, %dma_wait3A_58] : memref<160x128xi32, #tpu.memory_space<vmem>> -> memref<1x128xi32, #tpu.memory_space<vmem>>
    %dma_wait3A_60 = tpu.memref_squeeze %dma_wait3A_59 : memref<1x128xi32, #tpu.memory_space<vmem>> -> memref<128xi32, #tpu.memory_space<vmem>>
    %dma_wait3A_61 = arith.constant 0 : i32
    %dma_wait3A_62 = arith.constant 0 : i32
    %dma_wait3A_63 = tpu.memref_slice %arg10[%dma_wait3A_61, %dma_wait3A_62] : memref<10240x64xf32, #tpu.memory_space<vmem_shared>> -> memref<10240x64xf32, #tpu.memory_space<vmem_shared>>
    tpu.wait_indirect_dma semaphore(%arg17 : memref<!tpu.dma_semaphore, #tpu.memory_space<semaphore_mem>>) src(%dma_wait3A_57 : memref<128x64xf32, #tpu.memory_space<vmem>>) dst(%dma_wait3A_63 : memref<10240x64xf32, #tpu.memory_space<vmem_shared>>)
    %dma_wait3A_64 = arith.constant 3 : i32
    %dma_wait3A_65 = arith.constant 159 : i32
    %dma_wait3A_66 = arith.constant 0 : i32
    %dma_wait3A_67 = arith.constant 0 : i32
    %dma_wait3A_68 = tpu.memref_slice %arg9[%dma_wait3A_64, %dma_wait3A_66, %dma_wait3A_67] : memref<4x128x64xf32, #tpu.memory_space<vmem>> -> memref<1x128x64xf32, #tpu.memory_space<vmem>>
    %dma_wait3A_69 = tpu.memref_squeeze %dma_wait3A_68 : memref<1x128x64xf32, #tpu.memory_space<vmem>> -> memref<128x64xf32, #tpu.memory_space<vmem>>
    %dma_wait3A_70 = arith.constant 0 : i32
    %dma_wait3A_71 = tpu.memref_slice %arg8[%dma_wait3A_65, %dma_wait3A_70] : memref<160x128xi32, #tpu.memory_space<vmem>> -> memref<1x128xi32, #tpu.memory_space<vmem>>
    %dma_wait3A_72 = tpu.memref_squeeze %dma_wait3A_71 : memref<1x128xi32, #tpu.memory_space<vmem>> -> memref<128xi32, #tpu.memory_space<vmem>>
    %dma_wait3A_73 = arith.constant 0 : i32
    %dma_wait3A_74 = arith.constant 0 : i32
    %dma_wait3A_75 = tpu.memref_slice %arg10[%dma_wait3A_73, %dma_wait3A_74] : memref<10240x64xf32, #tpu.memory_space<vmem_shared>> -> memref<10240x64xf32, #tpu.memory_space<vmem_shared>>
    tpu.wait_indirect_dma semaphore(%arg18 : memref<!tpu.dma_semaphore, #tpu.memory_space<semaphore_mem>>) src(%dma_wait3A_69 : memref<128x64xf32, #tpu.memory_space<vmem>>) dst(%dma_wait3A_75 : memref<10240x64xf32, #tpu.memory_space<vmem_shared>>)
    %barrier3A_76 = arith.constant 0 : index
    tpu.barrier barrier_id(%barrier3A_76)
    %mul3A_77 = arith.constant 640 : i32
    %mul3A_78 = arith.muli %arg1, %mul3A_77 : i32
    %mul3A_79 = arith.constant 640 : i32
    %mul3A_80 = arith.muli %arg1, %mul3A_79 : i32
    "tpu.region"() ({
      %run_scoped3A = tpu.sem_alloc : memref<!tpu.dma_semaphore, #tpu.memory_space<semaphore_mem>>
      %dma_start3A_81 = arith.constant 0 : i32
      %dma_start3A_82 = tpu.memref_slice %arg6[%arg0, %mul3A_80, %dma_start3A_81] : memref<2x10240x64xf32, #tpu.memory_space<hbm>> -> memref<1x640x64xf32, #tpu.memory_space<hbm>>
      %dma_start3A_83 = tpu.memref_squeeze %dma_start3A_82 : memref<1x640x64xf32, #tpu.memory_space<hbm>> -> memref<640x64xf32, #tpu.memory_space<hbm>>
      %dma_start3A_84 = arith.constant 0 : i32
      %dma_start3A_85 = tpu.memref_slice %arg10[%mul3A_78, %dma_start3A_84] : memref<10240x64xf32, #tpu.memory_space<vmem_shared>> -> memref<640x64xf32, #tpu.memory_space<vmem_shared>>
      tpu.enqueue_dma source(%dma_start3A_85 : memref<640x64xf32, #tpu.memory_space<vmem_shared>>) target(%dma_start3A_83 : memref<640x64xf32, #tpu.memory_space<hbm>>) target_semaphore(%run_scoped3A : memref<!tpu.dma_semaphore, #tpu.memory_space<semaphore_mem>>)
      %dma_wait3A_86 = arith.constant 0 : i32
      %dma_wait3A_87 = tpu.memref_slice %arg6[%arg0, %mul3A_80, %dma_wait3A_86] : memref<2x10240x64xf32, #tpu.memory_space<hbm>> -> memref<1x640x64xf32, #tpu.memory_space<hbm>>
      %dma_wait3A_88 = tpu.memref_squeeze %dma_wait3A_87 : memref<1x640x64xf32, #tpu.memory_space<hbm>> -> memref<640x64xf32, #tpu.memory_space<hbm>>
      %dma_wait3A_89 = arith.constant 0 : i32
      %dma_wait3A_90 = tpu.memref_slice %arg10[%mul3A_78, %dma_wait3A_89] : memref<10240x64xf32, #tpu.memory_space<vmem_shared>> -> memref<640x64xf32, #tpu.memory_space<vmem_shared>>
      tpu.wait_dma2 semaphore(%run_scoped3A : memref<!tpu.dma_semaphore, #tpu.memory_space<semaphore_mem>>) src(%dma_wait3A_90 : memref<640x64xf32, #tpu.memory_space<vmem_shared>>) dst(%dma_wait3A_88 : memref<640x64xf32, #tpu.memory_space<hbm>>)
      tpu.yield
    }) : () -> ()
    return
  }
}

module attributes {stable_mosaic.version = 14 : i64} {
  func.func @_dense_body(%arg0: i32, %arg1: memref<2x1000x64xf32, #tpu.memory_space<vmem>>, %arg2: memref<1x16x1000xf32, #tpu.memory_space<vmem>>, %arg3: memref<2x1000x64xf32, #tpu.memory_space<vmem>>, %arg4: memref<256x128xf32, #tpu.memory_space<vmem>>, %arg5: memref<1x128xf32, #tpu.memory_space<vmem>>, %arg6: memref<2x1000x64xf32, #tpu.memory_space<vmem>>) attributes {dimension_semantics = [#tpu.dimension_semantics<arbitrary>], iteration_bounds = array<i64: 10>, scalar_prefetch = 0 : i64, scratch_operands = 0 : i64, tpu.core_type = #tpu.core_type<tc>, window_params = [{transform_indices = @transform_0, window_bounds = array<i64: 2, 1000, 64>}, {transform_indices = @transform_1, window_bounds = array<i64: 1, 16, 1000>}, {transform_indices = @transform_2, window_bounds = array<i64: 2, 1000, 64>}, {pipeline_mode = #tpu.pipeline_mode<synchronous>, transform_indices = @transform_3, window_bounds = array<i64: 256, 128>}, {pipeline_mode = #tpu.pipeline_mode<synchronous>, transform_indices = @transform_4, window_bounds = array<i64: 1, 128>}, {transform_indices = @transform_5, window_bounds = array<i64: 2, 1000, 64>}]} {
    %get3A = arith.constant 0 : index
    %get3A_0 = arith.constant 0 : index
    %get3A_1 = arith.constant 0 : index
    %get3A_2 = vector.load %arg2[%get3A, %get3A_0, %get3A_1] : memref<1x16x1000xf32, #tpu.memory_space<vmem>>, vector<1x16x1000xf32>
    %squeeze3A = vector.shape_cast %get3A_2 : vector<1x16x1000xf32> to vector<16x1000xf32>
    %reduce_sum3A = arith.constant dense<0.000000e+00> : vector<1000xf32>
    %reduce_sum3A_3 = vector.multi_reduction <add>, %squeeze3A, %reduce_sum3A [0] : vector<16x1000xf32> to vector<1000xf32>
    %max3A = arith.constant 1.000000e+00 : f32
    %max3A_4 = vector.broadcast %max3A : f32 to vector<1000xf32>
    %max3A_5 = arith.maximumf %reduce_sum3A_3, %max3A_4 : vector<1000xf32>
    %broadcast_in_dim3A = vector.shape_cast %max3A_5 : vector<1000xf32> to vector<1000x1xf32>
    %get3A_6 = arith.constant 0 : index
    %get3A_7 = arith.constant 0 : index
    %get3A_8 = arith.constant 0 : index
    %get3A_9 = vector.load %arg1[%get3A_6, %get3A_7, %get3A_8] : memref<2x1000x64xf32, #tpu.memory_space<vmem>>, vector<2x1000x64xf32>
    %broadcast_in_dim3A_10 = vector.shape_cast %broadcast_in_dim3A : vector<1000x1xf32> to vector<1x1000x1xf32>
    %div3A = vector.broadcast %broadcast_in_dim3A_10 : vector<1x1000x1xf32> to vector<2x1000x64xf32>
    %div3A_11 = arith.divf %get3A_9, %div3A : vector<2x1000x64xf32>
    %slice3A = vector.extract_strided_slice %div3A_11 {offsets = [0, 0, 0], sizes = [1, 1000, 64], strides = [1, 1, 1]} : vector<2x1000x64xf32> to vector<1x1000x64xf32>
    %squeeze3A_12 = vector.shape_cast %slice3A : vector<1x1000x64xf32> to vector<1000x64xf32>
    %slice3A_13 = vector.extract_strided_slice %div3A_11 {offsets = [1, 0, 0], sizes = [1, 1000, 64], strides = [1, 1, 1]} : vector<2x1000x64xf32> to vector<1x1000x64xf32>
    %squeeze3A_14 = vector.shape_cast %slice3A_13 : vector<1x1000x64xf32> to vector<1000x64xf32>
    %get3A_15 = arith.constant 0 : index
    %get3A_16 = arith.constant 0 : index
    %get3A_17 = arith.constant 0 : index
    %get3A_18 = vector.load %arg3[%get3A_15, %get3A_16, %get3A_17] : memref<2x1000x64xf32, #tpu.memory_space<vmem>>, vector<2x1000x64xf32>
    %slice3A_19 = vector.extract_strided_slice %get3A_18 {offsets = [0, 0, 0], sizes = [1, 1000, 64], strides = [1, 1, 1]} : vector<2x1000x64xf32> to vector<1x1000x64xf32>
    %squeeze3A_20 = vector.shape_cast %slice3A_19 : vector<1x1000x64xf32> to vector<1000x64xf32>
    %get3A_21 = arith.constant 0 : index
    %get3A_22 = arith.constant 0 : index
    %get3A_23 = arith.constant 0 : index
    %get3A_24 = vector.load %arg3[%get3A_21, %get3A_22, %get3A_23] : memref<2x1000x64xf32, #tpu.memory_space<vmem>>, vector<2x1000x64xf32>
    %slice3A_25 = vector.extract_strided_slice %get3A_24 {offsets = [1, 0, 0], sizes = [1, 1000, 64], strides = [1, 1, 1]} : vector<2x1000x64xf32> to vector<1x1000x64xf32>
    %squeeze3A_26 = vector.shape_cast %slice3A_25 : vector<1x1000x64xf32> to vector<1000x64xf32>
    %concatenate3A = tpu.concatenate %squeeze3A_12, %squeeze3A_14, %squeeze3A_20, %squeeze3A_26 in 1 : vector<1000x64xf32>, vector<1000x64xf32>, vector<1000x64xf32>, vector<1000x64xf32> -> vector<1000x256xf32>
    %get3A_27 = arith.constant 0 : index
    %get3A_28 = arith.constant 0 : index
    %get3A_29 = vector.load %arg4[%get3A_27, %get3A_28] : memref<256x128xf32, #tpu.memory_space<vmem>>, vector<256x128xf32>
    %dot_general3A = arith.constant dense<0.000000e+00> : vector<1000x128xf32>
    %dot_general3A_30 = tpu.matmul %concatenate3A, %get3A_29, %dot_general3A {dimension_numbers = #tpu.dot_dimension_numbers<[1], [0], [0], [1], [0, 0, 1, 1], [], []>, transpose_lhs_hint = false} : vector<1000x256xf32>, vector<256x128xf32>, vector<1000x128xf32> -> vector<1000x128xf32>
    %get3A_31 = arith.constant 0 : index
    %get3A_32 = arith.constant 0 : index
    %get3A_33 = vector.load %arg5[%get3A_31, %get3A_32] : memref<1x128xf32, #tpu.memory_space<vmem>>, vector<1x128xf32>
    %add3A = vector.broadcast %get3A_33 : vector<1x128xf32> to vector<1000x128xf32>
    %add3A_34 = arith.addf %dot_general3A_30, %add3A : vector<1000x128xf32>
    %max3A_35 = arith.constant 0.000000e+00 : f32
    %max3A_36 = vector.broadcast %max3A_35 : f32 to vector<1000x128xf32>
    %max3A_37 = arith.maximumf %add3A_34, %max3A_36 : vector<1000x128xf32>
    %slice3A_38 = vector.extract_strided_slice %max3A_37 {offsets = [0, 0], sizes = [1000, 64], strides = [1, 1]} : vector<1000x128xf32> to vector<1000x64xf32>
    %swap3A = arith.constant 0 : index
    %swap3A_39 = arith.constant 0 : index
    %swap3A_40 = arith.constant 0 : index
    %swap3A_41 = vector.load %arg6[%swap3A, %swap3A_39, %swap3A_40] : memref<2x1000x64xf32, #tpu.memory_space<vmem>>, vector<1x1000x64xf32>
    %swap3A_42 = vector.shape_cast %swap3A_41 : vector<1x1000x64xf32> to vector<1000x64xf32>
    %swap3A_43 = vector.shape_cast %slice3A_38 : vector<1000x64xf32> to vector<1x1000x64xf32>
    tpu.vector_store %arg6[%swap3A, %swap3A_39, %swap3A_40], %swap3A_43 {strides = array<i32>} : memref<2x1000x64xf32, #tpu.memory_space<vmem>>, vector<1x1000x64xf32>,
    %slice3A_44 = vector.extract_strided_slice %max3A_37 {offsets = [0, 64], sizes = [1000, 64], strides = [1, 1]} : vector<1000x128xf32> to vector<1000x64xf32>
    %swap3A_45 = arith.constant 1 : index
    %swap3A_46 = arith.constant 0 : index
    %swap3A_47 = arith.constant 0 : index
    %swap3A_48 = vector.load %arg6[%swap3A_45, %swap3A_46, %swap3A_47] : memref<2x1000x64xf32, #tpu.memory_space<vmem>>, vector<1x1000x64xf32>
    %swap3A_49 = vector.shape_cast %swap3A_48 : vector<1x1000x64xf32> to vector<1000x64xf32>
    %swap3A_50 = vector.shape_cast %slice3A_44 : vector<1000x64xf32> to vector<1x1000x64xf32>
    tpu.vector_store %arg6[%swap3A_45, %swap3A_46, %swap3A_47], %swap3A_50 {strides = array<i32>} : memref<2x1000x64xf32, #tpu.memory_space<vmem>>, vector<1x1000x64xf32>,
    return
  }
  func.func @transform_0(%arg0: i32) -> (i32, i32, i32) {
    %c0_i32 = arith.constant 0 : i32
    %c0_i32_0 = arith.constant 0 : i32
    %c0_i32_1 = arith.constant 0 : i32
    return %c0_i32, %arg0, %c0_i32_0 : i32, i32, i32
  }
  func.func @transform_1(%arg0: i32) -> (i32, i32, i32) {
    %c0_i32 = arith.constant 0 : i32
    %c0_i32_0 = arith.constant 0 : i32
    %c0_i32_1 = arith.constant 0 : i32
    return %arg0, %c0_i32, %c0_i32_0 : i32, i32, i32
  }
  func.func @transform_2(%arg0: i32) -> (i32, i32, i32) {
    %c0_i32 = arith.constant 0 : i32
    %c0_i32_0 = arith.constant 0 : i32
    %c0_i32_1 = arith.constant 0 : i32
    return %c0_i32, %arg0, %c0_i32_0 : i32, i32, i32
  }
  func.func @transform_3(%arg0: i32) -> (i32, i32) {
    %c0_i32 = arith.constant 0 : i32
    %c0_i32_0 = arith.constant 0 : i32
    %c0_i32_1 = arith.constant 0 : i32
    return %c0_i32, %c0_i32_0 : i32, i32
  }
  func.func @transform_4(%arg0: i32) -> (i32, i32) {
    %c0_i32 = arith.constant 0 : i32
    %c0_i32_0 = arith.constant 0 : i32
    %c0_i32_1 = arith.constant 0 : i32
    return %c0_i32, %c0_i32_0 : i32, i32
  }
  func.func @transform_5(%arg0: i32) -> (i32, i32, i32) {
    %c0_i32 = arith.constant 0 : i32
    %c0_i32_0 = arith.constant 0 : i32
    %c0_i32_1 = arith.constant 0 : i32
    return %c0_i32, %arg0, %c0_i32_0 : i32, i32, i32
  }
}

module attributes {stable_mosaic.version = 14 : i64} {
  func.func @_final_body(%arg0: i32, %arg1: memref<2x1000x64xf32, #tpu.memory_space<vmem>>, %arg2: memref<1x16x1000xf32, #tpu.memory_space<vmem>>, %arg3: memref<2x1000x64xf32, #tpu.memory_space<vmem>>, %arg4: memref<1000x1xi32, #tpu.memory_space<vmem>>, %arg5: memref<256x128xf32, #tpu.memory_space<vmem>>, %arg6: memref<1x128xf32, #tpu.memory_space<vmem>>, %arg7: memref<128x8xf32, #tpu.memory_space<vmem>>, %arg8: memref<1x8xf32, #tpu.memory_space<vmem>>, %arg9: memref<64x8xf32, #tpu.memory_space<vmem>>, %arg10: memref<64x9xf32, #tpu.memory_space<vmem>>) attributes {dimension_semantics = [#tpu.dimension_semantics<arbitrary>], iteration_bounds = array<i64: 10>, scalar_prefetch = 0 : i64, scratch_operands = 1 : i64, tpu.core_type = #tpu.core_type<tc>, window_params = [{transform_indices = @transform_0, window_bounds = array<i64: 2, 1000, 64>}, {transform_indices = @transform_1, window_bounds = array<i64: 1, 16, 1000>}, {transform_indices = @transform_2, window_bounds = array<i64: 2, 1000, 64>}, {transform_indices = @transform_3, window_bounds = array<i64: 1000, 1>}, {pipeline_mode = #tpu.pipeline_mode<synchronous>, transform_indices = @transform_4, window_bounds = array<i64: 256, 128>}, {pipeline_mode = #tpu.pipeline_mode<synchronous>, transform_indices = @transform_5, window_bounds = array<i64: 1, 128>}, {pipeline_mode = #tpu.pipeline_mode<synchronous>, transform_indices = @transform_6, window_bounds = array<i64: 128, 8>}, {pipeline_mode = #tpu.pipeline_mode<synchronous>, transform_indices = @transform_7, window_bounds = array<i64: 1, 8>}, {pipeline_mode = #tpu.pipeline_mode<synchronous>, transform_indices = @transform_8, window_bounds = array<i64: 64, 8>}]} {
    %eq3A = arith.constant 0 : i32
    %eq3A_0 = arith.cmpi eq, %arg0, %eq3A : i32
    %convert_element_type3A = arith.extui %eq3A_0 : i1 to i32
    %cond3A = arith.constant 0 : i32
    %cond3A_1 = arith.cmpi ne, %convert_element_type3A, %cond3A : i32
    scf.if %cond3A_1 {
      %broadcast_in_dim3A_73 = arith.constant 0.000000e+00 : f32
      %broadcast_in_dim3A_74 = vector.broadcast %broadcast_in_dim3A_73 : f32 to vector<64x9xf32>
      %swap3A_75 = arith.constant 0 : index
      %swap3A_76 = arith.constant 0 : index
      %swap3A_77 = vector.load %arg10[%swap3A_75, %swap3A_76] : memref<64x9xf32, #tpu.memory_space<vmem>>, vector<64x9xf32>
      tpu.vector_store %arg10[%swap3A_75, %swap3A_76], %broadcast_in_dim3A_74 {strides = array<i32>} : memref<64x9xf32, #tpu.memory_space<vmem>>, vector<64x9xf32>,
    } else {
    }
    %get3A = arith.constant 0 : index
    %get3A_2 = arith.constant 0 : index
    %get3A_3 = arith.constant 0 : index
    %get3A_4 = vector.load %arg2[%get3A, %get3A_2, %get3A_3] : memref<1x16x1000xf32, #tpu.memory_space<vmem>>, vector<1x16x1000xf32>
    %squeeze3A = vector.shape_cast %get3A_4 : vector<1x16x1000xf32> to vector<16x1000xf32>
    %reduce_sum3A = arith.constant dense<0.000000e+00> : vector<1000xf32>
    %reduce_sum3A_5 = vector.multi_reduction <add>, %squeeze3A, %reduce_sum3A [0] : vector<16x1000xf32> to vector<1000xf32>
    %max3A = arith.constant 1.000000e+00 : f32
    %max3A_6 = vector.broadcast %max3A : f32 to vector<1000xf32>
    %max3A_7 = arith.maximumf %reduce_sum3A_5, %max3A_6 : vector<1000xf32>
    %broadcast_in_dim3A = vector.shape_cast %max3A_7 : vector<1000xf32> to vector<1000x1xf32>
    %get3A_8 = arith.constant 0 : index
    %get3A_9 = arith.constant 0 : index
    %get3A_10 = arith.constant 0 : index
    %get3A_11 = vector.load %arg1[%get3A_8, %get3A_9, %get3A_10] : memref<2x1000x64xf32, #tpu.memory_space<vmem>>, vector<2x1000x64xf32>
    %broadcast_in_dim3A_12 = vector.shape_cast %broadcast_in_dim3A : vector<1000x1xf32> to vector<1x1000x1xf32>
    %div3A = vector.broadcast %broadcast_in_dim3A_12 : vector<1x1000x1xf32> to vector<2x1000x64xf32>
    %div3A_13 = arith.divf %get3A_11, %div3A : vector<2x1000x64xf32>
    %slice3A = vector.extract_strided_slice %div3A_13 {offsets = [0, 0, 0], sizes = [1, 1000, 64], strides = [1, 1, 1]} : vector<2x1000x64xf32> to vector<1x1000x64xf32>
    %squeeze3A_14 = vector.shape_cast %slice3A : vector<1x1000x64xf32> to vector<1000x64xf32>
    %slice3A_15 = vector.extract_strided_slice %div3A_13 {offsets = [1, 0, 0], sizes = [1, 1000, 64], strides = [1, 1, 1]} : vector<2x1000x64xf32> to vector<1x1000x64xf32>
    %squeeze3A_16 = vector.shape_cast %slice3A_15 : vector<1x1000x64xf32> to vector<1000x64xf32>
    %get3A_17 = arith.constant 0 : index
    %get3A_18 = arith.constant 0 : index
    %get3A_19 = arith.constant 0 : index
    %get3A_20 = vector.load %arg3[%get3A_17, %get3A_18, %get3A_19] : memref<2x1000x64xf32, #tpu.memory_space<vmem>>, vector<2x1000x64xf32>
    %slice3A_21 = vector.extract_strided_slice %get3A_20 {offsets = [0, 0, 0], sizes = [1, 1000, 64], strides = [1, 1, 1]} : vector<2x1000x64xf32> to vector<1x1000x64xf32>
    %squeeze3A_22 = vector.shape_cast %slice3A_21 : vector<1x1000x64xf32> to vector<1000x64xf32>
    %get3A_23 = arith.constant 0 : index
    %get3A_24 = arith.constant 0 : index
    %get3A_25 = arith.constant 0 : index
    %get3A_26 = vector.load %arg3[%get3A_23, %get3A_24, %get3A_25] : memref<2x1000x64xf32, #tpu.memory_space<vmem>>, vector<2x1000x64xf32>
    %slice3A_27 = vector.extract_strided_slice %get3A_26 {offsets = [1, 0, 0], sizes = [1, 1000, 64], strides = [1, 1, 1]} : vector<2x1000x64xf32> to vector<1x1000x64xf32>
    %squeeze3A_28 = vector.shape_cast %slice3A_27 : vector<1x1000x64xf32> to vector<1000x64xf32>
    %concatenate3A = tpu.concatenate %squeeze3A_14, %squeeze3A_16, %squeeze3A_22, %squeeze3A_28 in 1 : vector<1000x64xf32>, vector<1000x64xf32>, vector<1000x64xf32>, vector<1000x64xf32> -> vector<1000x256xf32>
    %get3A_29 = arith.constant 0 : index
    %get3A_30 = arith.constant 0 : index
    %get3A_31 = vector.load %arg5[%get3A_29, %get3A_30] : memref<256x128xf32, #tpu.memory_space<vmem>>, vector<256x128xf32>
    %dot_general3A = arith.constant dense<0.000000e+00> : vector<1000x128xf32>
    %dot_general3A_32 = tpu.matmul %concatenate3A, %get3A_31, %dot_general3A {dimension_numbers = #tpu.dot_dimension_numbers<[1], [0], [0], [1], [0, 0, 1, 1], [], []>, transpose_lhs_hint = false} : vector<1000x256xf32>, vector<256x128xf32>, vector<1000x128xf32> -> vector<1000x128xf32>
    %get3A_33 = arith.constant 0 : index
    %get3A_34 = arith.constant 0 : index
    %get3A_35 = vector.load %arg6[%get3A_33, %get3A_34] : memref<1x128xf32, #tpu.memory_space<vmem>>, vector<1x128xf32>
    %add3A = vector.broadcast %get3A_35 : vector<1x128xf32> to vector<1000x128xf32>
    %add3A_36 = arith.addf %dot_general3A_32, %add3A : vector<1000x128xf32>
    %max3A_37 = arith.constant 0.000000e+00 : f32
    %max3A_38 = vector.broadcast %max3A_37 : f32 to vector<1000x128xf32>
    %max3A_39 = arith.maximumf %add3A_36, %max3A_38 : vector<1000x128xf32>
    %get3A_40 = arith.constant 0 : index
    %get3A_41 = arith.constant 0 : index
    %get3A_42 = vector.load %arg7[%get3A_40, %get3A_41] : memref<128x8xf32, #tpu.memory_space<vmem>>, vector<128x8xf32>
    %dot_general3A_43 = arith.constant dense<0.000000e+00> : vector<1000x8xf32>
    %dot_general3A_44 = tpu.matmul %max3A_39, %get3A_42, %dot_general3A_43 {dimension_numbers = #tpu.dot_dimension_numbers<[1], [0], [0], [1], [0, 0, 1, 1], [], []>, transpose_lhs_hint = false} : vector<1000x128xf32>, vector<128x8xf32>, vector<1000x8xf32> -> vector<1000x8xf32>
    %get3A_45 = arith.constant 0 : index
    %get3A_46 = arith.constant 0 : index
    %get3A_47 = vector.load %arg8[%get3A_45, %get3A_46] : memref<1x8xf32, #tpu.memory_space<vmem>>, vector<1x8xf32>
    %add3A_48 = vector.broadcast %get3A_47 : vector<1x8xf32> to vector<1000x8xf32>
    %add3A_49 = arith.addf %dot_general3A_44, %add3A_48 : vector<1000x8xf32>
    %tanh3A = math.tanh %add3A_49 : vector<1000x8xf32>
    %get3A_50 = arith.constant 0 : index
    %get3A_51 = arith.constant 0 : index
    %get3A_52 = vector.load %arg4[%get3A_50, %get3A_51] : memref<1000x1xi32, #tpu.memory_space<vmem>>, vector<1000x1xi32>
    %iota3A = tpu.iota {dimensions = array<i32: 1>} : vector<1000x64xi32>
    %eq3A_53 = vector.broadcast %get3A_52 : vector<1000x1xi32> to vector<1000x64xi32>
    %eq3A_54 = arith.cmpi eq, %eq3A_53, %iota3A : vector<1000x64xi32>
    %convert_element_type3A_55 = arith.extui %eq3A_54 : vector<1000x64xi1> to vector<1000x64xi32>
    %convert_element_type3A_56 = arith.sitofp %convert_element_type3A_55 : vector<1000x64xi32> to vector<1000x64xf32>
    %broadcast_in_dim3A_57 = arith.constant 1.000000e+00 : f32
    %broadcast_in_dim3A_58 = vector.broadcast %broadcast_in_dim3A_57 : f32 to vector<1000x1xf32>
    %concatenate3A_59 = tpu.concatenate %tanh3A, %broadcast_in_dim3A_58 in 1 : vector<1000x8xf32>, vector<1000x1xf32> -> vector<1000x9xf32>
    %get3A_60 = arith.constant 0 : index
    %get3A_61 = arith.constant 0 : index
    %get3A_62 = vector.load %arg10[%get3A_60, %get3A_61] : memref<64x9xf32, #tpu.memory_space<vmem>>, vector<64x9xf32>
    %dot_general3A_63 = arith.constant dense<0.000000e+00> : vector<64x9xf32>
    %dot_general3A_64 = tpu.matmul %convert_element_type3A_56, %concatenate3A_59, %dot_general3A_63 {dimension_numbers = #tpu.dot_dimension_numbers<[0], [0], [1], [1], [0, 1, 1, 1], [], []>, transpose_lhs_hint = false} : vector<1000x64xf32>, vector<1000x9xf32>, vector<64x9xf32> -> vector<64x9xf32>
    %add3A_65 = arith.addf %get3A_62, %dot_general3A_64 : vector<64x9xf32>
    %swap3A = arith.constant 0 : index
    %swap3A_66 = arith.constant 0 : index
    %swap3A_67 = vector.load %arg10[%swap3A, %swap3A_66] : memref<64x9xf32, #tpu.memory_space<vmem>>, vector<64x9xf32>
    tpu.vector_store %arg10[%swap3A, %swap3A_66], %add3A_65 {strides = array<i32>} : memref<64x9xf32, #tpu.memory_space<vmem>>, vector<64x9xf32>,
    %eq3A_68 = arith.constant 9 : i32
    %eq3A_69 = arith.cmpi eq, %arg0, %eq3A_68 : i32
    %convert_element_type3A_70 = arith.extui %eq3A_69 : i1 to i32
    %cond3A_71 = arith.constant 0 : i32
    %cond3A_72 = arith.cmpi ne, %convert_element_type3A_70, %cond3A_71 : i32
    scf.if %cond3A_72 {
      %get3A_73 = arith.constant 0 : index
      %get3A_74 = arith.constant 0 : index
      %get3A_75 = vector.load %arg10[%get3A_73, %get3A_74] : memref<64x9xf32, #tpu.memory_space<vmem>>, vector<64x8xf32>
      %get3A_76 = arith.constant 0 : index
      %get3A_77 = arith.constant 8 : index
      %get3A_78 = vector.load %arg10[%get3A_76, %get3A_77] : memref<64x9xf32, #tpu.memory_space<vmem>>, vector<64x1xf32>
      %max3A_79 = arith.constant 1.000000e+00 : f32
      %max3A_80 = vector.broadcast %max3A_79 : f32 to vector<64x1xf32>
      %max3A_81 = arith.maximumf %get3A_78, %max3A_80 : vector<64x1xf32>
      %div3A_82 = vector.broadcast %max3A_81 : vector<64x1xf32> to vector<64x8xf32>
      %div3A_83 = arith.divf %get3A_75, %div3A_82 : vector<64x8xf32>
      %swap3A_84 = arith.constant 0 : index
      %swap3A_85 = arith.constant 0 : index
      %swap3A_86 = vector.load %arg9[%swap3A_84, %swap3A_85] : memref<64x8xf32, #tpu.memory_space<vmem>>, vector<64x8xf32>
      tpu.vector_store %arg9[%swap3A_84, %swap3A_85], %div3A_83 {strides = array<i32>} : memref<64x8xf32, #tpu.memory_space<vmem>>, vector<64x8xf32>,
    } else {
    }
    return
  }
  func.func @transform_0(%arg0: i32) -> (i32, i32, i32) {
    %c0_i32 = arith.constant 0 : i32
    %c0_i32_0 = arith.constant 0 : i32
    %c0_i32_1 = arith.constant 0 : i32
    return %c0_i32, %arg0, %c0_i32_0 : i32, i32, i32
  }
  func.func @transform_1(%arg0: i32) -> (i32, i32, i32) {
    %c0_i32 = arith.constant 0 : i32
    %c0_i32_0 = arith.constant 0 : i32
    %c0_i32_1 = arith.constant 0 : i32
    return %arg0, %c0_i32, %c0_i32_0 : i32, i32, i32
  }
  func.func @transform_2(%arg0: i32) -> (i32, i32, i32) {
    %c0_i32 = arith.constant 0 : i32
    %c0_i32_0 = arith.constant 0 : i32
    %c0_i32_1 = arith.constant 0 : i32
    return %c0_i32, %arg0, %c0_i32_0 : i32, i32, i32
  }
  func.func @transform_3(%arg0: i32) -> (i32, i32) {
    %c0_i32 = arith.constant 0 : i32
    %c0_i32_0 = arith.constant 0 : i32
    return %arg0, %c0_i32 : i32, i32
  }
  func.func @transform_4(%arg0: i32) -> (i32, i32) {
    %c0_i32 = arith.constant 0 : i32
    %c0_i32_0 = arith.constant 0 : i32
    %c0_i32_1 = arith.constant 0 : i32
    return %c0_i32, %c0_i32_0 : i32, i32
  }
  func.func @transform_5(%arg0: i32) -> (i32, i32) {
    %c0_i32 = arith.constant 0 : i32
    %c0_i32_0 = arith.constant 0 : i32
    %c0_i32_1 = arith.constant 0 : i32
    return %c0_i32, %c0_i32_0 : i32, i32
  }
  func.func @transform_6(%arg0: i32) -> (i32, i32) {
    %c0_i32 = arith.constant 0 : i32
    %c0_i32_0 = arith.constant 0 : i32
    %c0_i32_1 = arith.constant 0 : i32
    return %c0_i32, %c0_i32_0 : i32, i32
  }
  func.func @transform_7(%arg0: i32) -> (i32, i32) {
    %c0_i32 = arith.constant 0 : i32
    %c0_i32_0 = arith.constant 0 : i32
    %c0_i32_1 = arith.constant 0 : i32
    return %c0_i32, %c0_i32_0 : i32, i32
  }
  func.func @transform_8(%arg0: i32) -> (i32, i32) {
    %c0_i32 = arith.constant 0 : i32
    %c0_i32_0 = arith.constant 0 : i32
    %c0_i32_1 = arith.constant 0 : i32
    return %c0_i32, %c0_i32_0 : i32, i32
  }
}

</mosaic_0001>

<sc_bundles>
// kernel: kernel.11.cloned.1.call-start
scs
__scs_entry_jumppad:
0x0: {  	(pc) =	sbr.rel $0x88, $3  }
0x1: {  	(tag) =	ssettag $0x0;
	lr =	simm.s32 $0x1  }
0x2: {  	[smem:$0x3F93] =	sst lr;
	_ =	strace $0xD0000000  }
0x3: {  	_ = 	snop  }
0x4: {  	_ = 	snop  }
0x5: {  	_ = 	snop  }
0x6: {  	_ = 	snop  }
0x7: {  	_ = 	snop  }
__scs_overlays_trampoline_lowered:
0x8: {  	[smem:$0x3FA2] =	sst s0  }
0x9: {  	[smem:$0x3FA3] =	sst s1  }
0xa: {  	[smem:$0x3FA4] =	sst s2  }
0xb: {  	[smem:$0x3FA5] =	sst s3  }
0xc: {  	[smem:$0x3FA6] =	sst s4  }
0xd: {  	[smem:$0x3FA7] =	sst s5  }
0xe: {  	[smem:$0x3FA8] =	sst s6  }
0xf: {  	[smem:$0x3FA9] =	sst s7  }
0x10: {  	[smem:$0x3FAA] =	sst s8  }
0x11: {  	[smem:$0x3FAB] =	sst s9;
	s0 =	simm.s32 @!p0 $0x0  }
0x12: {  	s1 =	sld [smem:$0x3F91];
	s0 =	simm.s32 @p0 $0x1  }
0x13: {  	[smem:$0x3FAC] =	sst s0;
	s0 =	simm.s32 @!p1 $0x0  }
0x14: {  	s2 =	sld [smem:$0x3F90];
	s0 =	simm.s32 @p1 $0x1  }
0x15: {  	[smem:$0x3FAD] =	sst s0;
	s0 =	simm.s32 @!p2 $0x0  }
0x16: {  	s3 =	sld [smem:$0x3FDB];
	s0 =	simm.s32 @p2 $0x1  }
0x17: {  	s4 =	simm.s32 $0x1BF5;
	[smem:$0x3FAF] =	sst s0  }
0x18: {  	s0 =	sld [smem:$0x3F92];
	_ =	swait.ge [sflag:s4], $0x0  }
0x19: {  	s7 =	sld [smem:$0x3F93]  }
0x1a: {  	s8 =	sadd.s32 $0xFFFFE003, lr  }
0x1b: {  	s9 =	sadd.s32 $0xFFFFFEF7, lr;
	s5 =	simm.s32 $0xFFFFFFFF;
	p2 =	slt.u32 s8, $0xFFFFF086  }
0x1c: {  	p1 =	slt.u32 s9, $0xF7A;
	s5 =	simm.s32 @!p2 $0x0  }
0x1d: {  	s5 =	simm.s32 @p1 $0x1;
	p0 =	seq.s32 s7, s2  }
0x1e: {  	s7 =	smul.u32 @!p0 $0xF7A, s2;
	p2 =	seq.s32 @!p0 s5, $0x0  }
0x1f: {  	s9 =	smul.u32 $0xF7A, s1;
	s8 =	simm.s32 @!p0 $0x1BF5;
	p2 =	por !p2, p0  }
0x20: {  	[sflag:s8] =	ssyncset.s32 @!p0 $0xFFFFF086;
	s6 =	sadd.s32 @!p0 s3, s7;
	s7 =	simm.s32 @!p0 $0x108  }
0x21: {  	s3 =	sadd.s32 s3, s9;
	s6 =	sadd.s32 @!p0 $0x88, s6;
	s7 =	simm.s32 @p2 $0x1082  }
0x22: {  	[simem:s7], [sflag:s8] =	dma.local @!p0 [hbm:s6], $0xF7A  }
0x23: {  	s9 =	sor.u32 $0xD0000000, s2;
	s6 =	simm.s32 $0x108;
	_ =	swait.ge @!p0 [sflag:s8], $0x0  }
0x24: {  	s3 =	sadd.s32 $0x88, s3;
	s6 =	simm.s32 @!p1 $0x1082;
	[sflag:s4] =	ssyncset.s32 $0xFFFFF086  }
0x25: {  	[simem:s6], [sflag:s4] =	dma.local [hbm:s3], $0xF7A  }
0x26: {  	[smem:$0x3F93] =	sst s1;
	(tag) =	ssettag s2;
	_ =	strace s9  }
0x27: {  	s1 =	sld [smem:$0x3FA3]  }
0x28: {  	s2 =	sld [smem:$0x3FA4]  }
0x29: {  	s4 =	sld [smem:$0x3FA6]  }
0x2a: {  	p0 =	seq.s32 s5, $0x0;
	s5 =	sld [smem:$0x3FA7]  }
0x2b: {  	s6 =	sld [smem:$0x3FA8]  }
0x2c: {  	s7 =	sld [smem:$0x3FA9]  }
0x2d: {  	s3 =	simm.s32 $0x108;
	s8 =	sld [smem:$0x3FAA]  }
0x2e: {  	s3 =	simm.s32 @!p0 $0x1082;
	s9 =	sld [smem:$0x3FAB]  }
0x2f: {  	lr =	sadd.s32 s0, s3;
	s0 =	sld [smem:$0x3FA2]  }
0x30: {  	s3 =	sld [smem:$0x3FA5]  }
0x31: {  	[smem:$0x3FAE] =	sst s10  }
0x32: {  	s10 =	sld [smem:$0x3FAC];
	_ =	sdelay $0x3  }
0x33: {  	p0 =	seq.s32 s10, $0x1;
	s10 =	sld [smem:$0x3FAE];
	_ =	sdelay $0x3  }
0x34: {  	[smem:$0x3FAE] =	sst s10  }
0x35: {  	s10 =	sld [smem:$0x3FAD];
	_ =	sdelay $0x3  }
0x36: {  	p1 =	seq.s32 s10, $0x1;
	s10 =	sld [smem:$0x3FAE];
	_ =	sdelay $0x3  }
0x37: {  	[smem:$0x3FAE] =	sst s10  }
0x38: {  	s10 =	sld [smem:$0x3FAF]  }
0x39: {  	_ = 	snop;
	(pc) =	sbr.ind lr, $3  }
0x3a: {  	_ = 	snop  }
0x3b: {  	_ = 	snop  }
0x3c: {  	p2 =	seq.s32 s10, $0x1;
	s10 =	sld [smem:$0x3FAE]  }
0x3d: {  	_ =	shalt  }
0x3e: {  	_ =	shalt  }
0x3f: {  	_ =	shalt  }
0x40: {  	_ =	shalt  }
0x41: {  	_ =	shalt  }
0x42: {  	_ =	shalt  }
0x43: {  	_ =	shalt  }
0x44: {  	_ =	shalt  }
0x45: {  	_ =	shalt  }
0x46: {  	_ =	shalt  }
0x47: {  	_ =	shalt  }
0x48: {  	_ =	shalt  }
0x49: {  	_ =	shalt  }
0x4a: {  	_ =	shalt  }
0x4b: {  	_ =	shalt  }
0x4c: {  	_ =	shalt  }
0x4d: {  	_ =	shalt  }
0x4e: {  	_ =	shalt  }
0x4f: {  	_ =	shalt  }
0x50: {  	_ =	shalt  }
0x51: {  	_ =	shalt  }
0x52: {  	_ =	shalt  }
0x53: {  	_ =	shalt  }
0x54: {  	_ =	shalt  }
0x55: {  	_ =	shalt  }
0x56: {  	_ =	shalt  }
0x57: {  	_ =	shalt  }
0x58: {  	_ =	shalt  }
0x59: {  	_ =	shalt  }
0x5a: {  	_ =	shalt  }
0x5b: {  	_ =	shalt  }
0x5c: {  	_ =	shalt  }
0x5d: {  	_ =	shalt  }
0x5e: {  	_ =	shalt  }
0x5f: {  	_ =	shalt  }
0x60: {  	_ =	shalt  }
0x61: {  	_ =	shalt  }
0x62: {  	_ =	shalt  }
0x63: {  	_ =	shalt  }
0x64: {  	_ =	shalt  }
0x65: {  	_ =	shalt  }
0x66: {  	_ =	shalt  }
0x67: {  	_ =	shalt  }
0x68: {  	_ =	shalt  }
0x69: {  	_ =	shalt  }
0x6a: {  	_ =	shalt  }
0x6b: {  	_ =	shalt  }
0x6c: {  	_ =	shalt  }
0x6d: {  	_ =	shalt  }
0x6e: {  	_ =	shalt  }
0x6f: {  	_ =	shalt  }
0x70: {  	_ =	shalt  }
0x71: {  	_ =	shalt  }
0x72: {  	_ =	shalt  }
0x73: {  	_ =	shalt  }
0x74: {  	_ =	shalt  }
0x75: {  	_ =	shalt  }
0x76: {  	_ =	shalt  }
0x77: {  	_ =	shalt  }
0x78: {  	_ =	shalt  }
0x79: {  	_ =	shalt  }
0x7a: {  	_ =	shalt  }
0x7b: {  	_ =	shalt  }
0x7c: {  	_ =	shalt  }
0x7d: {  	_ =	shalt  }
0x7e: {  	_ =	shalt  }
0x7f: {  	_ =	shalt  }
0x80: {  	_ =	shalt  }
0x81: {  	_ =	shalt  }
0x82: {  	_ =	shalt  }
0x83: {  	_ =	shalt  }
0x84: {  	_ =	shalt  }
0x85: {  	_ =	shalt  }
0x86: {  	_ =	shalt  }
0x87: {  	_ =	shalt  }
.Lfunc_end0:
.L_simem_size_0:
called_computation.1_lowered:
.L_overlay_start_0:
0x88: {  	s2 =	sld [smem:$0x3FD9]  }
0x89: {  	s3 =	sld [smem:$0x3FFE];
	_ =	sdelay $0x1  }
0x8a: {  	s1 =	srdreg.scid  }
0x8b: {  	s0 =	sand.u32 $0x1, s1  }
0x8c: {  	s16 =	sshll.u32 s0, $0xA;
	s2 =	sadd.s32 s3, s2  }
0x8d: {  	s2 =	sadd.s32 s2, s16  }
0x8e: {  	[smem:$0x3FBA] =	sst s2  }
0x8f: {  	_ = 	snop  }
0x90: {  	(tm) =	ssettm $0x1  }
0x91: {  	s17 =	sld [smem:$0x3FFB];
	_ =	sdelay $0x3  }
0x92: {  	_ =	strace s17  }
0x93: {  	s2 =	sld [smem:$0x3FFC];
	_ =	sdelay $0x3  }
0x94: {  	_ =	strace s2  }
0x95: {  	s2 =	sld [smem:$0x3FFD];
	_ =	sdelay $0x3  }
0x96: {  	_ =	strace s2  }
0x97: {  	_ =	strace $0x8FFFFFFF  }
0x98: {  	s18 =	sld [smem:$0x3FDB];
	_ =	sdelay $0x1  }
0x99: {  	s19 =	simm.s32 $_scs_section_size  }
0x9a: {  	s4 =	simm.s32 $_size__tile_overlayer_lowered;
	s5 =	simm.s32 $_tile_overlayer_lowered  }
0x9b: {  	s22 =	simm.s32 $0x1BFF;
	s21 =	sshll.u32 s5, $0x1;
	s2 =	sadd.s32 s19, s18  }
0x9c: {  	s6 =	simm.s32 $0x0;
	s20 =	sshll.u32 s4, $0x1;
	s4 =	sadd.s32 s21, s2  }
0x9d: {  	[timem:s6], [sflag:s22] =	dma.local [hbm:s4], s20  }
0x9e: {  	_ =	swait.ge [sflag:s22], s20  }
0x9f: {  	s3 =	ssub.s32 $0x0, s20;
	[sflag:s22] =	ssyncset.done $0x0  }
0xa0: {  	[sflag:s22] =	ssyncadd.s32 s3;
	_ =	sdelay $0x1  }
0xa1: {  	s23 =	simm.s32 $0x1B8B  }
0xa2: {  	_ =	swait.ge [sflag:s23], $0x1  }
0xa3: {  	[sflag:s23] =	ssyncset.done $0x0  }
0xa4: {  	s25 =	simm.s32 $0x1B8E;
	s24 =	sld [smem:$0x3FFE];
	[sflag:s23] =	ssyncadd.s32 $0xFFFFFFFF  }
0xa5: {  	s26 =	simm.s32 $execute0_lowered;
	[smem:$0x3FD2] =	sst s25  }
0xa6: {  	s4 =	sshll.u32 s26, $0x1;
	_ =	strace $0x80000049;
	[dreg:$0x1] =	wrdreg $0xFFFFFFFF  }
0xa7: {  	s28 =	simm.s32 $_size_execute0_lowered;
	s2 =	sadd.s32 s2, s4;
	[dreg:$0x0] =	wrdreg $0x0  }
0xa8: {  	s4 =	sshll.u32 s28, $0x1;
	[dreg:$0x2] =	wrdreg s2  }
0xa9: {  	[dreg:$0x3] =	wrdreg s4  }
0xaa: {  	[dreg:$0x4] =	wrdreg $0xC0  }
0xab: {  	_ =	task [dreg:s6], $0x5FFFF  }
0xac: {  	[dreg:$0x1] =	wrdreg $0xFFFFFFFF  }
0xad: {  	[dreg:$0x0] =	wrdreg $0x60  }
0xae: {  	[dreg:$0x2] =	wrdreg s24  }
0xaf: {  	[dreg:$0x3] =	wrdreg $0x120000  }
0xb0: {  	[dreg:$0x4] =	wrdreg $0x9  }
0xb1: {  	_ =	task.clear_ibuf [dreg:s6], $0x5FFFF;
	_ =	strace $0x90000049  }
0xb2: {  	s29 =	simm.s32 $0x9;
	_ =	strace $0x8000004B  }
0xb3: {  	_ =	swait.ge [sflag:s29], $0x1  }
0xb4: {  	[sflag:s29] =	ssyncadd.s32 $0xFFFFFFFF  }
0xb5: {  	_ =	strace $0x9000004B  }
0xb6: {  	_ =	sfence  }
0xb7: {  	s30 =	sld [smem:$0x0];
	_ =	sdelay $0x2  }
0xb8: {  	s31 =	sshll.u32 s1, $0xD;
	s1 =	sshrl.u32 s1, $0x2  }
0xb9: {  	s3 =	sand.u32 $0x4000, s31;
	s1 =	sadd.s32 s1, s30  }
0xba: {  	s0 =	sor.u32 s3, s0;
	s1 =	sshll.u32 s1, $0x11  }
0xbb: {  	s0 =	sor.u32 s1, s0  }
0xbc: {  	s0 =	sadd.s32 $0x8F2B, s0  }
0xbd: {  	[sflag:s0] =	ssyncadd.remote.s32 $0x1  }
0xbe: {  	_ =	sfence.sel $0xFFFF  }
0xbf: {  	[dreg:$0x0] =	wrdreg $0xFFFFFFFF;
	(pc) =	sbr.abs _section_cstart, $3  }
0xc0: {  	[dreg:$0x1] =	wrdreg $0xFFFFFFFF  }
0xc1: {  	_ =	task.clear_ibuf [dreg:s6], $0x2FFFF;
	_ =	strace $0x9FFFFFFF  }
0xc2: {  	(tm) =	ssettm $0x7FFFFFFF  }
0xc3: {  	_ =	shalt  }
tec
execute0_lowered:
.L_overlay_start_1:
0x0: {  	(tag) =	ssettag $0x1  }
0x1: {  	s0 =	srdreg.scid  }
0x2: {  	s11 =	stileid.u32;
	s1 =	rddreg [dreg:$0x0]  }
0x3: {  	s2 =	rddreg [dreg:$0x1];
	s3 =	simm.s32 $0x0;
	s14 =	simm.s32 $0x80  }
0x4: {  	s15 =	simm.s32 $0xA000;
	s16 =	simm.s32 $0xC000;
	s18 =	simm.s32 $0xE000  }
0x5: {  	s20 =	simm.s32 $0x10000;
	s21 =	simm.s32 $0x1;
	s22 =	simm.s32 $0x2  }
0x6: {  	s24 =	simm.s32 $0x3;
	s26 =	simm.s32 $0x5;
	s29 =	simm.s32 $0x4  }
0x7: {  	s31 =	simm.s32 $0x6;
	s17 =	simm.s32 $0x8;
	s5 =	smul.u32 $0x5000, s11  }
0x8: {  	s19 =	simm.s32 $0x0;
	s0 =	sand.u32 $0x1, s0;
	s8 =	smul.u32 $0xA000, s11  }
0x9: {  	[smem:$0x7FF] =	sst s3;
	s30 =	sshll.u32 s11, $0x6;
	s4 =	smul.u32 $0x50000, s0  }
0xa: {  	s11 =	simm.s32 $0x5000;
	s7 =	smul.u32 $0xA0000, s0;
	s0 =	ssub.s32 $0x2, s0  }
0xb: {  	_ =	strace $0x8000004A;
	s12 =	sor.u32 $0x1C09, s30;
	s10 =	sshrl.u32 s0, $0x1  }
0xc: {  	s13 =	sadd.s32 s8, s2;
	s4 =	sadd.s32 s5, s4;
	s5 =	sshrl.u32 s5, $0x3  }
0xd: {  	s7 =	sadd.s32 s8, s7;
	s0 =	ssub.s32 s0, s10;
	s10 =	simm.s32 $0x9  }
.Ltmp0:
0xe: {  	s13 =	sshrl.u32 s13, $0x3;
	s6 =	sshrl.u32 s4, $0x3;
	(pc) =	sbr.rel .LBB2_1-.Ltmp0, $4  }
0xf: {  	s4 =	sadd.s32 $0x2800, s1;
	s9 =	sadd.s32 s5, s1;
	s7 =	sshrl.u32 s7, $0x3  }
0x10: {  	s5 =	sadd.s32 $0x47A00, s1;
	s6 =	sadd.s32 s6, s1;
	s1 =	sadd.s32 s7, s1  }
0x11: {  	s7 =	sadd.s32 $0x3DA00, s9;
	s9 =	smax.u32 s0, $0x1;
	s0 =	simm.s32 $0x7  }
0x12: {  	s6 =	sadd.s32 $0x29A00, s6;
	s8 =	sadd.s32 $0x48E00, s1;
	s1 =	simm.s32 $0x280  }
.LBB2_4:
0x13: {  	_ =	swait.ge [sflag:s29], $0x2000  }
0x14: {  	[sflag:s29] =	ssyncset.done $0x0  }
0x15: {  	[sflag:s29] =	ssyncadd.s32 $0xFFFFE000  }
0x16: {  	[spmem:s2] =	stream.indirect.scatter.add.f32 [tilespmem:s20], [sflag:$0x8], $0x40, s28, s14, $0xb8;
	[tilespmem:$0x1C000] =	vst v63  }
0x17: {  	_ =	swait.ge [sflag:s31], $0x2000  }
0x18: {  	[sflag:s31] =	ssyncset.done $0x0  }
0x19: {  	[sflag:s31] =	ssyncadd.s32 $0xFFFFE000  }
0x1a: {  	_ =	swait.ge [sflag:s0], $0x2000  }
0x1b: {  	[sflag:s0] =	ssyncset.done $0x0  }
0x1c: {  	[sflag:s0] =	ssyncadd.s32 $0xFFFFE000  }
0x1d: {  	_ =	swait.ge [sflag:s17], $0x2000  }
0x1e: {  	s19 =	sadd.s32 $0x1, s19;
	[sflag:s17] =	ssyncset.done $0x0  }
0x1f: {  	p0 =	sne.s32 s19, s9;
	[sflag:s17] =	ssyncadd.s32 $0xFFFFE000  }
.Ltmp1:
0x20: {  	[bflag:$0x0] =	sbarrier.arrive $0xFFFF;
	(pc) =	sbr.rel @!p0 .LBB2_5-.Ltmp1, $4  }
0x21: {  	[hbm:s8], [sflag:s12] =	dma.local [spmem:s13], $0x1400  }
0x22: {  	_ =	swait.ge [sflag:s10], $0x1400  }
0x23: {  	[sflag:s10] =	ssyncset.done $0x0  }
0x24: {  	[sflag:s10] =	ssyncadd.s32 $0xFFFFEC00  }
.LBB2_1:
0x25: {  	[tilespmem:s3], [sflag:$0x9] =	stream.linear.gather [hbm4b:s6+s3], $0x5000, $0x38;
	[tilespmem:$0x1C000] =	vst v63  }
0x26: {  	_ =	swait.ge [sflag:s10], $0x5000  }
0x27: {  	[sflag:s10] =	ssyncset.done $0x0  }
0x28: {  	[sflag:s10] =	ssyncadd.s32 $0xFFFFB000  }
0x29: {  	[tilespmem:s11], [sflag:$0x9] =	stream.linear.gather [hbm4b:s7+s3], $0x5000, $0x38;
	[tilespmem:$0x1C000] =	vst v63  }
0x2a: {  	_ =	swait.ge [sflag:s10], $0x5000  }
0x2b: {  	[sflag:s10] =	ssyncset.done $0x0  }
0x2c: {  	[sflag:s10] =	ssyncadd.s32 $0xFFFFB000  }
0x2d: {  	[spmem:s13], [sflag:s12] =	dma.local [hbm:s5], $0x1400  }
0x2e: {  	_ =	swait.ge [sflag:s10], $0x1400  }
0x2f: {  	[sflag:s10] =	ssyncset.done $0x0  }
0x30: {  	[sflag:s10] =	ssyncadd.s32 $0xFFFFEC00  }
0x31: {  	[bflag:$0x0] =	sbarrier.arrive $0xFFFF  }
0x32: {  	[tilespmem:s15], [sflag:$0x1] =	stream.indirect.gather [hbm4b:s4+s14], $0x40, s3, s14, $0xb8;
	[tilespmem:$0x1C000] =	vst v63  }
0x33: {  	_ = 	snop  }
0x34: {  	[tilespmem:s16], [sflag:$0x2] =	stream.indirect.gather [hbm4b:s4+s14], $0x40, s14, s14, $0xb8;
	[tilespmem:$0x1C000] =	vst v63  }
0x35: {  	s23 =	simm.s32 $0x100  }
0x36: {  	[tilespmem:s18], [sflag:$0x3] =	stream.indirect.gather [hbm4b:s4+s14], $0x40, s23, s14, $0xb8;
	[tilespmem:$0x1C000] =	vst v63  }
0x37: {  	s28 =	simm.s32 $0x180  }
0x38: {  	[tilespmem:s20], [sflag:$0x4] =	stream.indirect.gather [hbm4b:s4+s14], $0x40, s28, s14, $0xb8;
	[tilespmem:$0x1C000] =	vst v63  }
0x39: {  	_ =	swait.ge [sflag:s21], $0x2000  }
0x3a: {  	[sflag:s21] =	ssyncset.done $0x0  }
0x3b: {  	[sflag:s21] =	ssyncadd.s32 $0xFFFFE000  }
0x3c: {  	[spmem:s2] =	stream.indirect.scatter.add.f32 [tilespmem:s15], [sflag:$0x5], $0x40, s11, s14, $0xb8;
	[tilespmem:$0x1C000] =	vst v63  }
0x3d: {  	_ =	swait.ge [sflag:s22], $0x2000  }
0x3e: {  	[sflag:s22] =	ssyncset.done $0x0  }
0x3f: {  	s30 =	simm.s32 $0x5080;
	[sflag:s22] =	ssyncadd.s32 $0xFFFFE000  }
0x40: {  	[spmem:s2] =	stream.indirect.scatter.add.f32 [tilespmem:s16], [sflag:$0x6], $0x40, s30, s14, $0xb8;
	[tilespmem:$0x1C000] =	vst v63  }
0x41: {  	_ =	swait.ge [sflag:s24], $0x2000  }
0x42: {  	[sflag:s24] =	ssyncset.done $0x0  }
0x43: {  	s25 =	simm.s32 $0x5100;
	[sflag:s24] =	ssyncadd.s32 $0xFFFFE000  }
0x44: {  	[spmem:s2] =	stream.indirect.scatter.add.f32 [tilespmem:s18], [sflag:$0x7], $0x40, s25, s14, $0xb8;
	[tilespmem:$0x1C000] =	vst v63  }
0x45: {  	_ =	swait.ge [sflag:s26], $0x2000  }
0x46: {  	[sflag:s26] =	ssyncset.done $0x0  }
0x47: {  	s28 =	simm.s32 $0x200;
	[sflag:s26] =	ssyncadd.s32 $0xFFFFE000  }
0x48: {  	[tilespmem:s15], [sflag:$0x1] =	stream.indirect.gather [hbm4b:s4+s14], $0x40, s28, s14, $0xb8;
	[tilespmem:$0x1C000] =	vst v63  }
0x49: {  	_ =	swait.ge [sflag:s29], $0x2000  }
0x4a: {  	[sflag:s29] =	ssyncset.done $0x0  }
0x4b: {  	s30 =	simm.s32 $0x5180;
	[sflag:s29] =	ssyncadd.s32 $0xFFFFE000  }
0x4c: {  	[spmem:s2] =	stream.indirect.scatter.add.f32 [tilespmem:s20], [sflag:$0x8], $0x40, s30, s14, $0xb8;
	[tilespmem:$0x1C000] =	vst v63  }
0x4d: {  	_ =	swait.ge [sflag:s31], $0x2000  }
0x4e: {  	[sflag:s31] =	ssyncset.done $0x0  }
0x4f: {  	s23 =	simm.s32 $0x0;
	[sflag:s31] =	ssyncadd.s32 $0xFFFFE000  }
0x50: {  	[tilespmem:s16], [sflag:$0x2] =	stream.indirect.gather [hbm4b:s4+s14], $0x40, s1, s14, $0xb8;
	[tilespmem:$0x1C000] =	vst v63  }
.LBB2_2:
0x51: {  	_ =	swait.ge [sflag:s21], $0x2000  }
0x52: {  	s25 =	sshra.s32 s23, $0x2;
	[sflag:s21] =	ssyncset.done $0x0  }
0x53: {  	s28 =	sadd.s32 $0x5200, s25;
	[sflag:s21] =	ssyncadd.s32 $0xFFFFE000  }
0x54: {  	[spmem:s2] =	stream.indirect.scatter.add.f32 [tilespmem:s15], [sflag:$0x5], $0x40, s28, s14, $0xb8;
	[tilespmem:$0x1C000] =	vst v63  }
0x55: {  	_ =	swait.ge [sflag:s0], $0x2000  }
0x56: {  	[sflag:s0] =	ssyncset.done $0x0  }
0x57: {  	s28 =	sadd.s32 $0x300, s25;
	[sflag:s0] =	ssyncadd.s32 $0xFFFFE000  }
0x58: {  	[tilespmem:s18], [sflag:$0x3] =	stream.indirect.gather [hbm4b:s4+s14], $0x40, s28, s14, $0xb8;
	[tilespmem:$0x1C000] =	vst v63  }
0x59: {  	_ =	swait.ge [sflag:s22], $0x2000  }
0x5a: {  	[sflag:s22] =	ssyncset.done $0x0  }
0x5b: {  	s28 =	sadd.s32 $0x5280, s25;
	[sflag:s22] =	ssyncadd.s32 $0xFFFFE000  }
0x5c: {  	[spmem:s2] =	stream.indirect.scatter.add.f32 [tilespmem:s16], [sflag:$0x6], $0x40, s28, s14, $0xb8;
	[tilespmem:$0x1C000] =	vst v63  }
0x5d: {  	_ =	swait.ge [sflag:s17], $0x2000  }
0x5e: {  	[sflag:s17] =	ssyncset.done $0x0  }
0x5f: {  	s28 =	sadd.s32 $0x380, s25;
	[sflag:s17] =	ssyncadd.s32 $0xFFFFE000  }
0x60: {  	[tilespmem:s20], [sflag:$0x4] =	stream.indirect.gather [hbm4b:s4+s14], $0x40, s28, s14, $0xb8;
	[tilespmem:$0x1C000] =	vst v63  }
0x61: {  	_ =	swait.ge [sflag:s24], $0x2000  }
0x62: {  	p0 =	seq.s32 s23, $0x13000;
	[sflag:s24] =	ssyncset.done $0x0  }
.Ltmp2:
0x63: {  	s28 =	sadd.s32 $0x5300, s25;
	[sflag:s24] =	ssyncadd.s32 $0xFFFFE000;
	(pc) =	sbr.rel @p0 .LBB2_4-.Ltmp2, $4  }
0x64: {  	[spmem:s2] =	stream.indirect.scatter.add.f32 [tilespmem:s18], [sflag:$0x7], $0x40, s28, s14, $0xb8;
	[tilespmem:$0x1C000] =	vst v63  }
0x65: {  	_ =	swait.ge [sflag:s26], $0x2000  }
0x66: {  	[sflag:s26] =	ssyncset.done $0x0  }
0x67: {  	s28 =	sadd.s32 $0x5380, s25;
	[sflag:s26] =	ssyncadd.s32 $0xFFFFE000  }
0x68: {  	s30 =	sadd.s32 $0x400, s25  }
0x69: {  	[tilespmem:s15], [sflag:$0x1] =	stream.indirect.gather [hbm4b:s4+s14], $0x40, s30, s14, $0xb8;
	[tilespmem:$0x1C000] =	vst v63  }
0x6a: {  	_ =	swait.ge [sflag:s29], $0x2000  }
0x6b: {  	[sflag:s29] =	ssyncset.done $0x0  }
0x6c: {  	[sflag:s29] =	ssyncadd.s32 $0xFFFFE000  }
0x6d: {  	[spmem:s2] =	stream.indirect.scatter.add.f32 [tilespmem:s20], [sflag:$0x8], $0x40, s28, s14, $0xb8;
	[tilespmem:$0x1C000] =	vst v63  }
.Ltmp3:
0x6e: {  	_ = 	snop;
	(pc) =	sbr.rel .LBB2_2-.Ltmp3, $4  }
0x6f: {  	_ =	swait.ge [sflag:s31], $0x2000  }
0x70: {  	[sflag:s31] =	ssyncset.done $0x0  }
0x71: {  	s23 =	sadd.s32 $0x800, s23;
	s30 =	sadd.s32 $0x480, s25;
	[sflag:s31] =	ssyncadd.s32 $0xFFFFE000  }
0x72: {  	[tilespmem:s16], [sflag:$0x2] =	stream.indirect.gather [hbm4b:s4+s14], $0x40, s30, s14, $0xb8;
	[tilespmem:$0x1C000] =	vst v63  }
.LBB2_5:
0x73: {  	_ =	sfence.sel $0x180000  }
0x74: {  	[bflag:$0x0] =	sbarrier.arrive $0xFFFF  }
0x75: {  	_ =	strace $0x9000004A  }
0x76: {  	s0 =	stileid.u32;
	[bflag:$0x2] =	sbarrier.arrive $0xFFFF  }
0x77: {  	p0 =	sne.s32 s0, $0x0;
	s0 =	rddreg [dreg:$0x2]  }
0x78: {  	s0 =	sadd.s32 @!p0 $0x100000, s0  }
0x79: {  	[sflag:s0] =	ssyncadd.tile.s32 @!p0 $0x1;
	_ =	shalt  }
.Lfunc_end2:
_tile_overlayer_lowered:
.L_overlay_start_2:
0x7a: {  	(tag) =	ssettag $0x2  }
0x7b: {  	s0 =	rddreg [dreg:$0x0];
	s2 =	stileid.u32  }
0x7c: {  	s1 =	rddreg [dreg:$0x1];
	p0 =	sne.s32 s2, $0x0  }
0x7d: {  	s3 =	rddreg [dreg:$0x2];
	[bflag:$0x3] =	sbarrier.arrive $0xFFFF;
	s2 =	simm.s32 @!p0 $0x1C09  }
0x7e: {  	[timem:s3], [sflag:s2] =	dma.local @!p0 [hbm:s0], s1  }
0x7f: {  	s0 =	simm.s32 @!p0 $0x9  }
0x80: {  	_ =	swait.ge @!p0 [sflag:s0], s1  }
0x81: {  	s1 =	ssub.s32 @!p0 $0x0, s1;
	[sflag:s0] =	ssyncset.done @!p0 $0x0  }
0x82: {  	[sflag:s0] =	ssyncadd.s32 @!p0 s1  }
0x83: {  	[bflag:$0x3] =	sbarrier.arrive $0xFFFF  }
0x84: {  	_ =	shalt  }

// kernel: kernel.14.cloned.1.call-start
scs
__scs_entry_jumppad:
0x0: {  	(pc) =	sbr.rel $0x88, $3  }
0x1: {  	(tag) =	ssettag $0x0;
	lr =	simm.s32 $0x1  }
0x2: {  	[smem:$0x3F93] =	sst lr;
	_ =	strace $0xD0000000  }
0x3: {  	_ = 	snop  }
0x4: {  	_ = 	snop  }
0x5: {  	_ = 	snop  }
0x6: {  	_ = 	snop  }
0x7: {  	_ = 	snop  }
__scs_overlays_trampoline_lowered:
0x8: {  	[smem:$0x3FA2] =	sst s0  }
0x9: {  	[smem:$0x3FA3] =	sst s1  }
0xa: {  	[smem:$0x3FA4] =	sst s2  }
0xb: {  	[smem:$0x3FA5] =	sst s3  }
0xc: {  	[smem:$0x3FA6] =	sst s4  }
0xd: {  	[smem:$0x3FA7] =	sst s5  }
0xe: {  	[smem:$0x3FA8] =	sst s6  }
0xf: {  	[smem:$0x3FA9] =	sst s7  }
0x10: {  	[smem:$0x3FAA] =	sst s8  }
0x11: {  	[smem:$0x3FAB] =	sst s9;
	s0 =	simm.s32 @!p0 $0x0  }
0x12: {  	s1 =	sld [smem:$0x3F91];
	s0 =	simm.s32 @p0 $0x1  }
0x13: {  	[smem:$0x3FAC] =	sst s0;
	s0 =	simm.s32 @!p1 $0x0  }
0x14: {  	s2 =	sld [smem:$0x3F90];
	s0 =	simm.s32 @p1 $0x1  }
0x15: {  	[smem:$0x3FAD] =	sst s0;
	s0 =	simm.s32 @!p2 $0x0  }
0x16: {  	s3 =	sld [smem:$0x3FDB];
	s0 =	simm.s32 @p2 $0x1  }
0x17: {  	s4 =	simm.s32 $0x1BF5;
	[smem:$0x3FAF] =	sst s0  }
0x18: {  	s0 =	sld [smem:$0x3F92];
	_ =	swait.ge [sflag:s4], $0x0  }
0x19: {  	s7 =	sld [smem:$0x3F93]  }
0x1a: {  	s8 =	sadd.s32 $0xFFFFE003, lr  }
0x1b: {  	s9 =	sadd.s32 $0xFFFFFEF7, lr;
	s5 =	simm.s32 $0xFFFFFFFF;
	p2 =	slt.u32 s8, $0xFFFFF086  }
0x1c: {  	p1 =	slt.u32 s9, $0xF7A;
	s5 =	simm.s32 @!p2 $0x0  }
0x1d: {  	s5 =	simm.s32 @p1 $0x1;
	p0 =	seq.s32 s7, s2  }
0x1e: {  	s7 =	smul.u32 @!p0 $0xF7A, s2;
	p2 =	seq.s32 @!p0 s5, $0x0  }
0x1f: {  	s9 =	smul.u32 $0xF7A, s1;
	s8 =	simm.s32 @!p0 $0x1BF5;
	p2 =	por !p2, p0  }
0x20: {  	[sflag:s8] =	ssyncset.s32 @!p0 $0xFFFFF086;
	s6 =	sadd.s32 @!p0 s3, s7;
	s7 =	simm.s32 @!p0 $0x108  }
0x21: {  	s3 =	sadd.s32 s3, s9;
	s6 =	sadd.s32 @!p0 $0x88, s6;
	s7 =	simm.s32 @p2 $0x1082  }
0x22: {  	[simem:s7], [sflag:s8] =	dma.local @!p0 [hbm:s6], $0xF7A  }
0x23: {  	s9 =	sor.u32 $0xD0000000, s2;
	s6 =	simm.s32 $0x108;
	_ =	swait.ge @!p0 [sflag:s8], $0x0  }
0x24: {  	s3 =	sadd.s32 $0x88, s3;
	s6 =	simm.s32 @!p1 $0x1082;
	[sflag:s4] =	ssyncset.s32 $0xFFFFF086  }
0x25: {  	[simem:s6], [sflag:s4] =	dma.local [hbm:s3], $0xF7A  }
0x26: {  	[smem:$0x3F93] =	sst s1;
	(tag) =	ssettag s2;
	_ =	strace s9  }
0x27: {  	s1 =	sld [smem:$0x3FA3]  }
0x28: {  	s2 =	sld [smem:$0x3FA4]  }
0x29: {  	s4 =	sld [smem:$0x3FA6]  }
0x2a: {  	p0 =	seq.s32 s5, $0x0;
	s5 =	sld [smem:$0x3FA7]  }
0x2b: {  	s6 =	sld [smem:$0x3FA8]  }
0x2c: {  	s7 =	sld [smem:$0x3FA9]  }
0x2d: {  	s3 =	simm.s32 $0x108;
	s8 =	sld [smem:$0x3FAA]  }
0x2e: {  	s3 =	simm.s32 @!p0 $0x1082;
	s9 =	sld [smem:$0x3FAB]  }
0x2f: {  	lr =	sadd.s32 s0, s3;
	s0 =	sld [smem:$0x3FA2]  }
0x30: {  	s3 =	sld [smem:$0x3FA5]  }
0x31: {  	[smem:$0x3FAE] =	sst s10  }
0x32: {  	s10 =	sld [smem:$0x3FAC];
	_ =	sdelay $0x3  }
0x33: {  	p0 =	seq.s32 s10, $0x1;
	s10 =	sld [smem:$0x3FAE];
	_ =	sdelay $0x3  }
0x34: {  	[smem:$0x3FAE] =	sst s10  }
0x35: {  	s10 =	sld [smem:$0x3FAD];
	_ =	sdelay $0x3  }
0x36: {  	p1 =	seq.s32 s10, $0x1;
	s10 =	sld [smem:$0x3FAE];
	_ =	sdelay $0x3  }
0x37: {  	[smem:$0x3FAE] =	sst s10  }
0x38: {  	s10 =	sld [smem:$0x3FAF]  }
0x39: {  	_ = 	snop;
	(pc) =	sbr.ind lr, $3  }
0x3a: {  	_ = 	snop  }
0x3b: {  	_ = 	snop  }
0x3c: {  	p2 =	seq.s32 s10, $0x1;
	s10 =	sld [smem:$0x3FAE]  }
0x3d: {  	_ =	shalt  }
0x3e: {  	_ =	shalt  }
0x3f: {  	_ =	shalt  }
0x40: {  	_ =	shalt  }
0x41: {  	_ =	shalt  }
0x42: {  	_ =	shalt  }
0x43: {  	_ =	shalt  }
0x44: {  	_ =	shalt  }
0x45: {  	_ =	shalt  }
0x46: {  	_ =	shalt  }
0x47: {  	_ =	shalt  }
0x48: {  	_ =	shalt  }
0x49: {  	_ =	shalt  }
0x4a: {  	_ =	shalt  }
0x4b: {  	_ =	shalt  }
0x4c: {  	_ =	shalt  }
0x4d: {  	_ =	shalt  }
0x4e: {  	_ =	shalt  }
0x4f: {  	_ =	shalt  }
0x50: {  	_ =	shalt  }
0x51: {  	_ =	shalt  }
0x52: {  	_ =	shalt  }
0x53: {  	_ =	shalt  }
0x54: {  	_ =	shalt  }
0x55: {  	_ =	shalt  }
0x56: {  	_ =	shalt  }
0x57: {  	_ =	shalt  }
0x58: {  	_ =	shalt  }
0x59: {  	_ =	shalt  }
0x5a: {  	_ =	shalt  }
0x5b: {  	_ =	shalt  }
0x5c: {  	_ =	shalt  }
0x5d: {  	_ =	shalt  }
0x5e: {  	_ =	shalt  }
0x5f: {  	_ =	shalt  }
0x60: {  	_ =	shalt  }
0x61: {  	_ =	shalt  }
0x62: {  	_ =	shalt  }
0x63: {  	_ =	shalt  }
0x64: {  	_ =	shalt  }
0x65: {  	_ =	shalt  }
0x66: {  	_ =	shalt  }
0x67: {  	_ =	shalt  }
0x68: {  	_ =	shalt  }
0x69: {  	_ =	shalt  }
0x6a: {  	_ =	shalt  }
0x6b: {  	_ =	shalt  }
0x6c: {  	_ =	shalt  }
0x6d: {  	_ =	shalt  }
0x6e: {  	_ =	shalt  }
0x6f: {  	_ =	shalt  }
0x70: {  	_ =	shalt  }
0x71: {  	_ =	shalt  }
0x72: {  	_ =	shalt  }
0x73: {  	_ =	shalt  }
0x74: {  	_ =	shalt  }
0x75: {  	_ =	shalt  }
0x76: {  	_ =	shalt  }
0x77: {  	_ =	shalt  }
0x78: {  	_ =	shalt  }
0x79: {  	_ =	shalt  }
0x7a: {  	_ =	shalt  }
0x7b: {  	_ =	shalt  }
0x7c: {  	_ =	shalt  }
0x7d: {  	_ =	shalt  }
0x7e: {  	_ =	shalt  }
0x7f: {  	_ =	shalt  }
0x80: {  	_ =	shalt  }
0x81: {  	_ =	shalt  }
0x82: {  	_ =	shalt  }
0x83: {  	_ =	shalt  }
0x84: {  	_ =	shalt  }
0x85: {  	_ =	shalt  }
0x86: {  	_ =	shalt  }
0x87: {  	_ =	shalt  }
.Lfunc_end0:
.L_simem_size_0:
called_computation.2_lowered:
.L_overlay_start_0:
0x88: {  	s2 =	sld [smem:$0x3FD9]  }
0x89: {  	s3 =	sld [smem:$0x3FFE];
	_ =	sdelay $0x1  }
0x8a: {  	s1 =	srdreg.scid  }
0x8b: {  	s0 =	sand.u32 $0x1, s1  }
0x8c: {  	s16 =	sshll.u32 s0, $0xA;
	s2 =	sadd.s32 s3, s2  }
0x8d: {  	s2 =	sadd.s32 s2, s16  }
0x8e: {  	[smem:$0x3FBA] =	sst s2  }
0x8f: {  	_ = 	snop  }
0x90: {  	(tm) =	ssettm $0x1  }
0x91: {  	s17 =	sld [smem:$0x3FFB];
	_ =	sdelay $0x3  }
0x92: {  	_ =	strace s17  }
0x93: {  	s2 =	sld [smem:$0x3FFC];
	_ =	sdelay $0x3  }
0x94: {  	_ =	strace s2  }
0x95: {  	s2 =	sld [smem:$0x3FFD];
	_ =	sdelay $0x3  }
0x96: {  	_ =	strace s2  }
0x97: {  	_ =	strace $0x8FFFFFFF  }
0x98: {  	s18 =	sld [smem:$0x3FDB];
	_ =	sdelay $0x1  }
0x99: {  	s19 =	simm.s32 $_scs_section_size  }
0x9a: {  	s4 =	simm.s32 $_size__tile_overlayer_lowered;
	s5 =	simm.s32 $_tile_overlayer_lowered  }
0x9b: {  	s22 =	simm.s32 $0x1BFF;
	s21 =	sshll.u32 s5, $0x1;
	s2 =	sadd.s32 s19, s18  }
0x9c: {  	s6 =	simm.s32 $0x0;
	s20 =	sshll.u32 s4, $0x1;
	s4 =	sadd.s32 s21, s2  }
0x9d: {  	[timem:s6], [sflag:s22] =	dma.local [hbm:s4], s20  }
0x9e: {  	_ =	swait.ge [sflag:s22], s20  }
0x9f: {  	s3 =	ssub.s32 $0x0, s20;
	[sflag:s22] =	ssyncset.done $0x0  }
0xa0: {  	[sflag:s22] =	ssyncadd.s32 s3;
	_ =	sdelay $0x1  }
0xa1: {  	s23 =	simm.s32 $0x1B8B  }
0xa2: {  	_ =	swait.ge [sflag:s23], $0x1  }
0xa3: {  	[sflag:s23] =	ssyncset.done $0x0  }
0xa4: {  	s25 =	simm.s32 $0x1B8E;
	s24 =	sld [smem:$0x3FFE];
	[sflag:s23] =	ssyncadd.s32 $0xFFFFFFFF  }
0xa5: {  	s26 =	simm.s32 $execute0_lowered;
	[smem:$0x3FD2] =	sst s25  }
0xa6: {  	s4 =	sshll.u32 s26, $0x1;
	_ =	strace $0x8000004C;
	[dreg:$0x1] =	wrdreg $0xFFFFFFFF  }
0xa7: {  	s28 =	simm.s32 $_size_execute0_lowered;
	s2 =	sadd.s32 s2, s4;
	[dreg:$0x0] =	wrdreg $0x0  }
0xa8: {  	s4 =	sshll.u32 s28, $0x1;
	[dreg:$0x2] =	wrdreg s2  }
0xa9: {  	[dreg:$0x3] =	wrdreg s4  }
0xaa: {  	[dreg:$0x4] =	wrdreg $0xC0  }
0xab: {  	_ =	task [dreg:s6], $0x5FFFF  }
0xac: {  	[dreg:$0x1] =	wrdreg $0xFFFFFFFF  }
0xad: {  	[dreg:$0x0] =	wrdreg $0x60  }
0xae: {  	[dreg:$0x2] =	wrdreg s24  }
0xaf: {  	[dreg:$0x3] =	wrdreg $0x120000  }
0xb0: {  	[dreg:$0x4] =	wrdreg $0x9  }
0xb1: {  	_ =	task.clear_ibuf [dreg:s6], $0x5FFFF;
	_ =	strace $0x9000004C  }
0xb2: {  	s29 =	simm.s32 $0x9;
	_ =	strace $0x8000004E  }
0xb3: {  	_ =	swait.ge [sflag:s29], $0x1  }
0xb4: {  	[sflag:s29] =	ssyncadd.s32 $0xFFFFFFFF  }
0xb5: {  	_ =	strace $0x9000004E  }
0xb6: {  	_ =	sfence  }
0xb7: {  	s30 =	sld [smem:$0x0];
	_ =	sdelay $0x2  }
0xb8: {  	s31 =	sshll.u32 s1, $0xD;
	s1 =	sshrl.u32 s1, $0x2  }
0xb9: {  	s3 =	sand.u32 $0x4000, s31;
	s1 =	sadd.s32 s1, s30  }
0xba: {  	s0 =	sor.u32 s3, s0;
	s1 =	sshll.u32 s1, $0x11  }
0xbb: {  	s0 =	sor.u32 s1, s0  }
0xbc: {  	s0 =	sadd.s32 $0x8F2B, s0  }
0xbd: {  	[sflag:s0] =	ssyncadd.remote.s32 $0x1  }
0xbe: {  	_ =	sfence.sel $0xFFFF  }
0xbf: {  	[dreg:$0x0] =	wrdreg $0xFFFFFFFF;
	(pc) =	sbr.abs _section_cstart, $3  }
0xc0: {  	[dreg:$0x1] =	wrdreg $0xFFFFFFFF  }
0xc1: {  	_ =	task.clear_ibuf [dreg:s6], $0x2FFFF;
	_ =	strace $0x9FFFFFFF  }
0xc2: {  	(tm) =	ssettm $0x7FFFFFFF  }
0xc3: {  	_ =	shalt  }
tec
execute0_lowered:
.L_overlay_start_1:
0x0: {  	(tag) =	ssettag $0x1  }
0x1: {  	s0 =	srdreg.scid  }
0x2: {  	s11 =	stileid.u32;
	s1 =	rddreg [dreg:$0x0]  }
0x3: {  	s2 =	rddreg [dreg:$0x1];
	s3 =	simm.s32 $0x0;
	s14 =	simm.s32 $0x80  }
0x4: {  	s15 =	simm.s32 $0xA000;
	s16 =	simm.s32 $0xC000;
	s18 =	simm.s32 $0xE000  }
0x5: {  	s20 =	simm.s32 $0x10000;
	s21 =	simm.s32 $0x1;
	s22 =	simm.s32 $0x2  }
0x6: {  	s24 =	simm.s32 $0x3;
	s26 =	simm.s32 $0x5;
	s29 =	simm.s32 $0x4  }
0x7: {  	s31 =	simm.s32 $0x6;
	s17 =	simm.s32 $0x8;
	s5 =	smul.u32 $0x5000, s11  }
0x8: {  	s19 =	simm.s32 $0x0;
	s0 =	sand.u32 $0x1, s0;
	s8 =	smul.u32 $0xA000, s11  }
0x9: {  	[smem:$0x7FF] =	sst s3;
	s30 =	sshll.u32 s11, $0x6;
	s4 =	smul.u32 $0x50000, s0  }
0xa: {  	s11 =	simm.s32 $0x5000;
	s7 =	smul.u32 $0xA0000, s0;
	s0 =	ssub.s32 $0x2, s0  }
0xb: {  	_ =	strace $0x8000004D;
	s12 =	sor.u32 $0x1C09, s30;
	s10 =	sshrl.u32 s0, $0x1  }
0xc: {  	s13 =	sadd.s32 s8, s2;
	s4 =	sadd.s32 s5, s4;
	s5 =	sshrl.u32 s5, $0x3  }
0xd: {  	s7 =	sadd.s32 s8, s7;
	s0 =	ssub.s32 s0, s10;
	s10 =	simm.s32 $0x9  }
.Ltmp0:
0xe: {  	s13 =	sshrl.u32 s13, $0x3;
	s6 =	sshrl.u32 s4, $0x3;
	(pc) =	sbr.rel .LBB2_1-.Ltmp0, $4  }
0xf: {  	s4 =	sadd.s32 $0x2800, s1;
	s9 =	sadd.s32 s5, s1;
	s7 =	sshrl.u32 s7, $0x3  }
0x10: {  	s5 =	sadd.s32 $0x47A00, s1;
	s6 =	sadd.s32 s6, s1;
	s1 =	sadd.s32 s7, s1  }
0x11: {  	s7 =	sadd.s32 $0x3DA00, s9;
	s9 =	smax.u32 s0, $0x1;
	s0 =	simm.s32 $0x7  }
0x12: {  	s6 =	sadd.s32 $0x29A00, s6;
	s8 =	sadd.s32 $0x48E00, s1;
	s1 =	simm.s32 $0x280  }
.LBB2_4:
0x13: {  	_ =	swait.ge [sflag:s29], $0x2000  }
0x14: {  	[sflag:s29] =	ssyncset.done $0x0  }
0x15: {  	[sflag:s29] =	ssyncadd.s32 $0xFFFFE000  }
0x16: {  	[spmem:s2] =	stream.indirect.scatter.add.f32 [tilespmem:s20], [sflag:$0x8], $0x40, s28, s14, $0xb8;
	[tilespmem:$0x1C000] =	vst v63  }
0x17: {  	_ =	swait.ge [sflag:s31], $0x2000  }
0x18: {  	[sflag:s31] =	ssyncset.done $0x0  }
0x19: {  	[sflag:s31] =	ssyncadd.s32 $0xFFFFE000  }
0x1a: {  	_ =	swait.ge [sflag:s0], $0x2000  }
0x1b: {  	[sflag:s0] =	ssyncset.done $0x0  }
0x1c: {  	[sflag:s0] =	ssyncadd.s32 $0xFFFFE000  }
0x1d: {  	_ =	swait.ge [sflag:s17], $0x2000  }
0x1e: {  	s19 =	sadd.s32 $0x1, s19;
	[sflag:s17] =	ssyncset.done $0x0  }
0x1f: {  	p0 =	sne.s32 s19, s9;
	[sflag:s17] =	ssyncadd.s32 $0xFFFFE000  }
.Ltmp1:
0x20: {  	[bflag:$0x0] =	sbarrier.arrive $0xFFFF;
	(pc) =	sbr.rel @!p0 .LBB2_5-.Ltmp1, $4  }
0x21: {  	[hbm:s8], [sflag:s12] =	dma.local [spmem:s13], $0x1400  }
0x22: {  	_ =	swait.ge [sflag:s10], $0x1400  }
0x23: {  	[sflag:s10] =	ssyncset.done $0x0  }
0x24: {  	[sflag:s10] =	ssyncadd.s32 $0xFFFFEC00  }
.LBB2_1:
0x25: {  	[tilespmem:s3], [sflag:$0x9] =	stream.linear.gather [hbm4b:s6+s3], $0x5000, $0x38;
	[tilespmem:$0x1C000] =	vst v63  }
0x26: {  	_ =	swait.ge [sflag:s10], $0x5000  }
0x27: {  	[sflag:s10] =	ssyncset.done $0x0  }
0x28: {  	[sflag:s10] =	ssyncadd.s32 $0xFFFFB000  }
0x29: {  	[tilespmem:s11], [sflag:$0x9] =	stream.linear.gather [hbm4b:s7+s3], $0x5000, $0x38;
	[tilespmem:$0x1C000] =	vst v63  }
0x2a: {  	_ =	swait.ge [sflag:s10], $0x5000  }
0x2b: {  	[sflag:s10] =	ssyncset.done $0x0  }
0x2c: {  	[sflag:s10] =	ssyncadd.s32 $0xFFFFB000  }
0x2d: {  	[spmem:s13], [sflag:s12] =	dma.local [hbm:s5], $0x1400  }
0x2e: {  	_ =	swait.ge [sflag:s10], $0x1400  }
0x2f: {  	[sflag:s10] =	ssyncset.done $0x0  }
0x30: {  	[sflag:s10] =	ssyncadd.s32 $0xFFFFEC00  }
0x31: {  	[bflag:$0x0] =	sbarrier.arrive $0xFFFF  }
0x32: {  	[tilespmem:s15], [sflag:$0x1] =	stream.indirect.gather [hbm4b:s4+s14], $0x40, s3, s14, $0xb8;
	[tilespmem:$0x1C000] =	vst v63  }
0x33: {  	_ = 	snop  }
0x34: {  	[tilespmem:s16], [sflag:$0x2] =	stream.indirect.gather [hbm4b:s4+s14], $0x40, s14, s14, $0xb8;
	[tilespmem:$0x1C000] =	vst v63  }
0x35: {  	s23 =	simm.s32 $0x100  }
0x36: {  	[tilespmem:s18], [sflag:$0x3] =	stream.indirect.gather [hbm4b:s4+s14], $0x40, s23, s14, $0xb8;
	[tilespmem:$0x1C000] =	vst v63  }
0x37: {  	s28 =	simm.s32 $0x180  }
0x38: {  	[tilespmem:s20], [sflag:$0x4] =	stream.indirect.gather [hbm4b:s4+s14], $0x40, s28, s14, $0xb8;
	[tilespmem:$0x1C000] =	vst v63  }
0x39: {  	_ =	swait.ge [sflag:s21], $0x2000  }
0x3a: {  	[sflag:s21] =	ssyncset.done $0x0  }
0x3b: {  	[sflag:s21] =	ssyncadd.s32 $0xFFFFE000  }
0x3c: {  	[spmem:s2] =	stream.indirect.scatter.add.f32 [tilespmem:s15], [sflag:$0x5], $0x40, s11, s14, $0xb8;
	[tilespmem:$0x1C000] =	vst v63  }
0x3d: {  	_ =	swait.ge [sflag:s22], $0x2000  }
0x3e: {  	[sflag:s22] =	ssyncset.done $0x0  }
0x3f: {  	s30 =	simm.s32 $0x5080;
	[sflag:s22] =	ssyncadd.s32 $0xFFFFE000  }
0x40: {  	[spmem:s2] =	stream.indirect.scatter.add.f32 [tilespmem:s16], [sflag:$0x6], $0x40, s30, s14, $0xb8;
	[tilespmem:$0x1C000] =	vst v63  }
0x41: {  	_ =	swait.ge [sflag:s24], $0x2000  }
0x42: {  	[sflag:s24] =	ssyncset.done $0x0  }
0x43: {  	s25 =	simm.s32 $0x5100;
	[sflag:s24] =	ssyncadd.s32 $0xFFFFE000  }
0x44: {  	[spmem:s2] =	stream.indirect.scatter.add.f32 [tilespmem:s18], [sflag:$0x7], $0x40, s25, s14, $0xb8;
	[tilespmem:$0x1C000] =	vst v63  }
0x45: {  	_ =	swait.ge [sflag:s26], $0x2000  }
0x46: {  	[sflag:s26] =	ssyncset.done $0x0  }
0x47: {  	s28 =	simm.s32 $0x200;
	[sflag:s26] =	ssyncadd.s32 $0xFFFFE000  }
0x48: {  	[tilespmem:s15], [sflag:$0x1] =	stream.indirect.gather [hbm4b:s4+s14], $0x40, s28, s14, $0xb8;
	[tilespmem:$0x1C000] =	vst v63  }
0x49: {  	_ =	swait.ge [sflag:s29], $0x2000  }
0x4a: {  	[sflag:s29] =	ssyncset.done $0x0  }
0x4b: {  	s30 =	simm.s32 $0x5180;
	[sflag:s29] =	ssyncadd.s32 $0xFFFFE000  }
0x4c: {  	[spmem:s2] =	stream.indirect.scatter.add.f32 [tilespmem:s20], [sflag:$0x8], $0x40, s30, s14, $0xb8;
	[tilespmem:$0x1C000] =	vst v63  }
0x4d: {  	_ =	swait.ge [sflag:s31], $0x2000  }
0x4e: {  	[sflag:s31] =	ssyncset.done $0x0  }
0x4f: {  	s23 =	simm.s32 $0x0;
	[sflag:s31] =	ssyncadd.s32 $0xFFFFE000  }
0x50: {  	[tilespmem:s16], [sflag:$0x2] =	stream.indirect.gather [hbm4b:s4+s14], $0x40, s1, s14, $0xb8;
	[tilespmem:$0x1C000] =	vst v63  }
.LBB2_2:
0x51: {  	_ =	swait.ge [sflag:s21], $0x2000  }
0x52: {  	s25 =	sshra.s32 s23, $0x2;
	[sflag:s21] =	ssyncset.done $0x0  }
0x53: {  	s28 =	sadd.s32 $0x5200, s25;
	[sflag:s21] =	ssyncadd.s32 $0xFFFFE000  }
0x54: {  	[spmem:s2] =	stream.indirect.scatter.add.f32 [tilespmem:s15], [sflag:$0x5], $0x40, s28, s14, $0xb8;
	[tilespmem:$0x1C000] =	vst v63  }
0x55: {  	_ =	swait.ge [sflag:s0], $0x2000  }
0x56: {  	[sflag:s0] =	ssyncset.done $0x0  }
0x57: {  	s28 =	sadd.s32 $0x300, s25;
	[sflag:s0] =	ssyncadd.s32 $0xFFFFE000  }
0x58: {  	[tilespmem:s18], [sflag:$0x3] =	stream.indirect.gather [hbm4b:s4+s14], $0x40, s28, s14, $0xb8;
	[tilespmem:$0x1C000] =	vst v63  }
0x59: {  	_ =	swait.ge [sflag:s22], $0x2000  }
0x5a: {  	[sflag:s22] =	ssyncset.done $0x0  }
0x5b: {  	s28 =	sadd.s32 $0x5280, s25;
	[sflag:s22] =	ssyncadd.s32 $0xFFFFE000  }
0x5c: {  	[spmem:s2] =	stream.indirect.scatter.add.f32 [tilespmem:s16], [sflag:$0x6], $0x40, s28, s14, $0xb8;
	[tilespmem:$0x1C000] =	vst v63  }
0x5d: {  	_ =	swait.ge [sflag:s17], $0x2000  }
0x5e: {  	[sflag:s17] =	ssyncset.done $0x0  }
0x5f: {  	s28 =	sadd.s32 $0x380, s25;
	[sflag:s17] =	ssyncadd.s32 $0xFFFFE000  }
0x60: {  	[tilespmem:s20], [sflag:$0x4] =	stream.indirect.gather [hbm4b:s4+s14], $0x40, s28, s14, $0xb8;
	[tilespmem:$0x1C000] =	vst v63  }
0x61: {  	_ =	swait.ge [sflag:s24], $0x2000  }
0x62: {  	p0 =	seq.s32 s23, $0x13000;
	[sflag:s24] =	ssyncset.done $0x0  }
.Ltmp2:
0x63: {  	s28 =	sadd.s32 $0x5300, s25;
	[sflag:s24] =	ssyncadd.s32 $0xFFFFE000;
	(pc) =	sbr.rel @p0 .LBB2_4-.Ltmp2, $4  }
0x64: {  	[spmem:s2] =	stream.indirect.scatter.add.f32 [tilespmem:s18], [sflag:$0x7], $0x40, s28, s14, $0xb8;
	[tilespmem:$0x1C000] =	vst v63  }
0x65: {  	_ =	swait.ge [sflag:s26], $0x2000  }
0x66: {  	[sflag:s26] =	ssyncset.done $0x0  }
0x67: {  	s28 =	sadd.s32 $0x5380, s25;
	[sflag:s26] =	ssyncadd.s32 $0xFFFFE000  }
0x68: {  	s30 =	sadd.s32 $0x400, s25  }
0x69: {  	[tilespmem:s15], [sflag:$0x1] =	stream.indirect.gather [hbm4b:s4+s14], $0x40, s30, s14, $0xb8;
	[tilespmem:$0x1C000] =	vst v63  }
0x6a: {  	_ =	swait.ge [sflag:s29], $0x2000  }
0x6b: {  	[sflag:s29] =	ssyncset.done $0x0  }
0x6c: {  	[sflag:s29] =	ssyncadd.s32 $0xFFFFE000  }
0x6d: {  	[spmem:s2] =	stream.indirect.scatter.add.f32 [tilespmem:s20], [sflag:$0x8], $0x40, s28, s14, $0xb8;
	[tilespmem:$0x1C000] =	vst v63  }
.Ltmp3:
0x6e: {  	_ = 	snop;
	(pc) =	sbr.rel .LBB2_2-.Ltmp3, $4  }
0x6f: {  	_ =	swait.ge [sflag:s31], $0x2000  }
0x70: {  	[sflag:s31] =	ssyncset.done $0x0  }
0x71: {  	s23 =	sadd.s32 $0x800, s23;
	s30 =	sadd.s32 $0x480, s25;
	[sflag:s31] =	ssyncadd.s32 $0xFFFFE000  }
0x72: {  	[tilespmem:s16], [sflag:$0x2] =	stream.indirect.gather [hbm4b:s4+s14], $0x40, s30, s14, $0xb8;
	[tilespmem:$0x1C000] =	vst v63  }
.LBB2_5:
0x73: {  	_ =	sfence.sel $0x180000  }
0x74: {  	[bflag:$0x0] =	sbarrier.arrive $0xFFFF  }
0x75: {  	_ =	strace $0x9000004D  }
0x76: {  	s0 =	stileid.u32;
	[bflag:$0x2] =	sbarrier.arrive $0xFFFF  }
0x77: {  	p0 =	sne.s32 s0, $0x0;
	s0 =	rddreg [dreg:$0x2]  }
0x78: {  	s0 =	sadd.s32 @!p0 $0x100000, s0  }
0x79: {  	[sflag:s0] =	ssyncadd.tile.s32 @!p0 $0x1;
	_ =	shalt  }
.Lfunc_end2:
_tile_overlayer_lowered:
.L_overlay_start_2:
0x7a: {  	(tag) =	ssettag $0x2  }
0x7b: {  	s0 =	rddreg [dreg:$0x0];
	s2 =	stileid.u32  }
0x7c: {  	s1 =	rddreg [dreg:$0x1];
	p0 =	sne.s32 s2, $0x0  }
0x7d: {  	s3 =	rddreg [dreg:$0x2];
	[bflag:$0x3] =	sbarrier.arrive $0xFFFF;
	s2 =	simm.s32 @!p0 $0x1C09  }
0x7e: {  	[timem:s3], [sflag:s2] =	dma.local @!p0 [hbm:s0], s1  }
0x7f: {  	s0 =	simm.s32 @!p0 $0x9  }
0x80: {  	_ =	swait.ge @!p0 [sflag:s0], s1  }
0x81: {  	s1 =	ssub.s32 @!p0 $0x0, s1;
	[sflag:s0] =	ssyncset.done @!p0 $0x0  }
0x82: {  	[sflag:s0] =	ssyncadd.s32 @!p0 s1  }
0x83: {  	[bflag:$0x3] =	sbarrier.arrive $0xFFFF  }
0x84: {  	_ =	shalt  }

// kernel: kernel.8.cloned.1.call-start
scs
__scs_entry_jumppad:
0x0: {  	(pc) =	sbr.rel $0x88, $3  }
0x1: {  	(tag) =	ssettag $0x0;
	lr =	simm.s32 $0x1  }
0x2: {  	[smem:$0x3F93] =	sst lr;
	_ =	strace $0xD0000000  }
0x3: {  	_ = 	snop  }
0x4: {  	_ = 	snop  }
0x5: {  	_ = 	snop  }
0x6: {  	_ = 	snop  }
0x7: {  	_ = 	snop  }
__scs_overlays_trampoline_lowered:
0x8: {  	[smem:$0x3FA2] =	sst s0  }
0x9: {  	[smem:$0x3FA3] =	sst s1  }
0xa: {  	[smem:$0x3FA4] =	sst s2  }
0xb: {  	[smem:$0x3FA5] =	sst s3  }
0xc: {  	[smem:$0x3FA6] =	sst s4  }
0xd: {  	[smem:$0x3FA7] =	sst s5  }
0xe: {  	[smem:$0x3FA8] =	sst s6  }
0xf: {  	[smem:$0x3FA9] =	sst s7  }
0x10: {  	[smem:$0x3FAA] =	sst s8  }
0x11: {  	[smem:$0x3FAB] =	sst s9;
	s0 =	simm.s32 @!p0 $0x0  }
0x12: {  	s1 =	sld [smem:$0x3F91];
	s0 =	simm.s32 @p0 $0x1  }
0x13: {  	[smem:$0x3FAC] =	sst s0;
	s0 =	simm.s32 @!p1 $0x0  }
0x14: {  	s2 =	sld [smem:$0x3F90];
	s0 =	simm.s32 @p1 $0x1  }
0x15: {  	[smem:$0x3FAD] =	sst s0;
	s0 =	simm.s32 @!p2 $0x0  }
0x16: {  	s3 =	sld [smem:$0x3FDB];
	s0 =	simm.s32 @p2 $0x1  }
0x17: {  	s4 =	simm.s32 $0x1BF5;
	[smem:$0x3FAF] =	sst s0  }
0x18: {  	s0 =	sld [smem:$0x3F92];
	_ =	swait.ge [sflag:s4], $0x0  }
0x19: {  	s7 =	sld [smem:$0x3F93]  }
0x1a: {  	s8 =	sadd.s32 $0xFFFFE003, lr  }
0x1b: {  	s9 =	sadd.s32 $0xFFFFFEF7, lr;
	s5 =	simm.s32 $0xFFFFFFFF;
	p2 =	slt.u32 s8, $0xFFFFF086  }
0x1c: {  	p1 =	slt.u32 s9, $0xF7A;
	s5 =	simm.s32 @!p2 $0x0  }
0x1d: {  	s5 =	simm.s32 @p1 $0x1;
	p0 =	seq.s32 s7, s2  }
0x1e: {  	s7 =	smul.u32 @!p0 $0xF7A, s2;
	p2 =	seq.s32 @!p0 s5, $0x0  }
0x1f: {  	s9 =	smul.u32 $0xF7A, s1;
	s8 =	simm.s32 @!p0 $0x1BF5;
	p2 =	por !p2, p0  }
0x20: {  	[sflag:s8] =	ssyncset.s32 @!p0 $0xFFFFF086;
	s6 =	sadd.s32 @!p0 s3, s7;
	s7 =	simm.s32 @!p0 $0x108  }
0x21: {  	s3 =	sadd.s32 s3, s9;
	s6 =	sadd.s32 @!p0 $0x88, s6;
	s7 =	simm.s32 @p2 $0x1082  }
0x22: {  	[simem:s7], [sflag:s8] =	dma.local @!p0 [hbm:s6], $0xF7A  }
0x23: {  	s9 =	sor.u32 $0xD0000000, s2;
	s6 =	simm.s32 $0x108;
	_ =	swait.ge @!p0 [sflag:s8], $0x0  }
0x24: {  	s3 =	sadd.s32 $0x88, s3;
	s6 =	simm.s32 @!p1 $0x1082;
	[sflag:s4] =	ssyncset.s32 $0xFFFFF086  }
0x25: {  	[simem:s6], [sflag:s4] =	dma.local [hbm:s3], $0xF7A  }
0x26: {  	[smem:$0x3F93] =	sst s1;
	(tag) =	ssettag s2;
	_ =	strace s9  }
0x27: {  	s1 =	sld [smem:$0x3FA3]  }
0x28: {  	s2 =	sld [smem:$0x3FA4]  }
0x29: {  	s4 =	sld [smem:$0x3FA6]  }
0x2a: {  	p0 =	seq.s32 s5, $0x0;
	s5 =	sld [smem:$0x3FA7]  }
0x2b: {  	s6 =	sld [smem:$0x3FA8]  }
0x2c: {  	s7 =	sld [smem:$0x3FA9]  }
0x2d: {  	s3 =	simm.s32 $0x108;
	s8 =	sld [smem:$0x3FAA]  }
0x2e: {  	s3 =	simm.s32 @!p0 $0x1082;
	s9 =	sld [smem:$0x3FAB]  }
0x2f: {  	lr =	sadd.s32 s0, s3;
	s0 =	sld [smem:$0x3FA2]  }
0x30: {  	s3 =	sld [smem:$0x3FA5]  }
0x31: {  	[smem:$0x3FAE] =	sst s10  }
0x32: {  	s10 =	sld [smem:$0x3FAC];
	_ =	sdelay $0x3  }
0x33: {  	p0 =	seq.s32 s10, $0x1;
	s10 =	sld [smem:$0x3FAE];
	_ =	sdelay $0x3  }
0x34: {  	[smem:$0x3FAE] =	sst s10  }
0x35: {  	s10 =	sld [smem:$0x3FAD];
	_ =	sdelay $0x3  }
0x36: {  	p1 =	seq.s32 s10, $0x1;
	s10 =	sld [smem:$0x3FAE];
	_ =	sdelay $0x3  }
0x37: {  	[smem:$0x3FAE] =	sst s10  }
0x38: {  	s10 =	sld [smem:$0x3FAF]  }
0x39: {  	_ = 	snop;
	(pc) =	sbr.ind lr, $3  }
0x3a: {  	_ = 	snop  }
0x3b: {  	_ = 	snop  }
0x3c: {  	p2 =	seq.s32 s10, $0x1;
	s10 =	sld [smem:$0x3FAE]  }
0x3d: {  	_ =	shalt  }
0x3e: {  	_ =	shalt  }
0x3f: {  	_ =	shalt  }
0x40: {  	_ =	shalt  }
0x41: {  	_ =	shalt  }
0x42: {  	_ =	shalt  }
0x43: {  	_ =	shalt  }
0x44: {  	_ =	shalt  }
0x45: {  	_ =	shalt  }
0x46: {  	_ =	shalt  }
0x47: {  	_ =	shalt  }
0x48: {  	_ =	shalt  }
0x49: {  	_ =	shalt  }
0x4a: {  	_ =	shalt  }
0x4b: {  	_ =	shalt  }
0x4c: {  	_ =	shalt  }
0x4d: {  	_ =	shalt  }
0x4e: {  	_ =	shalt  }
0x4f: {  	_ =	shalt  }
0x50: {  	_ =	shalt  }
0x51: {  	_ =	shalt  }
0x52: {  	_ =	shalt  }
0x53: {  	_ =	shalt  }
0x54: {  	_ =	shalt  }
0x55: {  	_ =	shalt  }
0x56: {  	_ =	shalt  }
0x57: {  	_ =	shalt  }
0x58: {  	_ =	shalt  }
0x59: {  	_ =	shalt  }
0x5a: {  	_ =	shalt  }
0x5b: {  	_ =	shalt  }
0x5c: {  	_ =	shalt  }
0x5d: {  	_ =	shalt  }
0x5e: {  	_ =	shalt  }
0x5f: {  	_ =	shalt  }
0x60: {  	_ =	shalt  }
0x61: {  	_ =	shalt  }
0x62: {  	_ =	shalt  }
0x63: {  	_ =	shalt  }
0x64: {  	_ =	shalt  }
0x65: {  	_ =	shalt  }
0x66: {  	_ =	shalt  }
0x67: {  	_ =	shalt  }
0x68: {  	_ =	shalt  }
0x69: {  	_ =	shalt  }
0x6a: {  	_ =	shalt  }
0x6b: {  	_ =	shalt  }
0x6c: {  	_ =	shalt  }
0x6d: {  	_ =	shalt  }
0x6e: {  	_ =	shalt  }
0x6f: {  	_ =	shalt  }
0x70: {  	_ =	shalt  }
0x71: {  	_ =	shalt  }
0x72: {  	_ =	shalt  }
0x73: {  	_ =	shalt  }
0x74: {  	_ =	shalt  }
0x75: {  	_ =	shalt  }
0x76: {  	_ =	shalt  }
0x77: {  	_ =	shalt  }
0x78: {  	_ =	shalt  }
0x79: {  	_ =	shalt  }
0x7a: {  	_ =	shalt  }
0x7b: {  	_ =	shalt  }
0x7c: {  	_ =	shalt  }
0x7d: {  	_ =	shalt  }
0x7e: {  	_ =	shalt  }
0x7f: {  	_ =	shalt  }
0x80: {  	_ =	shalt  }
0x81: {  	_ =	shalt  }
0x82: {  	_ =	shalt  }
0x83: {  	_ =	shalt  }
0x84: {  	_ =	shalt  }
0x85: {  	_ =	shalt  }
0x86: {  	_ =	shalt  }
0x87: {  	_ =	shalt  }
.Lfunc_end0:
.L_simem_size_0:
called_computation_lowered:
.L_overlay_start_0:
0x88: {  	s2 =	sld [smem:$0x3FD9]  }
0x89: {  	s3 =	sld [smem:$0x3FFE];
	_ =	sdelay $0x1  }
0x8a: {  	s1 =	srdreg.scid  }
0x8b: {  	s0 =	sand.u32 $0x1, s1  }
0x8c: {  	s16 =	sshll.u32 s0, $0xA;
	s2 =	sadd.s32 s3, s2  }
0x8d: {  	s2 =	sadd.s32 s2, s16  }
0x8e: {  	[smem:$0x3FBA] =	sst s2  }
0x8f: {  	_ = 	snop  }
0x90: {  	(tm) =	ssettm $0x1  }
0x91: {  	s17 =	sld [smem:$0x3FFB];
	_ =	sdelay $0x3  }
0x92: {  	_ =	strace s17  }
0x93: {  	s2 =	sld [smem:$0x3FFC];
	_ =	sdelay $0x3  }
0x94: {  	_ =	strace s2  }
0x95: {  	s2 =	sld [smem:$0x3FFD];
	_ =	sdelay $0x3  }
0x96: {  	_ =	strace s2  }
0x97: {  	_ =	strace $0x8FFFFFFF  }
0x98: {  	s18 =	sld [smem:$0x3FDB];
	_ =	sdelay $0x1  }
0x99: {  	s19 =	simm.s32 $_scs_section_size  }
0x9a: {  	s4 =	simm.s32 $_size__tile_overlayer_lowered;
	s5 =	simm.s32 $_tile_overlayer_lowered  }
0x9b: {  	s22 =	simm.s32 $0x1BFF;
	s21 =	sshll.u32 s5, $0x1;
	s2 =	sadd.s32 s19, s18  }
0x9c: {  	s6 =	simm.s32 $0x0;
	s20 =	sshll.u32 s4, $0x1;
	s4 =	sadd.s32 s21, s2  }
0x9d: {  	[timem:s6], [sflag:s22] =	dma.local [hbm:s4], s20  }
0x9e: {  	_ =	swait.ge [sflag:s22], s20  }
0x9f: {  	s3 =	ssub.s32 $0x0, s20;
	[sflag:s22] =	ssyncset.done $0x0  }
0xa0: {  	[sflag:s22] =	ssyncadd.s32 s3;
	_ =	sdelay $0x1  }
0xa1: {  	s23 =	simm.s32 $0x1B8B  }
0xa2: {  	_ =	swait.ge [sflag:s23], $0x1  }
0xa3: {  	[sflag:s23] =	ssyncset.done $0x0  }
0xa4: {  	s25 =	simm.s32 $0x1B8E;
	s24 =	sld [smem:$0x3FFE];
	[sflag:s23] =	ssyncadd.s32 $0xFFFFFFFF  }
0xa5: {  	s26 =	simm.s32 $execute0_lowered;
	[smem:$0x3FD2] =	sst s25  }
0xa6: {  	s4 =	sshll.u32 s26, $0x1;
	_ =	strace $0x80000046;
	[dreg:$0x1] =	wrdreg $0xFFFFFFFF  }
0xa7: {  	s28 =	simm.s32 $_size_execute0_lowered;
	s2 =	sadd.s32 s2, s4;
	[dreg:$0x0] =	wrdreg $0x0  }
0xa8: {  	s4 =	sshll.u32 s28, $0x1;
	[dreg:$0x2] =	wrdreg s2  }
0xa9: {  	[dreg:$0x3] =	wrdreg s4  }
0xaa: {  	[dreg:$0x4] =	wrdreg $0xC0  }
0xab: {  	_ =	task [dreg:s6], $0x5FFFF  }
0xac: {  	[dreg:$0x1] =	wrdreg $0xFFFFFFFF  }
0xad: {  	[dreg:$0x0] =	wrdreg $0x60  }
0xae: {  	[dreg:$0x2] =	wrdreg s24  }
0xaf: {  	[dreg:$0x3] =	wrdreg $0x120000  }
0xb0: {  	[dreg:$0x4] =	wrdreg $0x9  }
0xb1: {  	_ =	task.clear_ibuf [dreg:s6], $0x5FFFF;
	_ =	strace $0x90000046  }
0xb2: {  	s29 =	simm.s32 $0x9;
	_ =	strace $0x80000048  }
0xb3: {  	_ =	swait.ge [sflag:s29], $0x1  }
0xb4: {  	[sflag:s29] =	ssyncadd.s32 $0xFFFFFFFF  }
0xb5: {  	_ =	strace $0x90000048  }
0xb6: {  	_ =	sfence  }
0xb7: {  	s30 =	sld [smem:$0x0];
	_ =	sdelay $0x2  }
0xb8: {  	s31 =	sshll.u32 s1, $0xD;
	s1 =	sshrl.u32 s1, $0x2  }
0xb9: {  	s3 =	sand.u32 $0x4000, s31;
	s1 =	sadd.s32 s1, s30  }
0xba: {  	s0 =	sor.u32 s3, s0;
	s1 =	sshll.u32 s1, $0x11  }
0xbb: {  	s0 =	sor.u32 s1, s0  }
0xbc: {  	s0 =	sadd.s32 $0x8F2B, s0  }
0xbd: {  	[sflag:s0] =	ssyncadd.remote.s32 $0x1  }
0xbe: {  	_ =	sfence.sel $0xFFFF  }
0xbf: {  	[dreg:$0x0] =	wrdreg $0xFFFFFFFF;
	(pc) =	sbr.abs _section_cstart, $3  }
0xc0: {  	[dreg:$0x1] =	wrdreg $0xFFFFFFFF  }
0xc1: {  	_ =	task.clear_ibuf [dreg:s6], $0x2FFFF;
	_ =	strace $0x9FFFFFFF  }
0xc2: {  	(tm) =	ssettm $0x7FFFFFFF  }
0xc3: {  	_ =	shalt  }
tec
execute0_lowered:
.L_overlay_start_1:
0x0: {  	(tag) =	ssettag $0x1  }
0x1: {  	s0 =	rddreg [dreg:$0x0];
	s1 =	srdreg.scid  }
0x2: {  	s14 =	stileid.u32;
	s2 =	rddreg [dreg:$0x1]  }
0x3: {  	s3 =	simm.s32 $0x0;
	s16 =	simm.s32 $0x1C000;
	s17 =	simm.s32 $0x80  }
0x4: {  	s18 =	simm.s32 $0xA000;
	s19 =	simm.s32 $0xC000;
	s28 =	simm.s32 $0x5  }
0x5: {  	s29 =	simm.s32 $0x4;
	s30 =	simm.s32 $0x6;
	s4 =	smul.u32 $0x5000, s14  }
0x6: {  	s31 =	simm.s32 $0x7;
	s1 =	sand.u32 $0x1, s1;
	s9 =	smul.u32 $0xA000, s14  }
0x7: {  	[smem:$0x7FF] =	sst s3;
	s21 =	sadd.s32 $0x47A00, s0;
	s11 =	smul.u32 $0x500, s14  }
0x8: {  	s22 =	sadd.s32 $0x48E00, s0;
	s26 =	sshll.u32 s14, $0x6;
	s5 =	smul.u32 $0x50000, s1  }
0x9: {  	_ =	strace $0x80000047;
	s7 =	smul.u32 $0xA0000, s1;
	[dreg:$0x3] =	wrdreg s21  }
0xa: {  	[dreg:$0x4] =	wrdreg s22;
	s12 =	ssub.s32 $0x2, s1;
	s14 =	sor.u32 $0x1C09, s26  }
0xb: {  	s21 =	simm.s32 $0xE000;
	p0 =	sne.s32 s1, $0x0;
	s26 =	simm.s32 $0x3  }
0xc: {  	s1 =	simm.s32 $0x8;
	s6 =	sshrl.u32 s4, $0x3;
	s23 =	sshrl.u32 s12, $0x1  }
0xd: {  	s15 =	sadd.s32 s9, s2;
	s5 =	sadd.s32 s4, s5;
	s4 =	sadd.s32 $0x2800, s0  }
0xe: {  	s10 =	sadd.s32 s6, s0;
	s7 =	sadd.s32 s9, s7;
	s24 =	ssub.s32 s12, s23  }
0xf: {  	s12 =	simm.s32 $0x9;
	s15 =	sshrl.u32 s15, $0x3;
	s23 =	simm.s32 $0x10000  }
.Ltmp0:
0x10: {  	s5 =	sshrl.u32 s5, $0x3;
	s7 =	sshrl.u32 s7, $0x3;
	(pc) =	sbr.rel .LBB2_1-.Ltmp0, $4  }
0x11: {  	s8 =	sadd.s32 s5, s0;
	s13 =	sadd.s32 s7, s0;
	s0 =	sadd.s32 s11, s0  }
0x12: {  	s11 =	smax.u32 s24, $0x1;
	s24 =	simm.s32 $0x1;
	s25 =	sadd.s32 $0x29A00, s8  }
0x13: {  	s8 =	sadd.s32 $0x3DA00, s10;
	s9 =	sadd.s32 $0x4E400, s13;
	s10 =	sadd.s32 $0x49400, s0  }
0x14: {  	v0 =	vimm.f32 $1.000000000e+00;
	s0 =	simm.s32 $0x0;
	[dreg:$0x5] =	wrdreg s25;
	s25 =	simm.s32 $0x2  }
.LBB2_4:
0x15: {  	_ =	swait.ge [sflag:s31], $0x2000  }
0x16: {  	[sflag:s31] =	ssyncset.done $0x0  }
0x17: {  	[sflag:s31] =	ssyncadd.s32 $0xFFFFE000  }
0x18: {  	_ =	swait.ge [sflag:s1], $0x2000  }
0x19: {  	[sflag:s1] =	ssyncset.done $0x0  }
0x1a: {  	[sflag:s1] =	ssyncadd.s32 $0xFFFFE000  }
0x1b: {  	[bflag:$0x0] =	sbarrier.arrive $0xFFFF  }
0x1c: {  	[hbm:s9], [sflag:s14] =	dma.local [spmem:s15], $0x1400  }
0x1d: {  	_ =	swait.ge [sflag:s12], $0x1400  }
0x1e: {  	s5 =	simm.s32 @!p0 $0x0;
	s0 =	sadd.s32 $0x1, s0;
	[sflag:s12] =	ssyncset.done $0x0  }
0x1f: {  	s6 =	simm.s32 @!p0 $0x1C000;
	p1 =	sne.s32 s0, s11;
	[sflag:s12] =	ssyncadd.s32 $0xFFFFEC00  }
0x20: {  	[hbm4b:s10+s5] =	stream.linear.scatter @!p0 [tilespmem:s6], [sflag:$0x9], $0x2800, $0x38;
	[tilespmem:$0x1E800] =	vst v63  }
.Ltmp1:
0x21: {  	_ = 	snop;
	(pc) =	sbr.rel @!p1 .LBB2_5-.Ltmp1, $4  }
0x22: {  	s5 =	simm.s32 @!p0 $0x9  }
0x23: {  	_ =	swait.ge @!p0 [sflag:s5], $0x2800  }
0x24: {  	[sflag:s5] =	ssyncset.done @!p0 $0x0  }
0x25: {  	[sflag:s5] =	ssyncadd.s32 @!p0 $0xFFFFD800  }
.LBB2_1:
0x26: {  	s5 =	rddreg [dreg:$0x5]  }
0x27: {  	[tilespmem:s3], [sflag:$0x9] =	stream.linear.gather [hbm4b:s5+s3], $0x5000, $0x38;
	[tilespmem:$0x1E800] =	vst v63  }
0x28: {  	_ =	swait.ge [sflag:s12], $0x5000  }
0x29: {  	[sflag:s12] =	ssyncset.done $0x0  }
0x2a: {  	s6 =	simm.s32 $0x5000;
	[sflag:s12] =	ssyncadd.s32 $0xFFFFB000  }
0x2b: {  	[tilespmem:s6], [sflag:$0x9] =	stream.linear.gather [hbm4b:s8+s3], $0x5000, $0x38;
	[tilespmem:$0x1E800] =	vst v63  }
0x2c: {  	_ =	swait.ge [sflag:s12], $0x5000  }
0x2d: {  	[sflag:s12] =	ssyncset.done $0x0  }
0x2e: {  	s7 =	rddreg [dreg:$0x3];
	[sflag:s12] =	ssyncadd.s32 $0xFFFFB000  }
0x2f: {  	[spmem:s15], [sflag:s14] =	dma.local [hbm:s7], $0x1400  }
0x30: {  	_ =	swait.ge [sflag:s12], $0x1400  }
0x31: {  	[sflag:s12] =	ssyncset.done $0x0  }
0x32: {  	s13 =	rddreg [dreg:$0x4];
	[sflag:s12] =	ssyncadd.s32 $0xFFFFEC00  }
0x33: {  	[tilespmem:s16], [sflag:$0x9] =	stream.linear.gather [hbm4b:s13+s3], $0x2800, $0x38;
	[tilespmem:$0x1E800] =	vst v63  }
0x34: {  	_ =	swait.ge [sflag:s12], $0x2800  }
0x35: {  	[sflag:s12] =	ssyncset.done $0x0  }
0x36: {  	[sflag:s12] =	ssyncadd.s32 $0xFFFFD800  }
0x37: {  	[bflag:$0x0] =	sbarrier.arrive $0xFFFF  }
0x38: {  	[tilespmem:s18], [sflag:$0x1] =	stream.indirect.gather [hbm4b:s4+s17], $0x40, s3, s17, $0xb8;
	[tilespmem:$0x1E800] =	vst v63  }
0x39: {  	_ = 	snop  }
0x3a: {  	[tilespmem:s19], [sflag:$0x2] =	stream.indirect.gather [hbm4b:s4+s17], $0x40, s17, s17, $0xb8;
	[tilespmem:$0x1E800] =	vst v63  }
0x3b: {  	s20 =	simm.s32 $0x100  }
0x3c: {  	[tilespmem:s21], [sflag:$0x3] =	stream.indirect.gather [hbm4b:s4+s17], $0x40, s20, s17, $0xb8;
	[tilespmem:$0x1E800] =	vst v63  }
0x3d: {  	s22 =	simm.s32 $0x180;
	s13 =	simm.s32 $0x0  }
0x3e: {  	[tilespmem:s23], [sflag:$0x4] =	stream.indirect.gather [hbm4b:s4+s17], $0x40, s22, s17, $0xb8;
	[tilespmem:$0x1E800] =	vst v63  }
.LBB2_2:
0x3f: {  	_ =	swait.ge [sflag:s24], $0x2000  }
0x40: {  	s20 =	sshra.s32 s13, $0x2;
	[sflag:s24] =	ssyncset.done $0x0  }
0x41: {  	s22 =	sadd.s32 $0x5000, s20;
	[sflag:s24] =	ssyncadd.s32 $0xFFFFE000  }
0x42: {  	[spmem:s2] =	stream.indirect.scatter.add.f32 [tilespmem:s18], [sflag:$0x5], $0x40, s22, s17, $0xb8;
	[tilespmem:$0x1E800] =	vst v63  }
0x43: {  	v1 =	vld [tilespmem:s20+$0x5000];
	_ =	sdelay $0x7  }
0x44: {  	[tilespmem:v1+s16+$0x0] =	vst.idx.add.f32.msk $0xffff, v0  }
0x45: {  	v1 =	vld [tilespmem:s20+$0x5010];
	_ =	sdelay $0x7  }
0x46: {  	[tilespmem:v1+s16+$0x0] =	vst.idx.add.f32.msk $0xffff, v0  }
0x47: {  	v1 =	vld [tilespmem:s20+$0x5020];
	_ =	sdelay $0x7  }
0x48: {  	[tilespmem:v1+s16+$0x0] =	vst.idx.add.f32.msk $0xffff, v0  }
0x49: {  	v1 =	vld [tilespmem:s20+$0x5030];
	_ =	sdelay $0x7  }
0x4a: {  	[tilespmem:v1+s16+$0x0] =	vst.idx.add.f32.msk $0xffff, v0  }
0x4b: {  	v1 =	vld [tilespmem:s20+$0x5040];
	_ =	sdelay $0x7  }
0x4c: {  	[tilespmem:v1+s16+$0x0] =	vst.idx.add.f32.msk $0xffff, v0  }
0x4d: {  	v1 =	vld [tilespmem:s20+$0x5050];
	_ =	sdelay $0x7  }
0x4e: {  	[tilespmem:v1+s16+$0x0] =	vst.idx.add.f32.msk $0xffff, v0  }
0x4f: {  	v1 =	vld [tilespmem:s20+$0x5060];
	_ =	sdelay $0x7  }
0x50: {  	[tilespmem:v1+s16+$0x0] =	vst.idx.add.f32.msk $0xffff, v0  }
0x51: {  	v1 =	vld [tilespmem:s20+$0x5070];
	_ =	sdelay $0x6  }
0x52: {  	p1 =	seq.s32 s13, $0x0  }
0x53: {  	s22 =	simm.s32 @!p1 $0x7;
	[tilespmem:v1+s16+$0x0] =	vst.idx.add.f32.msk $0xffff, v0  }
0x54: {  	_ =	swait.ge @!p1 [sflag:s22], $0x2000  }
0x55: {  	[sflag:s22] =	ssyncset.done @!p1 $0x0  }
0x56: {  	[sflag:s22] =	ssyncadd.s32 @!p1 $0xFFFFE000;
	s22 =	sshra.s32 @!p1 s13, $0x2  }
0x57: {  	s6 =	simm.s32 @!p1 $0x80;
	s7 =	simm.s32 @!p1 $0xE000;
	s5 =	sadd.s32 @!p1 $0x100, s22  }
0x58: {  	[tilespmem:s7], [sflag:$0x3] =	stream.indirect.gather @!p1 [hbm4b:s4+s6], $0x40, s5, s6, $0xb8;
	[tilespmem:$0x1E800] =	vst v63  }
0x59: {  	_ =	swait.ge [sflag:s25], $0x2000  }
0x5a: {  	[sflag:s25] =	ssyncset.done $0x0  }
0x5b: {  	s7 =	sadd.s32 $0x5080, s20;
	[sflag:s25] =	ssyncadd.s32 $0xFFFFE000  }
0x5c: {  	[spmem:s2] =	stream.indirect.scatter.add.f32 [tilespmem:s19], [sflag:$0x6], $0x40, s7, s17, $0xb8;
	[tilespmem:$0x1E800] =	vst v63  }
0x5d: {  	v1 =	vld [tilespmem:s20+$0x5080];
	_ =	sdelay $0x7  }
0x5e: {  	[tilespmem:v1+s16+$0x0] =	vst.idx.add.f32.msk $0xffff, v0  }
0x5f: {  	v1 =	vld [tilespmem:s20+$0x5090];
	_ =	sdelay $0x7  }
0x60: {  	[tilespmem:v1+s16+$0x0] =	vst.idx.add.f32.msk $0xffff, v0  }
0x61: {  	v1 =	vld [tilespmem:s20+$0x50A0];
	_ =	sdelay $0x7  }
0x62: {  	[tilespmem:v1+s16+$0x0] =	vst.idx.add.f32.msk $0xffff, v0  }
0x63: {  	v1 =	vld [tilespmem:s20+$0x50B0];
	_ =	sdelay $0x7  }
0x64: {  	[tilespmem:v1+s16+$0x0] =	vst.idx.add.f32.msk $0xffff, v0  }
0x65: {  	v1 =	vld [tilespmem:s20+$0x50C0];
	_ =	sdelay $0x7  }
0x66: {  	[tilespmem:v1+s16+$0x0] =	vst.idx.add.f32.msk $0xffff, v0  }
0x67: {  	v1 =	vld [tilespmem:s20+$0x50D0];
	_ =	sdelay $0x7  }
0x68: {  	[tilespmem:v1+s16+$0x0] =	vst.idx.add.f32.msk $0xffff, v0  }
0x69: {  	v1 =	vld [tilespmem:s20+$0x50E0];
	_ =	sdelay $0x7  }
0x6a: {  	[tilespmem:v1+s16+$0x0] =	vst.idx.add.f32.msk $0xffff, v0  }
0x6b: {  	v1 =	vld [tilespmem:s20+$0x50F0];
	_ =	sdelay $0x7  }
0x6c: {  	s5 =	simm.s32 @!p1 $0x8;
	[tilespmem:v1+s16+$0x0] =	vst.idx.add.f32.msk $0xffff, v0  }
0x6d: {  	_ =	swait.ge @!p1 [sflag:s5], $0x2000  }
0x6e: {  	[sflag:s5] =	ssyncset.done @!p1 $0x0  }
0x6f: {  	s7 =	simm.s32 @!p1 $0x10000;
	[sflag:s5] =	ssyncadd.s32 @!p1 $0xFFFFE000;
	s5 =	sadd.s32 @!p1 $0x180, s22  }
0x70: {  	[tilespmem:s7], [sflag:$0x4] =	stream.indirect.gather @!p1 [hbm4b:s4+s6], $0x40, s5, s6, $0xb8;
	[tilespmem:$0x1E800] =	vst v63  }
0x71: {  	_ =	swait.ge [sflag:s26], $0x2000  }
0x72: {  	[sflag:s26] =	ssyncset.done $0x0  }
0x73: {  	s7 =	sadd.s32 $0x5100, s20;
	[sflag:s26] =	ssyncadd.s32 $0xFFFFE000  }
0x74: {  	[spmem:s2] =	stream.indirect.scatter.add.f32 [tilespmem:s21], [sflag:$0x7], $0x40, s7, s17, $0xb8;
	[tilespmem:$0x1E800] =	vst v63  }
0x75: {  	v1 =	vld [tilespmem:s20+$0x5100];
	_ =	sdelay $0x7  }
0x76: {  	[tilespmem:v1+s16+$0x0] =	vst.idx.add.f32.msk $0xffff, v0  }
0x77: {  	v1 =	vld [tilespmem:s20+$0x5110];
	_ =	sdelay $0x7  }
0x78: {  	[tilespmem:v1+s16+$0x0] =	vst.idx.add.f32.msk $0xffff, v0  }
0x79: {  	v1 =	vld [tilespmem:s20+$0x5120];
	_ =	sdelay $0x7  }
0x7a: {  	[tilespmem:v1+s16+$0x0] =	vst.idx.add.f32.msk $0xffff, v0  }
0x7b: {  	v1 =	vld [tilespmem:s20+$0x5130];
	_ =	sdelay $0x7  }
0x7c: {  	[tilespmem:v1+s16+$0x0] =	vst.idx.add.f32.msk $0xffff, v0  }
0x7d: {  	v1 =	vld [tilespmem:s20+$0x5140];
	_ =	sdelay $0x7  }
0x7e: {  	[tilespmem:v1+s16+$0x0] =	vst.idx.add.f32.msk $0xffff, v0  }
0x7f: {  	v1 =	vld [tilespmem:s20+$0x5150];
	_ =	sdelay $0x7  }
0x80: {  	[tilespmem:v1+s16+$0x0] =	vst.idx.add.f32.msk $0xffff, v0  }
0x81: {  	v1 =	vld [tilespmem:s20+$0x5160];
	_ =	sdelay $0x7  }
0x82: {  	[tilespmem:v1+s16+$0x0] =	vst.idx.add.f32.msk $0xffff, v0  }
0x83: {  	v1 =	vld [tilespmem:s20+$0x5170];
	_ =	sdelay $0x7  }
0x84: {  	[tilespmem:v1+s16+$0x0] =	vst.idx.add.f32.msk $0xffff, v0  }
0x85: {  	p1 =	seq.s32 s13, $0x13800;
	_ =	swait.ge [sflag:s28], $0x2000  }
0x86: {  	s5 =	sshra.s32 @!p1 s13, $0x2;
	s6 =	simm.s32 @!p1 $0x80;
	[sflag:s28] =	ssyncset.done $0x0  }
0x87: {  	s5 =	sadd.s32 @!p1 $0x200, s5;
	s7 =	simm.s32 @!p1 $0xA000;
	[sflag:s28] =	ssyncadd.s32 $0xFFFFE000  }
0x88: {  	[tilespmem:s7], [sflag:$0x1] =	stream.indirect.gather @!p1 [hbm4b:s4+s6], $0x40, s5, s6, $0xb8;
	[tilespmem:$0x1E800] =	vst v63  }
0x89: {  	_ =	swait.ge [sflag:s29], $0x2000  }
0x8a: {  	[sflag:s29] =	ssyncset.done $0x0  }
0x8b: {  	s22 =	sadd.s32 $0x5180, s20;
	[sflag:s29] =	ssyncadd.s32 $0xFFFFE000  }
0x8c: {  	[spmem:s2] =	stream.indirect.scatter.add.f32 [tilespmem:s23], [sflag:$0x8], $0x40, s22, s17, $0xb8;
	[tilespmem:$0x1E800] =	vst v63  }
0x8d: {  	v1 =	vld [tilespmem:s20+$0x5180];
	_ =	sdelay $0x7  }
0x8e: {  	[tilespmem:v1+s16+$0x0] =	vst.idx.add.f32.msk $0xffff, v0  }
0x8f: {  	v1 =	vld [tilespmem:s20+$0x5190];
	_ =	sdelay $0x7  }
0x90: {  	[tilespmem:v1+s16+$0x0] =	vst.idx.add.f32.msk $0xffff, v0  }
0x91: {  	v1 =	vld [tilespmem:s20+$0x51A0];
	_ =	sdelay $0x7  }
0x92: {  	[tilespmem:v1+s16+$0x0] =	vst.idx.add.f32.msk $0xffff, v0  }
0x93: {  	v1 =	vld [tilespmem:s20+$0x51B0];
	_ =	sdelay $0x7  }
0x94: {  	[tilespmem:v1+s16+$0x0] =	vst.idx.add.f32.msk $0xffff, v0  }
0x95: {  	v1 =	vld [tilespmem:s20+$0x51C0];
	_ =	sdelay $0x7  }
0x96: {  	[tilespmem:v1+s16+$0x0] =	vst.idx.add.f32.msk $0xffff, v0  }
0x97: {  	v1 =	vld [tilespmem:s20+$0x51D0];
	_ =	sdelay $0x7  }
0x98: {  	[tilespmem:v1+s16+$0x0] =	vst.idx.add.f32.msk $0xffff, v0  }
0x99: {  	v1 =	vld [tilespmem:s20+$0x51E0];
	_ =	sdelay $0x7  }
0x9a: {  	[tilespmem:v1+s16+$0x0] =	vst.idx.add.f32.msk $0xffff, v0  }
0x9b: {  	v1 =	vld [tilespmem:s20+$0x51F0];
	_ =	sdelay $0x6  }
.Ltmp2:
0x9c: {  	_ = 	snop;
	(pc) =	sbr.rel @p1 .LBB2_4-.Ltmp2, $4  }
0x9d: {  	[tilespmem:v1+s16+$0x0] =	vst.idx.add.f32.msk $0xffff, v0  }
0x9e: {  	_ =	swait.ge [sflag:s30], $0x2000  }
0x9f: {  	[sflag:s30] =	ssyncset.done $0x0  }
0xa0: {  	[sflag:s30] =	ssyncadd.s32 $0xFFFFE000  }
.Ltmp3:
0xa1: {  	(pc) =	sbr.rel .LBB2_2-.Ltmp3, $3  }
0xa2: {  	_ =	sdelay $0x1  }
0xa3: {  	s5 =	sadd.s32 $0x280, s20;
	s13 =	sadd.s32 $0x800, s13  }
0xa4: {  	[tilespmem:s19], [sflag:$0x2] =	stream.indirect.gather [hbm4b:s4+s17], $0x40, s5, s17, $0xb8;
	[tilespmem:$0x1E800] =	vst v63  }
.LBB2_5:
0xa5: {  	_ =	sfence.sel $0x180000  }
0xa6: {  	[bflag:$0x0] =	sbarrier.arrive $0xFFFF  }
0xa7: {  	_ =	strace $0x90000047  }
0xa8: {  	s0 =	stileid.u32;
	[bflag:$0x2] =	sbarrier.arrive $0xFFFF  }
0xa9: {  	p0 =	sne.s32 s0, $0x0;
	s0 =	rddreg [dreg:$0x2]  }
0xaa: {  	s0 =	sadd.s32 @!p0 $0x100000, s0  }
0xab: {  	[sflag:s0] =	ssyncadd.tile.s32 @!p0 $0x1;
	_ =	shalt  }
.Lfunc_end2:
_tile_overlayer_lowered:
.L_overlay_start_2:
0xac: {  	(tag) =	ssettag $0x2  }
0xad: {  	s0 =	rddreg [dreg:$0x0];
	s2 =	stileid.u32  }
0xae: {  	s1 =	rddreg [dreg:$0x1];
	p0 =	sne.s32 s2, $0x0  }
0xaf: {  	s3 =	rddreg [dreg:$0x2];
	[bflag:$0x3] =	sbarrier.arrive $0xFFFF;
	s2 =	simm.s32 @!p0 $0x1C09  }
0xb0: {  	[timem:s3], [sflag:s2] =	dma.local @!p0 [hbm:s0], s1  }
0xb1: {  	s0 =	simm.s32 @!p0 $0x9  }
0xb2: {  	_ =	swait.ge @!p0 [sflag:s0], s1  }
0xb3: {  	s1 =	ssub.s32 @!p0 $0x0, s1;
	[sflag:s0] =	ssyncset.done @!p0 $0x0  }
0xb4: {  	[sflag:s0] =	ssyncadd.s32 @!p0 s1  }
0xb5: {  	[bflag:$0x3] =	sbarrier.arrive $0xFFFF  }
0xb6: {  	_ =	shalt  }

</sc_bundles>
